<compile_context>
chip_gen: v7x
topology: tpu7x:2x2x1
jax: 0.10.2.dev20260603
libtpu: 0.0.44.dev20260713+nightly
codegen_flags: <defaults>
</compile_context>

<pallas_src>
import functools

import jax
import jax.numpy as jnp
from jax import lax
from jax.experimental import pallas as pl
from jax.experimental.pallas import tpu as pltpu
from jax.experimental.pallas import tpu_sc as plsc

LC = 1024
CP = 64
NB = 64
HID = 64
AH = 32
TEMP = 4.0
NP = LC * LC // 2
GI = 16


def _split_bf16(a):
    hi = a.astype(jnp.bfloat16)
    lo = (a - hi.astype(jnp.float32)).astype(jnp.bfloat16)
    return hi, lo


def _dot_x3(w_hi, w_lo, a):
    a_hi, a_lo = _split_bf16(a)
    d = lambda x, y: jnp.dot(x, y, preferred_element_type=jnp.float32)
    return d(w_hi, a_hi) + d(w_lo, a_hi) + d(w_hi, a_lo)


def _node_body(s_ref, wu_ref, bu_ref, wv_ref, bv_ref, wb1_ref, wb2_ref, bb_ref,
               u_ref, v_ref, a_ref, b_ref):
    s = s_ref[...]
    hp = lax.Precision.HIGHEST
    u = jnp.dot(s, wu_ref[...], preferred_element_type=jnp.float32, precision=hp) + bu_ref[...]
    v = jnp.dot(s, wv_ref[...], preferred_element_type=jnp.float32, precision=hp) + bv_ref[...]
    a = jnp.dot(u, wb1_ref[...], preferred_element_type=jnp.float32, precision=hp) + bb_ref[...]
    b = jnp.dot(v, wb2_ref[...], preferred_element_type=jnp.float32, precision=hp)
    u_ref[...] = u
    v_ref[...] = v.T
    a_ref[...] = a
    b_ref[...] = b.T


def _dense_body(z_ref, d_ref, u_ref, a_ref, v_ref, b_ref,
                w1h_ref, w1l_ref, bd_ref, g_ref, be_ref, ba1_ref, wa2_ref,
                w2h_ref, w2l_ref, s_out_ref, v_out_ref):
    vt = v_ref[...]
    bt = b_ref[...]
    ucols = jnp.transpose(u_ref[...])
    acols = jnp.transpose(a_ref[...])
    scs = []
    vls = []
    for g in range(GI):
        zb = z_ref[g]
        db = d_ref[g]
        ucol = ucols[:, g:g + 1]
        acol = acols[:, g:g + 1]
        had = ucol * vt
        x1 = jnp.concatenate([had, db], axis=0)
        s1 = _dot_x3(w1h_ref[...], w1l_ref[...], x1)
        zh = zb + s1[:CP, :] + acol + bt
        dp = s1[CP:, :] + bd_ref[...]
        hp = jnp.concatenate([zh, dp], axis=0)
        mu = jnp.sum(hp, axis=0, keepdims=True) * (1.0 / (2 * CP))
        hc = hp - mu
        var = jnp.sum(hc * hc, axis=0, keepdims=True) * (1.0 / (2 * CP))
        h = hc * lax.rsqrt(var + 1e-5) * g_ref[...] + be_ref[...]
        s2 = _dot_x3(w2h_ref[...], w2l_ref[...], h)
        t = jnp.maximum(s2[:AH, :] + ba1_ref[...], 0.0)
        scs.append(jnp.sum(t * wa2_ref[...], axis=0, keepdims=True))
        vls.append(s2[AH:AH + 1, :])
    s_out_ref[...] = jnp.concatenate(scs, axis=0).reshape(GI * LC)
    v_out_ref[...] = jnp.concatenate(vls, axis=0).reshape(GI * LC)


def _block_diag(a, b):
    za = jnp.zeros_like(a)
    return jnp.concatenate(
        [jnp.concatenate([a, za], axis=1), jnp.concatenate([za, b], axis=1)],
        axis=0)


def _pool_body(s_ref, v_ref, bval_ref, w_ref, p_ref):
    s = s_ref[...]
    v = v_ref[...]
    m = jnp.max(s)
    e = jnp.exp((s - m) * (1.0 / TEMP))
    tot = jnp.sum(e)
    w = e / tot
    w_ref[...] = w
    p_ref[0, 0] = jnp.sum(w * v) + bval_ref[0, 0]


def _sc_gather(scores_flat, vals_flat, idx):
    info = plsc.get_sparse_core_info()
    nc, ns = info.num_cores, info.num_subcores
    nw = nc * ns
    bpw = NP // nw
    mesh = plsc.VectorSubcoreMesh(core_axis_name="c", subcore_axis_name="s")

    @functools.partial(
        pl.kernel, mesh=mesh,
        out_type=[jax.ShapeDtypeStruct((NP,), jnp.float32),
                  jax.ShapeDtypeStruct((NP,), jnp.float32)],
        scratch_types=[pltpu.VMEM((bpw,), jnp.int32),
                       pltpu.VMEM((bpw,), jnp.float32),
                       pltpu.VMEM((bpw,), jnp.float32),
                       pltpu.SemaphoreType.DMA,
                       pltpu.SemaphoreType.DMA],
    )
    def gather_k(s_hbm, v_hbm, idx_hbm, os_hbm, ov_hbm, idx_v, sv, vv, sem1, sem2):
        wid = lax.axis_index("s") * nc + lax.axis_index("c")
        base = wid * bpw
        pltpu.sync_copy(idx_hbm.at[pl.ds(base, bpw)], idx_v)
        c1 = pltpu.async_copy(s_hbm.at[idx_v], sv, sem1)
        c2 = pltpu.async_copy(v_hbm.at[idx_v], vv, sem2)
        c1.wait()
        c2.wait()
        pltpu.sync_copy(sv, os_hbm.at[pl.ds(base, bpw)])
        pltpu.sync_copy(vv, ov_hbm.at[pl.ds(base, bpw)])

    return gather_k(scores_flat, vals_flat, idx)


def kernel(z, s_proxy, dist_bins, pd_flat_idx, pd_pairs,
           Wu, bu, Wv, bv, Wb, bb, Wd, bd, gamma, beta,
           Wa1, ba1, Wa2, ba2, Wval, bval):
    f32 = jnp.float32
    row = lambda x: x.reshape(1, -1)
    col = lambda x: x.reshape(-1, 1)

    ut, vt, at, bt = pl.pallas_call(
        _node_body,
        out_shape=[jax.ShapeDtypeStruct((LC, HID), f32),
                   jax.ShapeDtypeStruct((HID, LC), f32),
                   jax.ShapeDtypeStruct((LC, CP), f32),
                   jax.ShapeDtypeStruct((CP, LC), f32)],
    )(s_proxy, Wu, row(bu), Wv, row(bv), Wb[:HID], Wb[HID:2 * HID], row(bb))

    nsteps = LC // GI
    full = lambda shp: pl.BlockSpec(shp, lambda i: (0,) * len(shp))
    scores, vals = pl.pallas_call(
        _dense_body,
        grid=(nsteps,),
        in_specs=[
            pl.BlockSpec((GI, CP, LC), lambda i: (i, 0, 0)),
            pl.BlockSpec((GI, NB, LC), lambda i: (i, 0, 0)),
            pl.BlockSpec((GI, HID), lambda i: (i, 0)),
            pl.BlockSpec((GI, CP), lambda i: (i, 0)),
            full((HID, LC)),
            full((CP, LC)),
            full((2 * CP, 2 * CP)),
            full((2 * CP, 2 * CP)),
            full((CP, 1)),
            full((2 * CP, 1)),
            full((2 * CP, 1)),
            full((AH, 1)),
            full((AH, 1)),
            full((AH + 1, 2 * CP)),
            full((AH + 1, 2 * CP)),
        ],
        out_specs=[pl.BlockSpec((GI * LC,), lambda i: (i,)),
                   pl.BlockSpec((GI * LC,), lambda i: (i,))],
        out_shape=[jax.ShapeDtypeStruct((LC * LC,), f32)] * 2,
        compiler_params=pltpu.CompilerParams(
            dimension_semantics=("arbitrary",)),
    )(z.transpose(0, 2, 1), dist_bins.transpose(0, 2, 1), ut, at, vt, bt,
      *_split_bf16(_block_diag(Wb[2 * HID:], Wd).T), col(bd), col(gamma),
      col(beta), col(ba1), col(Wa2),
      *_split_bf16(jnp.concatenate([Wa1, Wval[:, None]], axis=1).T))

    sc_pd, val_pd = _sc_gather(scores, vals, pd_flat_idx.astype(jnp.int32))

    w2, pooled = pl.pallas_call(
        _pool_body,
        in_specs=[pl.BlockSpec((NP // LC, LC), lambda: (0, 0)),
                  pl.BlockSpec((NP // LC, LC), lambda: (0, 0)),
                  pl.BlockSpec(memory_space=pltpu.SMEM)],
        out_specs=[pl.BlockSpec((NP // LC, LC), lambda: (0, 0)),
                   pl.BlockSpec(memory_space=pltpu.SMEM)],
        out_shape=[jax.ShapeDtypeStruct((NP // LC, LC), f32),
                   jax.ShapeDtypeStruct((1, 1), f32)],
    )(sc_pd.reshape(NP // LC, LC), val_pd.reshape(NP // LC, LC),
      bval.reshape(1, 1))

    return pooled[0, 0], w2.reshape(-1)

# --- scband reference (transcript-rebuilt; emitter-appended) ---
"""Pipeline reference for scband-boltz-affinity-head-replica-42133629174267 (READ-ONLY COPY).

The authoritative reference and input builder live on the scoring server;
editing this copy changes nothing except your own understanding.
"""

import jax, jax.numpy as jnp
import numpy as np

LC = 1024
P = 524288
C_PAIR = 64
C_SINGLE = 256
B_BINS = 64
HIDDEN = 64
ATTN_HIDDEN = 32
POOL_TEMP = 4.0


def _lin(k, fan_in, fan_out):
    s = 1.0 / np.sqrt(fan_in)
    return jax.random.uniform(k, (fan_in, fan_out), jnp.float32, -s, s)


def setup_inputs(seed: int = 0):
    key = jax.random.key(seed)
    ks = jax.random.split(key, 16)
    z = jax.random.normal(ks[0], (LC, LC, C_PAIR), dtype=jnp.float32)
    s_proxy = jax.random.normal(ks[1], (LC, C_SINGLE), dtype=jnp.float32)
    dist_bins = jax.random.uniform(ks[2], (LC, LC, B_BINS), dtype=jnp.float32)
    pd_pairs = jax.random.randint(ks[3], (P, 2), 0, LC, dtype=jnp.int32)
    pd_flat_idx = pd_pairs[:, 0] * LC + pd_pairs[:, 1]
    Wu = _lin(ks[4], C_SINGLE, HIDDEN)
    bu = jnp.zeros((HIDDEN,), jnp.float32)
    Wv = _lin(ks[5], C_SINGLE, HIDDEN)
    bv = jnp.zeros((HIDDEN,), jnp.float32)
    Wb = _lin(ks[6], 3 * HIDDEN, C_PAIR)
    bb = jnp.zeros((C_PAIR,), jnp.float32)
    Wd = _lin(ks[7], B_BINS, C_PAIR)
    bd = jnp.zeros((C_PAIR,), jnp.float32)
    gamma = jnp.ones((2 * C_PAIR,), jnp.float32)
    beta = jnp.zeros((2 * C_PAIR,), jnp.float32)
    Wa1 = _lin(ks[8], 2 * C_PAIR, ATTN_HIDDEN)
    ba1 = jnp.zeros((ATTN_HIDDEN,), jnp.float32)
    Wa2 = _lin(ks[9], ATTN_HIDDEN, 1)[:, 0]
    ba2 = jnp.zeros((), jnp.float32)
    Wval = _lin(ks[10], 2 * C_PAIR, 1)[:, 0]
    bval = jnp.zeros((), jnp.float32)
    return dict(z=z, s_proxy=s_proxy, dist_bins=dist_bins,
                pd_flat_idx=pd_flat_idx, pd_pairs=pd_pairs,
                Wu=Wu, bu=bu, Wv=Wv, bv=bv, Wb=Wb, bb=bb, Wd=Wd, bd=bd,
                gamma=gamma, beta=beta, Wa1=Wa1, ba1=ba1, Wa2=Wa2, ba2=ba2,
                Wval=Wval, bval=bval)


def reference(z, s_proxy, dist_bins, pd_flat_idx, pd_pairs,
              Wu, bu, Wv, bv, Wb, bb, Wd, bd, gamma, beta,
              Wa1, ba1, Wa2, ba2, Wval, bval):
    # proj_u / proj_v on single representation
    u = s_proxy @ Wu + bu
    v = s_proxy @ Wv + bv
    i_idx = pd_pairs[:, 0]
    j_idx = pd_pairs[:, 1]
    # sparse gather of pair representation rows (memory-bound)
    z_flat = z.reshape(-1, C_PAIR)
    z_pd = jnp.take(z_flat, pd_flat_idx, axis=0)
    u_i = jnp.take(u, i_idx, axis=0)
    v_j = jnp.take(v, j_idx, axis=0)
    hadamard = u_i * v_j
    gate_pd = jnp.concatenate([u_i, v_j, hadamard], axis=-1)
    bias_pd = gate_pd @ Wb + bb
    z_hat_pd = z_pd + bias_pd
    # dist_bins[i_idx, j_idx, :] gather
    d_flat = dist_bins.reshape(-1, B_BINS)
    d_pd = jnp.take(d_flat, i_idx.astype(jnp.int32) * LC + j_idx.astype(jnp.int32), axis=0)
    d_proj_pd = d_pd @ Wd + bd
    h_pd = jnp.concatenate([z_hat_pd, d_proj_pd], axis=-1)
    # LayerNorm over last dim
    mu = jnp.mean(h_pd, axis=-1, keepdims=True)
    var = jnp.var(h_pd, axis=-1, keepdims=True)
    h_pd = (h_pd - mu) / jnp.sqrt(var + 1e-5) * gamma + beta
    # AttnPool.forward_sparse: score MLP -> tempered softmax over edges -> weighted scalar value
    scores = jax.nn.relu(h_pd @ Wa1 + ba1) @ Wa2 + ba2
    w_pd = jax.nn.softmax(scores / POOL_TEMP)
    vals = h_pd @ Wval + bval
    pooled = jnp.sum(w_pd * vals)
    return pooled, w_pd

if __name__ == "__main__":
    import jax
    _d = setup_inputs()
    print(jax.jit(kernel)(*tuple(_d.values())))

</pallas_src>

<mosaic_0001>
#map = affine_map<(d0, d1) -> (0)>
module attributes {stable_mosaic.version = 14 : i64} {
  func.func @gather_k(%arg0: i32, %arg1: i32, %arg2: memref<1048576xf32, #tpu.memory_space<hbm>>, %arg3: memref<1048576xf32, #tpu.memory_space<hbm>>, %arg4: memref<524288xi32, #tpu.memory_space<hbm>>, %arg5: memref<524288xf32, #tpu.memory_space<hbm>>, %arg6: memref<524288xf32, #tpu.memory_space<hbm>>, %arg7: memref<16384xi32, #tpu.memory_space<vmem>>, %arg8: memref<16384xf32, #tpu.memory_space<vmem>>, %arg9: memref<16384xf32, #tpu.memory_space<vmem>>, %arg10: memref<!tpu.dma_semaphore, #tpu.memory_space<semaphore_mem>>, %arg11: memref<!tpu.dma_semaphore, #tpu.memory_space<semaphore_mem>>) attributes {dimension_semantics = [#tpu.dimension_semantics<core_parallel>, #tpu.dimension_semantics<subcore_parallel>], iteration_bounds = array<i64: 2, 16>, scalar_prefetch = 0 : i64, scratch_operands = 5 : i64, tpu.core_type = #tpu.core_type<sc_vector_subcore>, window_params = [{transform_indices = #map}, {transform_indices = #map}, {transform_indices = #map}, {transform_indices = #map}, {transform_indices = #map}]} {
    %mul3A = arith.constant 2 : i32
    %mul3A_0 = arith.muli %arg1, %mul3A : i32
    %add3A = arith.addi %mul3A_0, %arg0 : i32
    %mul3A_1 = arith.constant 16384 : i32
    %mul3A_2 = arith.muli %add3A, %mul3A_1 : i32
    "tpu.region"() ({
      %run_scoped3A = tpu.sem_alloc : memref<!tpu.dma_semaphore, #tpu.memory_space<semaphore_mem>>
      %dma_start3A_9 = tpu.memref_slice %arg4[%mul3A_2] : memref<524288xi32, #tpu.memory_space<hbm>> -> memref<16384xi32, #tpu.memory_space<hbm>>
      %dma_start3A_10 = tpu.memref_slice %arg4[%mul3A_2] : memref<524288xi32, #tpu.memory_space<hbm>> -> memref<16384xi32, #tpu.memory_space<hbm>>
      tpu.enqueue_dma source(%dma_start3A_10 : memref<16384xi32, #tpu.memory_space<hbm>>) target(%arg7 : memref<16384xi32, #tpu.memory_space<vmem>>) target_semaphore(%run_scoped3A : memref<!tpu.dma_semaphore, #tpu.memory_space<semaphore_mem>>)
      %dma_wait3A_11 = tpu.memref_slice %arg4[%mul3A_2] : memref<524288xi32, #tpu.memory_space<hbm>> -> memref<16384xi32, #tpu.memory_space<hbm>>
      %dma_wait3A_12 = tpu.memref_slice %arg4[%mul3A_2] : memref<524288xi32, #tpu.memory_space<hbm>> -> memref<16384xi32, #tpu.memory_space<hbm>>
      tpu.wait_dma2 semaphore(%run_scoped3A : memref<!tpu.dma_semaphore, #tpu.memory_space<semaphore_mem>>) src(%dma_wait3A_12 : memref<16384xi32, #tpu.memory_space<hbm>>) dst(%arg7 : memref<16384xi32, #tpu.memory_space<vmem>>)
      tpu.yield
    }) : () -> ()
    %dma_start3A = arith.constant 0 : i32
    %dma_start3A_3 = tpu.memref_slice %arg2[%dma_start3A] : memref<1048576xf32, #tpu.memory_space<hbm>> -> memref<1048576xf32, #tpu.memory_space<hbm>>
    tpu.enqueue_indirect_dma source(%dma_start3A_3 : memref<1048576xf32, #tpu.memory_space<hbm>>) target(%arg8 : memref<16384xf32, #tpu.memory_space<vmem>>) offsets(%arg7 : memref<16384xi32, #tpu.memory_space<vmem>>) semaphore(%arg10 : memref<!tpu.dma_semaphore, #tpu.memory_space<semaphore_mem>>)
    %dma_start3A_4 = arith.constant 0 : i32
    %dma_start3A_5 = tpu.memref_slice %arg3[%dma_start3A_4] : memref<1048576xf32, #tpu.memory_space<hbm>> -> memref<1048576xf32, #tpu.memory_space<hbm>>
    tpu.enqueue_indirect_dma source(%dma_start3A_5 : memref<1048576xf32, #tpu.memory_space<hbm>>) target(%arg9 : memref<16384xf32, #tpu.memory_space<vmem>>) offsets(%arg7 : memref<16384xi32, #tpu.memory_space<vmem>>) semaphore(%arg11 : memref<!tpu.dma_semaphore, #tpu.memory_space<semaphore_mem>>)
    %dma_wait3A = arith.constant 0 : i32
    %dma_wait3A_6 = tpu.memref_slice %arg2[%dma_wait3A] : memref<1048576xf32, #tpu.memory_space<hbm>> -> memref<1048576xf32, #tpu.memory_space<hbm>>
    tpu.wait_indirect_dma semaphore(%arg10 : memref<!tpu.dma_semaphore, #tpu.memory_space<semaphore_mem>>) src(%dma_wait3A_6 : memref<1048576xf32, #tpu.memory_space<hbm>>) dst(%arg8 : memref<16384xf32, #tpu.memory_space<vmem>>)
    %dma_wait3A_7 = arith.constant 0 : i32
    %dma_wait3A_8 = tpu.memref_slice %arg3[%dma_wait3A_7] : memref<1048576xf32, #tpu.memory_space<hbm>> -> memref<1048576xf32, #tpu.memory_space<hbm>>
    tpu.wait_indirect_dma semaphore(%arg11 : memref<!tpu.dma_semaphore, #tpu.memory_space<semaphore_mem>>) src(%dma_wait3A_8 : memref<1048576xf32, #tpu.memory_space<hbm>>) dst(%arg9 : memref<16384xf32, #tpu.memory_space<vmem>>)
    "tpu.region"() ({
      %run_scoped3A = tpu.sem_alloc : memref<!tpu.dma_semaphore, #tpu.memory_space<semaphore_mem>>
      %dma_start3A_9 = tpu.memref_slice %arg5[%mul3A_2] : memref<524288xf32, #tpu.memory_space<hbm>> -> memref<16384xf32, #tpu.memory_space<hbm>>
      %dma_start3A_10 = tpu.memref_slice %arg5[%mul3A_2] : memref<524288xf32, #tpu.memory_space<hbm>> -> memref<16384xf32, #tpu.memory_space<hbm>>
      tpu.enqueue_dma source(%arg8 : memref<16384xf32, #tpu.memory_space<vmem>>) target(%dma_start3A_10 : memref<16384xf32, #tpu.memory_space<hbm>>) target_semaphore(%run_scoped3A : memref<!tpu.dma_semaphore, #tpu.memory_space<semaphore_mem>>)
      %dma_wait3A_11 = tpu.memref_slice %arg5[%mul3A_2] : memref<524288xf32, #tpu.memory_space<hbm>> -> memref<16384xf32, #tpu.memory_space<hbm>>
      %dma_wait3A_12 = tpu.memref_slice %arg5[%mul3A_2] : memref<524288xf32, #tpu.memory_space<hbm>> -> memref<16384xf32, #tpu.memory_space<hbm>>
      tpu.wait_dma2 semaphore(%run_scoped3A : memref<!tpu.dma_semaphore, #tpu.memory_space<semaphore_mem>>) src(%arg8 : memref<16384xf32, #tpu.memory_space<vmem>>) dst(%dma_wait3A_12 : memref<16384xf32, #tpu.memory_space<hbm>>)
      tpu.yield
    }) : () -> ()
    "tpu.region"() ({
      %run_scoped3A = tpu.sem_alloc : memref<!tpu.dma_semaphore, #tpu.memory_space<semaphore_mem>>
      %dma_start3A_9 = tpu.memref_slice %arg6[%mul3A_2] : memref<524288xf32, #tpu.memory_space<hbm>> -> memref<16384xf32, #tpu.memory_space<hbm>>
      %dma_start3A_10 = tpu.memref_slice %arg6[%mul3A_2] : memref<524288xf32, #tpu.memory_space<hbm>> -> memref<16384xf32, #tpu.memory_space<hbm>>
      tpu.enqueue_dma source(%arg9 : memref<16384xf32, #tpu.memory_space<vmem>>) target(%dma_start3A_10 : memref<16384xf32, #tpu.memory_space<hbm>>) target_semaphore(%run_scoped3A : memref<!tpu.dma_semaphore, #tpu.memory_space<semaphore_mem>>)
      %dma_wait3A_11 = tpu.memref_slice %arg6[%mul3A_2] : memref<524288xf32, #tpu.memory_space<hbm>> -> memref<16384xf32, #tpu.memory_space<hbm>>
      %dma_wait3A_12 = tpu.memref_slice %arg6[%mul3A_2] : memref<524288xf32, #tpu.memory_space<hbm>> -> memref<16384xf32, #tpu.memory_space<hbm>>
      tpu.wait_dma2 semaphore(%run_scoped3A : memref<!tpu.dma_semaphore, #tpu.memory_space<semaphore_mem>>) src(%arg9 : memref<16384xf32, #tpu.memory_space<vmem>>) dst(%dma_wait3A_12 : memref<16384xf32, #tpu.memory_space<hbm>>)
      tpu.yield
    }) : () -> ()
    return
  }
}

module attributes {stable_mosaic.version = 14 : i64} {
  func.func @_node_body(%arg0: memref<1024x256xf32, #tpu.memory_space<vmem>>, %arg1: memref<256x64xf32, #tpu.memory_space<vmem>>, %arg2: memref<1x64xf32, #tpu.memory_space<vmem>>, %arg3: memref<256x64xf32, #tpu.memory_space<vmem>>, %arg4: memref<1x64xf32, #tpu.memory_space<vmem>>, %arg5: memref<64x64xf32, #tpu.memory_space<vmem>>, %arg6: memref<64x64xf32, #tpu.memory_space<vmem>>, %arg7: memref<1x64xf32, #tpu.memory_space<vmem>>, %arg8: memref<1024x64xf32, #tpu.memory_space<vmem>>, %arg9: memref<64x1024xf32, #tpu.memory_space<vmem>>, %arg10: memref<1024x64xf32, #tpu.memory_space<vmem>>, %arg11: memref<64x1024xf32, #tpu.memory_space<vmem>>) attributes {dimension_semantics = [], scalar_prefetch = 0 : i64, scratch_operands = 0 : i64, tpu.core_type = #tpu.core_type<tc>} {
    %get3A = arith.constant 0 : index
    %get3A_0 = arith.constant 0 : index
    %get3A_1 = vector.load %arg0[%get3A, %get3A_0] : memref<1024x256xf32, #tpu.memory_space<vmem>>, vector<1024x256xf32>
    %get3A_2 = arith.constant 0 : index
    %get3A_3 = arith.constant 0 : index
    %get3A_4 = vector.load %arg1[%get3A_2, %get3A_3] : memref<256x64xf32, #tpu.memory_space<vmem>>, vector<256x64xf32>
    %dot_general3A = arith.constant dense<0.000000e+00> : vector<1024x64xf32>
    %dot_general3A_5 = tpu.matmul %get3A_1, %get3A_4, %dot_general3A {dimension_numbers = #tpu.dot_dimension_numbers<[1], [0], [0], [1], [0, 0, 1, 1], [], []>, precision = #tpu.contract_precision<fp32>, transpose_lhs_hint = false} : vector<1024x256xf32>, vector<256x64xf32>, vector<1024x64xf32> -> vector<1024x64xf32>
    %get3A_6 = arith.constant 0 : index
    %get3A_7 = arith.constant 0 : index
    %get3A_8 = vector.load %arg2[%get3A_6, %get3A_7] : memref<1x64xf32, #tpu.memory_space<vmem>>, vector<1x64xf32>
    %add3A = vector.broadcast %get3A_8 : vector<1x64xf32> to vector<1024x64xf32>
    %add3A_9 = arith.addf %dot_general3A_5, %add3A : vector<1024x64xf32>
    %get3A_10 = arith.constant 0 : index
    %get3A_11 = arith.constant 0 : index
    %get3A_12 = vector.load %arg3[%get3A_10, %get3A_11] : memref<256x64xf32, #tpu.memory_space<vmem>>, vector<256x64xf32>
    %dot_general3A_13 = arith.constant dense<0.000000e+00> : vector<1024x64xf32>
    %dot_general3A_14 = tpu.matmul %get3A_1, %get3A_12, %dot_general3A_13 {dimension_numbers = #tpu.dot_dimension_numbers<[1], [0], [0], [1], [0, 0, 1, 1], [], []>, precision = #tpu.contract_precision<fp32>, transpose_lhs_hint = false} : vector<1024x256xf32>, vector<256x64xf32>, vector<1024x64xf32> -> vector<1024x64xf32>
    %get3A_15 = arith.constant 0 : index
    %get3A_16 = arith.constant 0 : index
    %get3A_17 = vector.load %arg4[%get3A_15, %get3A_16] : memref<1x64xf32, #tpu.memory_space<vmem>>, vector<1x64xf32>
    %add3A_18 = vector.broadcast %get3A_17 : vector<1x64xf32> to vector<1024x64xf32>
    %add3A_19 = arith.addf %dot_general3A_14, %add3A_18 : vector<1024x64xf32>
    %get3A_20 = arith.constant 0 : index
    %get3A_21 = arith.constant 0 : index
    %get3A_22 = vector.load %arg5[%get3A_20, %get3A_21] : memref<64x64xf32, #tpu.memory_space<vmem>>, vector<64x64xf32>
    %dot_general3A_23 = arith.constant dense<0.000000e+00> : vector<1024x64xf32>
    %dot_general3A_24 = tpu.matmul %add3A_9, %get3A_22, %dot_general3A_23 {dimension_numbers = #tpu.dot_dimension_numbers<[1], [0], [0], [1], [0, 0, 1, 1], [], []>, precision = #tpu.contract_precision<fp32>, transpose_lhs_hint = false} : vector<1024x64xf32>, vector<64x64xf32>, vector<1024x64xf32> -> vector<1024x64xf32>
    %get3A_25 = arith.constant 0 : index
    %get3A_26 = arith.constant 0 : index
    %get3A_27 = vector.load %arg7[%get3A_25, %get3A_26] : memref<1x64xf32, #tpu.memory_space<vmem>>, vector<1x64xf32>
    %add3A_28 = vector.broadcast %get3A_27 : vector<1x64xf32> to vector<1024x64xf32>
    %add3A_29 = arith.addf %dot_general3A_24, %add3A_28 : vector<1024x64xf32>
    %get3A_30 = arith.constant 0 : index
    %get3A_31 = arith.constant 0 : index
    %get3A_32 = vector.load %arg6[%get3A_30, %get3A_31] : memref<64x64xf32, #tpu.memory_space<vmem>>, vector<64x64xf32>
    %dot_general3A_33 = arith.constant dense<0.000000e+00> : vector<1024x64xf32>
    %dot_general3A_34 = tpu.matmul %add3A_19, %get3A_32, %dot_general3A_33 {dimension_numbers = #tpu.dot_dimension_numbers<[1], [0], [0], [1], [0, 0, 1, 1], [], []>, precision = #tpu.contract_precision<fp32>, transpose_lhs_hint = false} : vector<1024x64xf32>, vector<64x64xf32>, vector<1024x64xf32> -> vector<1024x64xf32>
    %swap3A = arith.constant 0 : index
    %swap3A_35 = arith.constant 0 : index
    %swap3A_36 = vector.load %arg8[%swap3A, %swap3A_35] : memref<1024x64xf32, #tpu.memory_space<vmem>>, vector<1024x64xf32>
    tpu.vector_store %arg8[%swap3A, %swap3A_35], %add3A_9 {strides = array<i32>} : memref<1024x64xf32, #tpu.memory_space<vmem>>, vector<1024x64xf32>,
    %transpose3A = tpu.transpose %add3A_19, [1, 0] : vector<1024x64xf32> -> vector<64x1024xf32>
    %swap3A_37 = arith.constant 0 : index
    %swap3A_38 = arith.constant 0 : index
    %swap3A_39 = vector.load %arg9[%swap3A_37, %swap3A_38] : memref<64x1024xf32, #tpu.memory_space<vmem>>, vector<64x1024xf32>
    tpu.vector_store %arg9[%swap3A_37, %swap3A_38], %transpose3A {strides = array<i32>} : memref<64x1024xf32, #tpu.memory_space<vmem>>, vector<64x1024xf32>,
    %swap3A_40 = arith.constant 0 : index
    %swap3A_41 = arith.constant 0 : index
    %swap3A_42 = vector.load %arg10[%swap3A_40, %swap3A_41] : memref<1024x64xf32, #tpu.memory_space<vmem>>, vector<1024x64xf32>
    tpu.vector_store %arg10[%swap3A_40, %swap3A_41], %add3A_29 {strides = array<i32>} : memref<1024x64xf32, #tpu.memory_space<vmem>>, vector<1024x64xf32>,
    %transpose3A_43 = tpu.transpose %dot_general3A_34, [1, 0] : vector<1024x64xf32> -> vector<64x1024xf32>
    %swap3A_44 = arith.constant 0 : index
    %swap3A_45 = arith.constant 0 : index
    %swap3A_46 = vector.load %arg11[%swap3A_44, %swap3A_45] : memref<64x1024xf32, #tpu.memory_space<vmem>>, vector<64x1024xf32>
    tpu.vector_store %arg11[%swap3A_44, %swap3A_45], %transpose3A_43 {strides = array<i32>} : memref<64x1024xf32, #tpu.memory_space<vmem>>, vector<64x1024xf32>,
    return
  }
}

module attributes {stable_mosaic.version = 14 : i64} {
  func.func @_dense_body(%arg0: i32, %arg1: memref<16x64x1024xf32, #tpu.memory_space<vmem>>, %arg2: memref<16x64x1024xf32, #tpu.memory_space<vmem>>, %arg3: memref<16x64xf32, #tpu.memory_space<vmem>>, %arg4: memref<16x64xf32, #tpu.memory_space<vmem>>, %arg5: memref<64x1024xf32, #tpu.memory_space<vmem>>, %arg6: memref<64x1024xf32, #tpu.memory_space<vmem>>, %arg7: memref<128x128xbf16, #tpu.memory_space<vmem>>, %arg8: memref<128x128xbf16, #tpu.memory_space<vmem>>, %arg9: memref<64x1xf32, #tpu.memory_space<vmem>>, %arg10: memref<128x1xf32, #tpu.memory_space<vmem>>, %arg11: memref<128x1xf32, #tpu.memory_space<vmem>>, %arg12: memref<32x1xf32, #tpu.memory_space<vmem>>, %arg13: memref<32x1xf32, #tpu.memory_space<vmem>>, %arg14: memref<33x128xbf16, #tpu.memory_space<vmem>>, %arg15: memref<33x128xbf16, #tpu.memory_space<vmem>>, %arg16: memref<16384xf32, #tpu.memory_space<vmem>>, %arg17: memref<16384xf32, #tpu.memory_space<vmem>>) attributes {dimension_semantics = [#tpu.dimension_semantics<arbitrary>], iteration_bounds = array<i64: 64>, scalar_prefetch = 0 : i64, scratch_operands = 0 : i64, tpu.core_type = #tpu.core_type<tc>, window_params = [{transform_indices = @transform_0, window_bounds = array<i64: 16, 64, 1024>}, {transform_indices = @transform_1, window_bounds = array<i64: 16, 64, 1024>}, {transform_indices = @transform_2, window_bounds = array<i64: 16, 64>}, {transform_indices = @transform_3, window_bounds = array<i64: 16, 64>}, {pipeline_mode = #tpu.pipeline_mode<synchronous>, transform_indices = @transform_4, window_bounds = array<i64: 64, 1024>}, {pipeline_mode = #tpu.pipeline_mode<synchronous>, transform_indices = @transform_5, window_bounds = array<i64: 64, 1024>}, {pipeline_mode = #tpu.pipeline_mode<synchronous>, transform_indices = @transform_6, window_bounds = array<i64: 128, 128>}, {pipeline_mode = #tpu.pipeline_mode<synchronous>, transform_indices = @transform_7, window_bounds = array<i64: 128, 128>}, {pipeline_mode = #tpu.pipeline_mode<synchronous>, transform_indices = @transform_8, window_bounds = array<i64: 64, 1>}, {pipeline_mode = #tpu.pipeline_mode<synchronous>, transform_indices = @transform_9, window_bounds = array<i64: 128, 1>}, {pipeline_mode = #tpu.pipeline_mode<synchronous>, transform_indices = @transform_10, window_bounds = array<i64: 128, 1>}, {pipeline_mode = #tpu.pipeline_mode<synchronous>, transform_indices = @transform_11, window_bounds = array<i64: 32, 1>}, {pipeline_mode = #tpu.pipeline_mode<synchronous>, transform_indices = @transform_12, window_bounds = array<i64: 32, 1>}, {pipeline_mode = #tpu.pipeline_mode<synchronous>, transform_indices = @transform_13, window_bounds = array<i64: 33, 128>}, {pipeline_mode = #tpu.pipeline_mode<synchronous>, transform_indices = @transform_14, window_bounds = array<i64: 33, 128>}, {transform_indices = @transform_15, window_bounds = array<i64: 16384>}, {transform_indices = @transform_16, window_bounds = array<i64: 16384>}]} {
    %get3A = arith.constant 0 : index
    %get3A_0 = arith.constant 0 : index
    %get3A_1 = vector.load %arg5[%get3A, %get3A_0] : memref<64x1024xf32, #tpu.memory_space<vmem>>, vector<64x1024xf32>
    %get3A_2 = arith.constant 0 : index
    %get3A_3 = arith.constant 0 : index
    %get3A_4 = vector.load %arg6[%get3A_2, %get3A_3] : memref<64x1024xf32, #tpu.memory_space<vmem>>, vector<64x1024xf32>
    %get3A_5 = arith.constant 0 : index
    %get3A_6 = arith.constant 0 : index
    %get3A_7 = vector.load %arg3[%get3A_5, %get3A_6] : memref<16x64xf32, #tpu.memory_space<vmem>>, vector<16x64xf32>
    %transpose3A = tpu.transpose %get3A_7, [1, 0] : vector<16x64xf32> -> vector<64x16xf32>
    %get3A_8 = arith.constant 0 : index
    %get3A_9 = arith.constant 0 : index
    %get3A_10 = vector.load %arg4[%get3A_8, %get3A_9] : memref<16x64xf32, #tpu.memory_space<vmem>>, vector<16x64xf32>
    %transpose3A_11 = tpu.transpose %get3A_10, [1, 0] : vector<16x64xf32> -> vector<64x16xf32>
    %get3A_12 = arith.constant 0 : index
    %get3A_13 = arith.constant 0 : index
    %get3A_14 = arith.constant 0 : index
    %get3A_15 = vector.load %arg1[%get3A_12, %get3A_13, %get3A_14] : memref<16x64x1024xf32, #tpu.memory_space<vmem>>, vector<1x64x1024xf32>
    %get3A_16 = vector.shape_cast %get3A_15 : vector<1x64x1024xf32> to vector<64x1024xf32>
    %get3A_17 = arith.constant 0 : index
    %get3A_18 = arith.constant 0 : index
    %get3A_19 = arith.constant 0 : index
    %get3A_20 = vector.load %arg2[%get3A_17, %get3A_18, %get3A_19] : memref<16x64x1024xf32, #tpu.memory_space<vmem>>, vector<1x64x1024xf32>
    %get3A_21 = vector.shape_cast %get3A_20 : vector<1x64x1024xf32> to vector<64x1024xf32>
    %slice3A = vector.extract_strided_slice %transpose3A {offsets = [0, 0], sizes = [64, 1], strides = [1, 1]} : vector<64x16xf32> to vector<64x1xf32>
    %slice3A_22 = vector.extract_strided_slice %transpose3A_11 {offsets = [0, 0], sizes = [64, 1], strides = [1, 1]} : vector<64x16xf32> to vector<64x1xf32>
    %mul3A = vector.broadcast %slice3A : vector<64x1xf32> to vector<64x1024xf32>
    %mul3A_23 = arith.mulf %mul3A, %get3A_1 : vector<64x1024xf32>
    %concatenate3A = tpu.concatenate %mul3A_23, %get3A_21 in 0 : vector<64x1024xf32>, vector<64x1024xf32> -> vector<128x1024xf32>
    %get3A_24 = arith.constant 0 : index
    %get3A_25 = arith.constant 0 : index
    %get3A_26 = vector.load %arg7[%get3A_24, %get3A_25] : memref<128x128xbf16, #tpu.memory_space<vmem>>, vector<128x128xbf16>
    %get3A_27 = arith.constant 0 : index
    %get3A_28 = arith.constant 0 : index
    %get3A_29 = vector.load %arg8[%get3A_27, %get3A_28] : memref<128x128xbf16, #tpu.memory_space<vmem>>, vector<128x128xbf16>
    %convert_element_type3A = arith.truncf %concatenate3A : vector<128x1024xf32> to vector<128x1024xbf16>
    %convert_element_type3A_30 = arith.extf %convert_element_type3A : vector<128x1024xbf16> to vector<128x1024xf32>
    %sub3A = arith.subf %concatenate3A, %convert_element_type3A_30 : vector<128x1024xf32>
    %convert_element_type3A_31 = arith.truncf %sub3A : vector<128x1024xf32> to vector<128x1024xbf16>
    %dot_general3A = arith.constant dense<0.000000e+00> : vector<128x1024xf32>
    %dot_general3A_32 = tpu.matmul %get3A_26, %convert_element_type3A, %dot_general3A {dimension_numbers = #tpu.dot_dimension_numbers<[1], [0], [0], [1], [0, 0, 1, 1], [], []>, transpose_lhs_hint = false} : vector<128x128xbf16>, vector<128x1024xbf16>, vector<128x1024xf32> -> vector<128x1024xf32>
    %dot_general3A_33 = arith.constant dense<0.000000e+00> : vector<128x1024xf32>
    %dot_general3A_34 = tpu.matmul %get3A_29, %convert_element_type3A, %dot_general3A_33 {dimension_numbers = #tpu.dot_dimension_numbers<[1], [0], [0], [1], [0, 0, 1, 1], [], []>, transpose_lhs_hint = false} : vector<128x128xbf16>, vector<128x1024xbf16>, vector<128x1024xf32> -> vector<128x1024xf32>
    %add3A = arith.addf %dot_general3A_32, %dot_general3A_34 : vector<128x1024xf32>
    %dot_general3A_35 = arith.constant dense<0.000000e+00> : vector<128x1024xf32>
    %dot_general3A_36 = tpu.matmul %get3A_26, %convert_element_type3A_31, %dot_general3A_35 {dimension_numbers = #tpu.dot_dimension_numbers<[1], [0], [0], [1], [0, 0, 1, 1], [], []>, transpose_lhs_hint = false} : vector<128x128xbf16>, vector<128x1024xbf16>, vector<128x1024xf32> -> vector<128x1024xf32>
    %add3A_37 = arith.addf %add3A, %dot_general3A_36 : vector<128x1024xf32>
    %slice3A_38 = vector.extract_strided_slice %add3A_37 {offsets = [0, 0], sizes = [64, 1024], strides = [1, 1]} : vector<128x1024xf32> to vector<64x1024xf32>
    %add3A_39 = arith.addf %get3A_16, %slice3A_38 : vector<64x1024xf32>
    %add3A_40 = vector.broadcast %slice3A_22 : vector<64x1xf32> to vector<64x1024xf32>
    %add3A_41 = arith.addf %add3A_39, %add3A_40 : vector<64x1024xf32>
    %add3A_42 = arith.addf %add3A_41, %get3A_4 : vector<64x1024xf32>
    %slice3A_43 = vector.extract_strided_slice %add3A_37 {offsets = [64, 0], sizes = [64, 1024], strides = [1, 1]} : vector<128x1024xf32> to vector<64x1024xf32>
    %get3A_44 = arith.constant 0 : index
    %get3A_45 = arith.constant 0 : index
    %get3A_46 = vector.load %arg9[%get3A_44, %get3A_45] : memref<64x1xf32, #tpu.memory_space<vmem>>, vector<64x1xf32>
    %add3A_47 = vector.broadcast %get3A_46 : vector<64x1xf32> to vector<64x1024xf32>
    %add3A_48 = arith.addf %slice3A_43, %add3A_47 : vector<64x1024xf32>
    %concatenate3A_49 = tpu.concatenate %add3A_42, %add3A_48 in 0 : vector<64x1024xf32>, vector<64x1024xf32> -> vector<128x1024xf32>
    %reduce_sum3A = arith.constant dense<0.000000e+00> : vector<1024xf32>
    %reduce_sum3A_50 = vector.multi_reduction <add>, %concatenate3A_49, %reduce_sum3A [0] : vector<128x1024xf32> to vector<1024xf32>
    %broadcast_in_dim3A = vector.shape_cast %reduce_sum3A_50 : vector<1024xf32> to vector<1x1024xf32>
    %mul3A_51 = arith.constant 7.812500e-03 : f32
    %mul3A_52 = vector.broadcast %mul3A_51 : f32 to vector<1x1024xf32>
    %mul3A_53 = arith.mulf %broadcast_in_dim3A, %mul3A_52 : vector<1x1024xf32>
    %sub3A_54 = vector.broadcast %mul3A_53 : vector<1x1024xf32> to vector<128x1024xf32>
    %sub3A_55 = arith.subf %concatenate3A_49, %sub3A_54 : vector<128x1024xf32>
    %mul3A_56 = arith.mulf %sub3A_55, %sub3A_55 : vector<128x1024xf32>
    %reduce_sum3A_57 = arith.constant dense<0.000000e+00> : vector<1024xf32>
    %reduce_sum3A_58 = vector.multi_reduction <add>, %mul3A_56, %reduce_sum3A_57 [0] : vector<128x1024xf32> to vector<1024xf32>
    %broadcast_in_dim3A_59 = vector.shape_cast %reduce_sum3A_58 : vector<1024xf32> to vector<1x1024xf32>
    %mul3A_60 = arith.constant 7.812500e-03 : f32
    %mul3A_61 = vector.broadcast %mul3A_60 : f32 to vector<1x1024xf32>
    %mul3A_62 = arith.mulf %broadcast_in_dim3A_59, %mul3A_61 : vector<1x1024xf32>
    %add3A_63 = arith.constant 9.99999974E-6 : f32
    %add3A_64 = vector.broadcast %add3A_63 : f32 to vector<1x1024xf32>
    %add3A_65 = arith.addf %mul3A_62, %add3A_64 : vector<1x1024xf32>
    %rsqrt3A = math.rsqrt %add3A_65 : vector<1x1024xf32>
    %mul3A_66 = vector.broadcast %rsqrt3A : vector<1x1024xf32> to vector<128x1024xf32>
    %mul3A_67 = arith.mulf %sub3A_55, %mul3A_66 : vector<128x1024xf32>
    %get3A_68 = arith.constant 0 : index
    %get3A_69 = arith.constant 0 : index
    %get3A_70 = vector.load %arg10[%get3A_68, %get3A_69] : memref<128x1xf32, #tpu.memory_space<vmem>>, vector<128x1xf32>
    %mul3A_71 = vector.broadcast %get3A_70 : vector<128x1xf32> to vector<128x1024xf32>
    %mul3A_72 = arith.mulf %mul3A_67, %mul3A_71 : vector<128x1024xf32>
    %get3A_73 = arith.constant 0 : index
    %get3A_74 = arith.constant 0 : index
    %get3A_75 = vector.load %arg11[%get3A_73, %get3A_74] : memref<128x1xf32, #tpu.memory_space<vmem>>, vector<128x1xf32>
    %add3A_76 = vector.broadcast %get3A_75 : vector<128x1xf32> to vector<128x1024xf32>
    %add3A_77 = arith.addf %mul3A_72, %add3A_76 : vector<128x1024xf32>
    %get3A_78 = arith.constant 0 : index
    %get3A_79 = arith.constant 0 : index
    %get3A_80 = vector.load %arg14[%get3A_78, %get3A_79] : memref<33x128xbf16, #tpu.memory_space<vmem>>, vector<33x128xbf16>
    %get3A_81 = arith.constant 0 : index
    %get3A_82 = arith.constant 0 : index
    %get3A_83 = vector.load %arg15[%get3A_81, %get3A_82] : memref<33x128xbf16, #tpu.memory_space<vmem>>, vector<33x128xbf16>
    %convert_element_type3A_84 = arith.truncf %add3A_77 : vector<128x1024xf32> to vector<128x1024xbf16>
    %convert_element_type3A_85 = arith.extf %convert_element_type3A_84 : vector<128x1024xbf16> to vector<128x1024xf32>
    %sub3A_86 = arith.subf %add3A_77, %convert_element_type3A_85 : vector<128x1024xf32>
    %convert_element_type3A_87 = arith.truncf %sub3A_86 : vector<128x1024xf32> to vector<128x1024xbf16>
    %dot_general3A_88 = arith.constant dense<0.000000e+00> : vector<33x1024xf32>
    %dot_general3A_89 = tpu.matmul %get3A_80, %convert_element_type3A_84, %dot_general3A_88 {dimension_numbers = #tpu.dot_dimension_numbers<[1], [0], [0], [1], [0, 0, 1, 1], [], []>, transpose_lhs_hint = false} : vector<33x128xbf16>, vector<128x1024xbf16>, vector<33x1024xf32> -> vector<33x1024xf32>
    %dot_general3A_90 = arith.constant dense<0.000000e+00> : vector<33x1024xf32>
    %dot_general3A_91 = tpu.matmul %get3A_83, %convert_element_type3A_84, %dot_general3A_90 {dimension_numbers = #tpu.dot_dimension_numbers<[1], [0], [0], [1], [0, 0, 1, 1], [], []>, transpose_lhs_hint = false} : vector<33x128xbf16>, vector<128x1024xbf16>, vector<33x1024xf32> -> vector<33x1024xf32>
    %add3A_92 = arith.addf %dot_general3A_89, %dot_general3A_91 : vector<33x1024xf32>
    %dot_general3A_93 = arith.constant dense<0.000000e+00> : vector<33x1024xf32>
    %dot_general3A_94 = tpu.matmul %get3A_80, %convert_element_type3A_87, %dot_general3A_93 {dimension_numbers = #tpu.dot_dimension_numbers<[1], [0], [0], [1], [0, 0, 1, 1], [], []>, transpose_lhs_hint = false} : vector<33x128xbf16>, vector<128x1024xbf16>, vector<33x1024xf32> -> vector<33x1024xf32>
    %add3A_95 = arith.addf %add3A_92, %dot_general3A_94 : vector<33x1024xf32>
    %slice3A_96 = vector.extract_strided_slice %add3A_95 {offsets = [0, 0], sizes = [32, 1024], strides = [1, 1]} : vector<33x1024xf32> to vector<32x1024xf32>
    %get3A_97 = arith.constant 0 : index
    %get3A_98 = arith.constant 0 : index
    %get3A_99 = vector.load %arg12[%get3A_97, %get3A_98] : memref<32x1xf32, #tpu.memory_space<vmem>>, vector<32x1xf32>
    %add3A_100 = vector.broadcast %get3A_99 : vector<32x1xf32> to vector<32x1024xf32>
    %add3A_101 = arith.addf %slice3A_96, %add3A_100 : vector<32x1024xf32>
    %max3A = arith.constant 0.000000e+00 : f32
    %max3A_102 = vector.broadcast %max3A : f32 to vector<32x1024xf32>
    %max3A_103 = arith.maximumf %add3A_101, %max3A_102 : vector<32x1024xf32>
    %get3A_104 = arith.constant 0 : index
    %get3A_105 = arith.constant 0 : index
    %get3A_106 = vector.load %arg13[%get3A_104, %get3A_105] : memref<32x1xf32, #tpu.memory_space<vmem>>, vector<32x1xf32>
    %mul3A_107 = vector.broadcast %get3A_106 : vector<32x1xf32> to vector<32x1024xf32>
    %mul3A_108 = arith.mulf %max3A_103, %mul3A_107 : vector<32x1024xf32>
    %reduce_sum3A_109 = arith.constant dense<0.000000e+00> : vector<1024xf32>
    %reduce_sum3A_110 = vector.multi_reduction <add>, %mul3A_108, %reduce_sum3A_109 [0] : vector<32x1024xf32> to vector<1024xf32>
    %broadcast_in_dim3A_111 = vector.shape_cast %reduce_sum3A_110 : vector<1024xf32> to vector<1x1024xf32>
    %slice3A_112 = vector.extract_strided_slice %add3A_95 {offsets = [32, 0], sizes = [1, 1024], strides = [1, 1]} : vector<33x1024xf32> to vector<1x1024xf32>
    %get3A_113 = arith.constant 1 : index
    %get3A_114 = arith.constant 0 : index
    %get3A_115 = arith.constant 0 : index
    %get3A_116 = vector.load %arg1[%get3A_113, %get3A_114, %get3A_115] : memref<16x64x1024xf32, #tpu.memory_space<vmem>>, vector<1x64x1024xf32>
    %get3A_117 = vector.shape_cast %get3A_116 : vector<1x64x1024xf32> to vector<64x1024xf32>
    %get3A_118 = arith.constant 1 : index
    %get3A_119 = arith.constant 0 : index
    %get3A_120 = arith.constant 0 : index
    %get3A_121 = vector.load %arg2[%get3A_118, %get3A_119, %get3A_120] : memref<16x64x1024xf32, #tpu.memory_space<vmem>>, vector<1x64x1024xf32>
    %get3A_122 = vector.shape_cast %get3A_121 : vector<1x64x1024xf32> to vector<64x1024xf32>
    %slice3A_123 = vector.extract_strided_slice %transpose3A {offsets = [0, 1], sizes = [64, 1], strides = [1, 1]} : vector<64x16xf32> to vector<64x1xf32>
    %slice3A_124 = vector.extract_strided_slice %transpose3A_11 {offsets = [0, 1], sizes = [64, 1], strides = [1, 1]} : vector<64x16xf32> to vector<64x1xf32>
    %mul3A_125 = vector.broadcast %slice3A_123 : vector<64x1xf32> to vector<64x1024xf32>
    %mul3A_126 = arith.mulf %mul3A_125, %get3A_1 : vector<64x1024xf32>
    %concatenate3A_127 = tpu.concatenate %mul3A_126, %get3A_122 in 0 : vector<64x1024xf32>, vector<64x1024xf32> -> vector<128x1024xf32>
    %get3A_128 = arith.constant 0 : index
    %get3A_129 = arith.constant 0 : index
    %get3A_130 = vector.load %arg7[%get3A_128, %get3A_129] : memref<128x128xbf16, #tpu.memory_space<vmem>>, vector<128x128xbf16>
    %get3A_131 = arith.constant 0 : index
    %get3A_132 = arith.constant 0 : index
    %get3A_133 = vector.load %arg8[%get3A_131, %get3A_132] : memref<128x128xbf16, #tpu.memory_space<vmem>>, vector<128x128xbf16>
    %convert_element_type3A_134 = arith.truncf %concatenate3A_127 : vector<128x1024xf32> to vector<128x1024xbf16>
    %convert_element_type3A_135 = arith.extf %convert_element_type3A_134 : vector<128x1024xbf16> to vector<128x1024xf32>
    %sub3A_136 = arith.subf %concatenate3A_127, %convert_element_type3A_135 : vector<128x1024xf32>
    %convert_element_type3A_137 = arith.truncf %sub3A_136 : vector<128x1024xf32> to vector<128x1024xbf16>
    %dot_general3A_138 = arith.constant dense<0.000000e+00> : vector<128x1024xf32>
    %dot_general3A_139 = tpu.matmul %get3A_130, %convert_element_type3A_134, %dot_general3A_138 {dimension_numbers = #tpu.dot_dimension_numbers<[1], [0], [0], [1], [0, 0, 1, 1], [], []>, transpose_lhs_hint = false} : vector<128x128xbf16>, vector<128x1024xbf16>, vector<128x1024xf32> -> vector<128x1024xf32>
    %dot_general3A_140 = arith.constant dense<0.000000e+00> : vector<128x1024xf32>
    %dot_general3A_141 = tpu.matmul %get3A_133, %convert_element_type3A_134, %dot_general3A_140 {dimension_numbers = #tpu.dot_dimension_numbers<[1], [0], [0], [1], [0, 0, 1, 1], [], []>, transpose_lhs_hint = false} : vector<128x128xbf16>, vector<128x1024xbf16>, vector<128x1024xf32> -> vector<128x1024xf32>
    %add3A_142 = arith.addf %dot_general3A_139, %dot_general3A_141 : vector<128x1024xf32>
    %dot_general3A_143 = arith.constant dense<0.000000e+00> : vector<128x1024xf32>
    %dot_general3A_144 = tpu.matmul %get3A_130, %convert_element_type3A_137, %dot_general3A_143 {dimension_numbers = #tpu.dot_dimension_numbers<[1], [0], [0], [1], [0, 0, 1, 1], [], []>, transpose_lhs_hint = false} : vector<128x128xbf16>, vector<128x1024xbf16>, vector<128x1024xf32> -> vector<128x1024xf32>
    %add3A_145 = arith.addf %add3A_142, %dot_general3A_144 : vector<128x1024xf32>
    %slice3A_146 = vector.extract_strided_slice %add3A_145 {offsets = [0, 0], sizes = [64, 1024], strides = [1, 1]} : vector<128x1024xf32> to vector<64x1024xf32>
    %add3A_147 = arith.addf %get3A_117, %slice3A_146 : vector<64x1024xf32>
    %add3A_148 = vector.broadcast %slice3A_124 : vector<64x1xf32> to vector<64x1024xf32>
    %add3A_149 = arith.addf %add3A_147, %add3A_148 : vector<64x1024xf32>
    %add3A_150 = arith.addf %add3A_149, %get3A_4 : vector<64x1024xf32>
    %slice3A_151 = vector.extract_strided_slice %add3A_145 {offsets = [64, 0], sizes = [64, 1024], strides = [1, 1]} : vector<128x1024xf32> to vector<64x1024xf32>
    %get3A_152 = arith.constant 0 : index
    %get3A_153 = arith.constant 0 : index
    %get3A_154 = vector.load %arg9[%get3A_152, %get3A_153] : memref<64x1xf32, #tpu.memory_space<vmem>>, vector<64x1xf32>
    %add3A_155 = vector.broadcast %get3A_154 : vector<64x1xf32> to vector<64x1024xf32>
    %add3A_156 = arith.addf %slice3A_151, %add3A_155 : vector<64x1024xf32>
    %concatenate3A_157 = tpu.concatenate %add3A_150, %add3A_156 in 0 : vector<64x1024xf32>, vector<64x1024xf32> -> vector<128x1024xf32>
    %reduce_sum3A_158 = arith.constant dense<0.000000e+00> : vector<1024xf32>
    %reduce_sum3A_159 = vector.multi_reduction <add>, %concatenate3A_157, %reduce_sum3A_158 [0] : vector<128x1024xf32> to vector<1024xf32>
    %broadcast_in_dim3A_160 = vector.shape_cast %reduce_sum3A_159 : vector<1024xf32> to vector<1x1024xf32>
    %mul3A_161 = arith.constant 7.812500e-03 : f32
    %mul3A_162 = vector.broadcast %mul3A_161 : f32 to vector<1x1024xf32>
    %mul3A_163 = arith.mulf %broadcast_in_dim3A_160, %mul3A_162 : vector<1x1024xf32>
    %sub3A_164 = vector.broadcast %mul3A_163 : vector<1x1024xf32> to vector<128x1024xf32>
    %sub3A_165 = arith.subf %concatenate3A_157, %sub3A_164 : vector<128x1024xf32>
    %mul3A_166 = arith.mulf %sub3A_165, %sub3A_165 : vector<128x1024xf32>
    %reduce_sum3A_167 = arith.constant dense<0.000000e+00> : vector<1024xf32>
    %reduce_sum3A_168 = vector.multi_reduction <add>, %mul3A_166, %reduce_sum3A_167 [0] : vector<128x1024xf32> to vector<1024xf32>
    %broadcast_in_dim3A_169 = vector.shape_cast %reduce_sum3A_168 : vector<1024xf32> to vector<1x1024xf32>
    %mul3A_170 = arith.constant 7.812500e-03 : f32
    %mul3A_171 = vector.broadcast %mul3A_170 : f32 to vector<1x1024xf32>
    %mul3A_172 = arith.mulf %broadcast_in_dim3A_169, %mul3A_171 : vector<1x1024xf32>
    %add3A_173 = arith.constant 9.99999974E-6 : f32
    %add3A_174 = vector.broadcast %add3A_173 : f32 to vector<1x1024xf32>
    %add3A_175 = arith.addf %mul3A_172, %add3A_174 : vector<1x1024xf32>
    %rsqrt3A_176 = math.rsqrt %add3A_175 : vector<1x1024xf32>
    %mul3A_177 = vector.broadcast %rsqrt3A_176 : vector<1x1024xf32> to vector<128x1024xf32>
    %mul3A_178 = arith.mulf %sub3A_165, %mul3A_177 : vector<128x1024xf32>
    %get3A_179 = arith.constant 0 : index
    %get3A_180 = arith.constant 0 : index
    %get3A_181 = vector.load %arg10[%get3A_179, %get3A_180] : memref<128x1xf32, #tpu.memory_space<vmem>>, vector<128x1xf32>
    %mul3A_182 = vector.broadcast %get3A_181 : vector<128x1xf32> to vector<128x1024xf32>
    %mul3A_183 = arith.mulf %mul3A_178, %mul3A_182 : vector<128x1024xf32>
    %get3A_184 = arith.constant 0 : index
    %get3A_185 = arith.constant 0 : index
    %get3A_186 = vector.load %arg11[%get3A_184, %get3A_185] : memref<128x1xf32, #tpu.memory_space<vmem>>, vector<128x1xf32>
    %add3A_187 = vector.broadcast %get3A_186 : vector<128x1xf32> to vector<128x1024xf32>
    %add3A_188 = arith.addf %mul3A_183, %add3A_187 : vector<128x1024xf32>
    %get3A_189 = arith.constant 0 : index
    %get3A_190 = arith.constant 0 : index
    %get3A_191 = vector.load %arg14[%get3A_189, %get3A_190] : memref<33x128xbf16, #tpu.memory_space<vmem>>, vector<33x128xbf16>
    %get3A_192 = arith.constant 0 : index
    %get3A_193 = arith.constant 0 : index
    %get3A_194 = vector.load %arg15[%get3A_192, %get3A_193] : memref<33x128xbf16, #tpu.memory_space<vmem>>, vector<33x128xbf16>
    %convert_element_type3A_195 = arith.truncf %add3A_188 : vector<128x1024xf32> to vector<128x1024xbf16>
    %convert_element_type3A_196 = arith.extf %convert_element_type3A_195 : vector<128x1024xbf16> to vector<128x1024xf32>
    %sub3A_197 = arith.subf %add3A_188, %convert_element_type3A_196 : vector<128x1024xf32>
    %convert_element_type3A_198 = arith.truncf %sub3A_197 : vector<128x1024xf32> to vector<128x1024xbf16>
    %dot_general3A_199 = arith.constant dense<0.000000e+00> : vector<33x1024xf32>
    %dot_general3A_200 = tpu.matmul %get3A_191, %convert_element_type3A_195, %dot_general3A_199 {dimension_numbers = #tpu.dot_dimension_numbers<[1], [0], [0], [1], [0, 0, 1, 1], [], []>, transpose_lhs_hint = false} : vector<33x128xbf16>, vector<128x1024xbf16>, vector<33x1024xf32> -> vector<33x1024xf32>
    %dot_general3A_201 = arith.constant dense<0.000000e+00> : vector<33x1024xf32>
    %dot_general3A_202 = tpu.matmul %get3A_194, %convert_element_type3A_195, %dot_general3A_201 {dimension_numbers = #tpu.dot_dimension_numbers<[1], [0], [0], [1], [0, 0, 1, 1], [], []>, transpose_lhs_hint = false} : vector<33x128xbf16>, vector<128x1024xbf16>, vector<33x1024xf32> -> vector<33x1024xf32>
    %add3A_203 = arith.addf %dot_general3A_200, %dot_general3A_202 : vector<33x1024xf32>
    %dot_general3A_204 = arith.constant dense<0.000000e+00> : vector<33x1024xf32>
    %dot_general3A_205 = tpu.matmul %get3A_191, %convert_element_type3A_198, %dot_general3A_204 {dimension_numbers = #tpu.dot_dimension_numbers<[1], [0], [0], [1], [0, 0, 1, 1], [], []>, transpose_lhs_hint = false} : vector<33x128xbf16>, vector<128x1024xbf16>, vector<33x1024xf32> -> vector<33x1024xf32>
    %add3A_206 = arith.addf %add3A_203, %dot_general3A_205 : vector<33x1024xf32>
    %slice3A_207 = vector.extract_strided_slice %add3A_206 {offsets = [0, 0], sizes = [32, 1024], strides = [1, 1]} : vector<33x1024xf32> to vector<32x1024xf32>
    %get3A_208 = arith.constant 0 : index
    %get3A_209 = arith.constant 0 : index
    %get3A_210 = vector.load %arg12[%get3A_208, %get3A_209] : memref<32x1xf32, #tpu.memory_space<vmem>>, vector<32x1xf32>
    %add3A_211 = vector.broadcast %get3A_210 : vector<32x1xf32> to vector<32x1024xf32>
    %add3A_212 = arith.addf %slice3A_207, %add3A_211 : vector<32x1024xf32>
    %max3A_213 = arith.constant 0.000000e+00 : f32
    %max3A_214 = vector.broadcast %max3A_213 : f32 to vector<32x1024xf32>
    %max3A_215 = arith.maximumf %add3A_212, %max3A_214 : vector<32x1024xf32>
    %get3A_216 = arith.constant 0 : index
    %get3A_217 = arith.constant 0 : index
    %get3A_218 = vector.load %arg13[%get3A_216, %get3A_217] : memref<32x1xf32, #tpu.memory_space<vmem>>, vector<32x1xf32>
    %mul3A_219 = vector.broadcast %get3A_218 : vector<32x1xf32> to vector<32x1024xf32>
    %mul3A_220 = arith.mulf %max3A_215, %mul3A_219 : vector<32x1024xf32>
    %reduce_sum3A_221 = arith.constant dense<0.000000e+00> : vector<1024xf32>
    %reduce_sum3A_222 = vector.multi_reduction <add>, %mul3A_220, %reduce_sum3A_221 [0] : vector<32x1024xf32> to vector<1024xf32>
    %broadcast_in_dim3A_223 = vector.shape_cast %reduce_sum3A_222 : vector<1024xf32> to vector<1x1024xf32>
    %slice3A_224 = vector.extract_strided_slice %add3A_206 {offsets = [32, 0], sizes = [1, 1024], strides = [1, 1]} : vector<33x1024xf32> to vector<1x1024xf32>
    %get3A_225 = arith.constant 2 : index
    %get3A_226 = arith.constant 0 : index
    %get3A_227 = arith.constant 0 : index
    %get3A_228 = vector.load %arg1[%get3A_225, %get3A_226, %get3A_227] : memref<16x64x1024xf32, #tpu.memory_space<vmem>>, vector<1x64x1024xf32>
    %get3A_229 = vector.shape_cast %get3A_228 : vector<1x64x1024xf32> to vector<64x1024xf32>
    %get3A_230 = arith.constant 2 : index
    %get3A_231 = arith.constant 0 : index
    %get3A_232 = arith.constant 0 : index
    %get3A_233 = vector.load %arg2[%get3A_230, %get3A_231, %get3A_232] : memref<16x64x1024xf32, #tpu.memory_space<vmem>>, vector<1x64x1024xf32>
    %get3A_234 = vector.shape_cast %get3A_233 : vector<1x64x1024xf32> to vector<64x1024xf32>
    %slice3A_235 = vector.extract_strided_slice %transpose3A {offsets = [0, 2], sizes = [64, 1], strides = [1, 1]} : vector<64x16xf32> to vector<64x1xf32>
    %slice3A_236 = vector.extract_strided_slice %transpose3A_11 {offsets = [0, 2], sizes = [64, 1], strides = [1, 1]} : vector<64x16xf32> to vector<64x1xf32>
    %mul3A_237 = vector.broadcast %slice3A_235 : vector<64x1xf32> to vector<64x1024xf32>
    %mul3A_238 = arith.mulf %mul3A_237, %get3A_1 : vector<64x1024xf32>
    %concatenate3A_239 = tpu.concatenate %mul3A_238, %get3A_234 in 0 : vector<64x1024xf32>, vector<64x1024xf32> -> vector<128x1024xf32>
    %get3A_240 = arith.constant 0 : index
    %get3A_241 = arith.constant 0 : index
    %get3A_242 = vector.load %arg7[%get3A_240, %get3A_241] : memref<128x128xbf16, #tpu.memory_space<vmem>>, vector<128x128xbf16>
    %get3A_243 = arith.constant 0 : index
    %get3A_244 = arith.constant 0 : index
    %get3A_245 = vector.load %arg8[%get3A_243, %get3A_244] : memref<128x128xbf16, #tpu.memory_space<vmem>>, vector<128x128xbf16>
    %convert_element_type3A_246 = arith.truncf %concatenate3A_239 : vector<128x1024xf32> to vector<128x1024xbf16>
    %convert_element_type3A_247 = arith.extf %convert_element_type3A_246 : vector<128x1024xbf16> to vector<128x1024xf32>
    %sub3A_248 = arith.subf %concatenate3A_239, %convert_element_type3A_247 : vector<128x1024xf32>
    %convert_element_type3A_249 = arith.truncf %sub3A_248 : vector<128x1024xf32> to vector<128x1024xbf16>
    %dot_general3A_250 = arith.constant dense<0.000000e+00> : vector<128x1024xf32>
    %dot_general3A_251 = tpu.matmul %get3A_242, %convert_element_type3A_246, %dot_general3A_250 {dimension_numbers = #tpu.dot_dimension_numbers<[1], [0], [0], [1], [0, 0, 1, 1], [], []>, transpose_lhs_hint = false} : vector<128x128xbf16>, vector<128x1024xbf16>, vector<128x1024xf32> -> vector<128x1024xf32>
    %dot_general3A_252 = arith.constant dense<0.000000e+00> : vector<128x1024xf32>
    %dot_general3A_253 = tpu.matmul %get3A_245, %convert_element_type3A_246, %dot_general3A_252 {dimension_numbers = #tpu.dot_dimension_numbers<[1], [0], [0], [1], [0, 0, 1, 1], [], []>, transpose_lhs_hint = false} : vector<128x128xbf16>, vector<128x1024xbf16>, vector<128x1024xf32> -> vector<128x1024xf32>
    %add3A_254 = arith.addf %dot_general3A_251, %dot_general3A_253 : vector<128x1024xf32>
    %dot_general3A_255 = arith.constant dense<0.000000e+00> : vector<128x1024xf32>
    %dot_general3A_256 = tpu.matmul %get3A_242, %convert_element_type3A_249, %dot_general3A_255 {dimension_numbers = #tpu.dot_dimension_numbers<[1], [0], [0], [1], [0, 0, 1, 1], [], []>, transpose_lhs_hint = false} : vector<128x128xbf16>, vector<128x1024xbf16>, vector<128x1024xf32> -> vector<128x1024xf32>
    %add3A_257 = arith.addf %add3A_254, %dot_general3A_256 : vector<128x1024xf32>
    %slice3A_258 = vector.extract_strided_slice %add3A_257 {offsets = [0, 0], sizes = [64, 1024], strides = [1, 1]} : vector<128x1024xf32> to vector<64x1024xf32>
    %add3A_259 = arith.addf %get3A_229, %slice3A_258 : vector<64x1024xf32>
    %add3A_260 = vector.broadcast %slice3A_236 : vector<64x1xf32> to vector<64x1024xf32>
    %add3A_261 = arith.addf %add3A_259, %add3A_260 : vector<64x1024xf32>
    %add3A_262 = arith.addf %add3A_261, %get3A_4 : vector<64x1024xf32>
    %slice3A_263 = vector.extract_strided_slice %add3A_257 {offsets = [64, 0], sizes = [64, 1024], strides = [1, 1]} : vector<128x1024xf32> to vector<64x1024xf32>
    %get3A_264 = arith.constant 0 : index
    %get3A_265 = arith.constant 0 : index
    %get3A_266 = vector.load %arg9[%get3A_264, %get3A_265] : memref<64x1xf32, #tpu.memory_space<vmem>>, vector<64x1xf32>
    %add3A_267 = vector.broadcast %get3A_266 : vector<64x1xf32> to vector<64x1024xf32>
    %add3A_268 = arith.addf %slice3A_263, %add3A_267 : vector<64x1024xf32>
    %concatenate3A_269 = tpu.concatenate %add3A_262, %add3A_268 in 0 : vector<64x1024xf32>, vector<64x1024xf32> -> vector<128x1024xf32>
    %reduce_sum3A_270 = arith.constant dense<0.000000e+00> : vector<1024xf32>
    %reduce_sum3A_271 = vector.multi_reduction <add>, %concatenate3A_269, %reduce_sum3A_270 [0] : vector<128x1024xf32> to vector<1024xf32>
    %broadcast_in_dim3A_272 = vector.shape_cast %reduce_sum3A_271 : vector<1024xf32> to vector<1x1024xf32>
    %mul3A_273 = arith.constant 7.812500e-03 : f32
    %mul3A_274 = vector.broadcast %mul3A_273 : f32 to vector<1x1024xf32>
    %mul3A_275 = arith.mulf %broadcast_in_dim3A_272, %mul3A_274 : vector<1x1024xf32>
    %sub3A_276 = vector.broadcast %mul3A_275 : vector<1x1024xf32> to vector<128x1024xf32>
    %sub3A_277 = arith.subf %concatenate3A_269, %sub3A_276 : vector<128x1024xf32>
    %mul3A_278 = arith.mulf %sub3A_277, %sub3A_277 : vector<128x1024xf32>
    %reduce_sum3A_279 = arith.constant dense<0.000000e+00> : vector<1024xf32>
    %reduce_sum3A_280 = vector.multi_reduction <add>, %mul3A_278, %reduce_sum3A_279 [0] : vector<128x1024xf32> to vector<1024xf32>
    %broadcast_in_dim3A_281 = vector.shape_cast %reduce_sum3A_280 : vector<1024xf32> to vector<1x1024xf32>
    %mul3A_282 = arith.constant 7.812500e-03 : f32
    %mul3A_283 = vector.broadcast %mul3A_282 : f32 to vector<1x1024xf32>
    %mul3A_284 = arith.mulf %broadcast_in_dim3A_281, %mul3A_283 : vector<1x1024xf32>
    %add3A_285 = arith.constant 9.99999974E-6 : f32
    %add3A_286 = vector.broadcast %add3A_285 : f32 to vector<1x1024xf32>
    %add3A_287 = arith.addf %mul3A_284, %add3A_286 : vector<1x1024xf32>
    %rsqrt3A_288 = math.rsqrt %add3A_287 : vector<1x1024xf32>
    %mul3A_289 = vector.broadcast %rsqrt3A_288 : vector<1x1024xf32> to vector<128x1024xf32>
    %mul3A_290 = arith.mulf %sub3A_277, %mul3A_289 : vector<128x1024xf32>
    %get3A_291 = arith.constant 0 : index
    %get3A_292 = arith.constant 0 : index
    %get3A_293 = vector.load %arg10[%get3A_291, %get3A_292] : memref<128x1xf32, #tpu.memory_space<vmem>>, vector<128x1xf32>
    %mul3A_294 = vector.broadcast %get3A_293 : vector<128x1xf32> to vector<128x1024xf32>
    %mul3A_295 = arith.mulf %mul3A_290, %mul3A_294 : vector<128x1024xf32>
    %get3A_296 = arith.constant 0 : index
    %get3A_297 = arith.constant 0 : index
    %get3A_298 = vector.load %arg11[%get3A_296, %get3A_297] : memref<128x1xf32, #tpu.memory_space<vmem>>, vector<128x1xf32>
    %add3A_299 = vector.broadcast %get3A_298 : vector<128x1xf32> to vector<128x1024xf32>
    %add3A_300 = arith.addf %mul3A_295, %add3A_299 : vector<128x1024xf32>
    %get3A_301 = arith.constant 0 : index
    %get3A_302 = arith.constant 0 : index
    %get3A_303 = vector.load %arg14[%get3A_301, %get3A_302] : memref<33x128xbf16, #tpu.memory_space<vmem>>, vector<33x128xbf16>
    %get3A_304 = arith.constant 0 : index
    %get3A_305 = arith.constant 0 : index
    %get3A_306 = vector.load %arg15[%get3A_304, %get3A_305] : memref<33x128xbf16, #tpu.memory_space<vmem>>, vector<33x128xbf16>
    %convert_element_type3A_307 = arith.truncf %add3A_300 : vector<128x1024xf32> to vector<128x1024xbf16>
    %convert_element_type3A_308 = arith.extf %convert_element_type3A_307 : vector<128x1024xbf16> to vector<128x1024xf32>
    %sub3A_309 = arith.subf %add3A_300, %convert_element_type3A_308 : vector<128x1024xf32>
    %convert_element_type3A_310 = arith.truncf %sub3A_309 : vector<128x1024xf32> to vector<128x1024xbf16>
    %dot_general3A_311 = arith.constant dense<0.000000e+00> : vector<33x1024xf32>
    %dot_general3A_312 = tpu.matmul %get3A_303, %convert_element_type3A_307, %dot_general3A_311 {dimension_numbers = #tpu.dot_dimension_numbers<[1], [0], [0], [1], [0, 0, 1, 1], [], []>, transpose_lhs_hint = false} : vector<33x128xbf16>, vector<128x1024xbf16>, vector<33x1024xf32> -> vector<33x1024xf32>
    %dot_general3A_313 = arith.constant dense<0.000000e+00> : vector<33x1024xf32>
    %dot_general3A_314 = tpu.matmul %get3A_306, %convert_element_type3A_307, %dot_general3A_313 {dimension_numbers = #tpu.dot_dimension_numbers<[1], [0], [0], [1], [0, 0, 1, 1], [], []>, transpose_lhs_hint = false} : vector<33x128xbf16>, vector<128x1024xbf16>, vector<33x1024xf32> -> vector<33x1024xf32>
    %add3A_315 = arith.addf %dot_general3A_312, %dot_general3A_314 : vector<33x1024xf32>
    %dot_general3A_316 = arith.constant dense<0.000000e+00> : vector<33x1024xf32>
    %dot_general3A_317 = tpu.matmul %get3A_303, %convert_element_type3A_310, %dot_general3A_316 {dimension_numbers = #tpu.dot_dimension_numbers<[1], [0], [0], [1], [0, 0, 1, 1], [], []>, transpose_lhs_hint = false} : vector<33x128xbf16>, vector<128x1024xbf16>, vector<33x1024xf32> -> vector<33x1024xf32>
    %add3A_318 = arith.addf %add3A_315, %dot_general3A_317 : vector<33x1024xf32>
    %slice3A_319 = vector.extract_strided_slice %add3A_318 {offsets = [0, 0], sizes = [32, 1024], strides = [1, 1]} : vector<33x1024xf32> to vector<32x1024xf32>
    %get3A_320 = arith.constant 0 : index
    %get3A_321 = arith.constant 0 : index
    %get3A_322 = vector.load %arg12[%get3A_320, %get3A_321] : memref<32x1xf32, #tpu.memory_space<vmem>>, vector<32x1xf32>
    %add3A_323 = vector.broadcast %get3A_322 : vector<32x1xf32> to vector<32x1024xf32>
    %add3A_324 = arith.addf %slice3A_319, %add3A_323 : vector<32x1024xf32>
    %max3A_325 = arith.constant 0.000000e+00 : f32
    %max3A_326 = vector.broadcast %max3A_325 : f32 to vector<32x1024xf32>
    %max3A_327 = arith.maximumf %add3A_324, %max3A_326 : vector<32x1024xf32>
    %get3A_328 = arith.constant 0 : index
    %get3A_329 = arith.constant 0 : index
    %get3A_330 = vector.load %arg13[%get3A_328, %get3A_329] : memref<32x1xf32, #tpu.memory_space<vmem>>, vector<32x1xf32>
    %mul3A_331 = vector.broadcast %get3A_330 : vector<32x1xf32> to vector<32x1024xf32>
    %mul3A_332 = arith.mulf %max3A_327, %mul3A_331 : vector<32x1024xf32>
    %reduce_sum3A_333 = arith.constant dense<0.000000e+00> : vector<1024xf32>
    %reduce_sum3A_334 = vector.multi_reduction <add>, %mul3A_332, %reduce_sum3A_333 [0] : vector<32x1024xf32> to vector<1024xf32>
    %broadcast_in_dim3A_335 = vector.shape_cast %reduce_sum3A_334 : vector<1024xf32> to vector<1x1024xf32>
    %slice3A_336 = vector.extract_strided_slice %add3A_318 {offsets = [32, 0], sizes = [1, 1024], strides = [1, 1]} : vector<33x1024xf32> to vector<1x1024xf32>
    %get3A_337 = arith.constant 3 : index
    %get3A_338 = arith.constant 0 : index
    %get3A_339 = arith.constant 0 : index
    %get3A_340 = vector.load %arg1[%get3A_337, %get3A_338, %get3A_339] : memref<16x64x1024xf32, #tpu.memory_space<vmem>>, vector<1x64x1024xf32>
    %get3A_341 = vector.shape_cast %get3A_340 : vector<1x64x1024xf32> to vector<64x1024xf32>
    %get3A_342 = arith.constant 3 : index
    %get3A_343 = arith.constant 0 : index
    %get3A_344 = arith.constant 0 : index
    %get3A_345 = vector.load %arg2[%get3A_342, %get3A_343, %get3A_344] : memref<16x64x1024xf32, #tpu.memory_space<vmem>>, vector<1x64x1024xf32>
    %get3A_346 = vector.shape_cast %get3A_345 : vector<1x64x1024xf32> to vector<64x1024xf32>
    %slice3A_347 = vector.extract_strided_slice %transpose3A {offsets = [0, 3], sizes = [64, 1], strides = [1, 1]} : vector<64x16xf32> to vector<64x1xf32>
    %slice3A_348 = vector.extract_strided_slice %transpose3A_11 {offsets = [0, 3], sizes = [64, 1], strides = [1, 1]} : vector<64x16xf32> to vector<64x1xf32>
    %mul3A_349 = vector.broadcast %slice3A_347 : vector<64x1xf32> to vector<64x1024xf32>
    %mul3A_350 = arith.mulf %mul3A_349, %get3A_1 : vector<64x1024xf32>
    %concatenate3A_351 = tpu.concatenate %mul3A_350, %get3A_346 in 0 : vector<64x1024xf32>, vector<64x1024xf32> -> vector<128x1024xf32>
    %get3A_352 = arith.constant 0 : index
    %get3A_353 = arith.constant 0 : index
    %get3A_354 = vector.load %arg7[%get3A_352, %get3A_353] : memref<128x128xbf16, #tpu.memory_space<vmem>>, vector<128x128xbf16>
    %get3A_355 = arith.constant 0 : index
    %get3A_356 = arith.constant 0 : index
    %get3A_357 = vector.load %arg8[%get3A_355, %get3A_356] : memref<128x128xbf16, #tpu.memory_space<vmem>>, vector<128x128xbf16>
    %convert_element_type3A_358 = arith.truncf %concatenate3A_351 : vector<128x1024xf32> to vector<128x1024xbf16>
    %convert_element_type3A_359 = arith.extf %convert_element_type3A_358 : vector<128x1024xbf16> to vector<128x1024xf32>
    %sub3A_360 = arith.subf %concatenate3A_351, %convert_element_type3A_359 : vector<128x1024xf32>
    %convert_element_type3A_361 = arith.truncf %sub3A_360 : vector<128x1024xf32> to vector<128x1024xbf16>
    %dot_general3A_362 = arith.constant dense<0.000000e+00> : vector<128x1024xf32>
    %dot_general3A_363 = tpu.matmul %get3A_354, %convert_element_type3A_358, %dot_general3A_362 {dimension_numbers = #tpu.dot_dimension_numbers<[1], [0], [0], [1], [0, 0, 1, 1], [], []>, transpose_lhs_hint = false} : vector<128x128xbf16>, vector<128x1024xbf16>, vector<128x1024xf32> -> vector<128x1024xf32>
    %dot_general3A_364 = arith.constant dense<0.000000e+00> : vector<128x1024xf32>
    %dot_general3A_365 = tpu.matmul %get3A_357, %convert_element_type3A_358, %dot_general3A_364 {dimension_numbers = #tpu.dot_dimension_numbers<[1], [0], [0], [1], [0, 0, 1, 1], [], []>, transpose_lhs_hint = false} : vector<128x128xbf16>, vector<128x1024xbf16>, vector<128x1024xf32> -> vector<128x1024xf32>
    %add3A_366 = arith.addf %dot_general3A_363, %dot_general3A_365 : vector<128x1024xf32>
    %dot_general3A_367 = arith.constant dense<0.000000e+00> : vector<128x1024xf32>
    %dot_general3A_368 = tpu.matmul %get3A_354, %convert_element_type3A_361, %dot_general3A_367 {dimension_numbers = #tpu.dot_dimension_numbers<[1], [0], [0], [1], [0, 0, 1, 1], [], []>, transpose_lhs_hint = false} : vector<128x128xbf16>, vector<128x1024xbf16>, vector<128x1024xf32> -> vector<128x1024xf32>
    %add3A_369 = arith.addf %add3A_366, %dot_general3A_368 : vector<128x1024xf32>
    %slice3A_370 = vector.extract_strided_slice %add3A_369 {offsets = [0, 0], sizes = [64, 1024], strides = [1, 1]} : vector<128x1024xf32> to vector<64x1024xf32>
    %add3A_371 = arith.addf %get3A_341, %slice3A_370 : vector<64x1024xf32>
    %add3A_372 = vector.broadcast %slice3A_348 : vector<64x1xf32> to vector<64x1024xf32>
    %add3A_373 = arith.addf %add3A_371, %add3A_372 : vector<64x1024xf32>
    %add3A_374 = arith.addf %add3A_373, %get3A_4 : vector<64x1024xf32>
    %slice3A_375 = vector.extract_strided_slice %add3A_369 {offsets = [64, 0], sizes = [64, 1024], strides = [1, 1]} : vector<128x1024xf32> to vector<64x1024xf32>
    %get3A_376 = arith.constant 0 : index
    %get3A_377 = arith.constant 0 : index
    %get3A_378 = vector.load %arg9[%get3A_376, %get3A_377] : memref<64x1xf32, #tpu.memory_space<vmem>>, vector<64x1xf32>
    %add3A_379 = vector.broadcast %get3A_378 : vector<64x1xf32> to vector<64x1024xf32>
    %add3A_380 = arith.addf %slice3A_375, %add3A_379 : vector<64x1024xf32>
    %concatenate3A_381 = tpu.concatenate %add3A_374, %add3A_380 in 0 : vector<64x1024xf32>, vector<64x1024xf32> -> vector<128x1024xf32>
    %reduce_sum3A_382 = arith.constant dense<0.000000e+00> : vector<1024xf32>
    %reduce_sum3A_383 = vector.multi_reduction <add>, %concatenate3A_381, %reduce_sum3A_382 [0] : vector<128x1024xf32> to vector<1024xf32>
    %broadcast_in_dim3A_384 = vector.shape_cast %reduce_sum3A_383 : vector<1024xf32> to vector<1x1024xf32>
    %mul3A_385 = arith.constant 7.812500e-03 : f32
    %mul3A_386 = vector.broadcast %mul3A_385 : f32 to vector<1x1024xf32>
    %mul3A_387 = arith.mulf %broadcast_in_dim3A_384, %mul3A_386 : vector<1x1024xf32>
    %sub3A_388 = vector.broadcast %mul3A_387 : vector<1x1024xf32> to vector<128x1024xf32>
    %sub3A_389 = arith.subf %concatenate3A_381, %sub3A_388 : vector<128x1024xf32>
    %mul3A_390 = arith.mulf %sub3A_389, %sub3A_389 : vector<128x1024xf32>
    %reduce_sum3A_391 = arith.constant dense<0.000000e+00> : vector<1024xf32>
    %reduce_sum3A_392 = vector.multi_reduction <add>, %mul3A_390, %reduce_sum3A_391 [0] : vector<128x1024xf32> to vector<1024xf32>
    %broadcast_in_dim3A_393 = vector.shape_cast %reduce_sum3A_392 : vector<1024xf32> to vector<1x1024xf32>
    %mul3A_394 = arith.constant 7.812500e-03 : f32
    %mul3A_395 = vector.broadcast %mul3A_394 : f32 to vector<1x1024xf32>
    %mul3A_396 = arith.mulf %broadcast_in_dim3A_393, %mul3A_395 : vector<1x1024xf32>
    %add3A_397 = arith.constant 9.99999974E-6 : f32
    %add3A_398 = vector.broadcast %add3A_397 : f32 to vector<1x1024xf32>
    %add3A_399 = arith.addf %mul3A_396, %add3A_398 : vector<1x1024xf32>
    %rsqrt3A_400 = math.rsqrt %add3A_399 : vector<1x1024xf32>
    %mul3A_401 = vector.broadcast %rsqrt3A_400 : vector<1x1024xf32> to vector<128x1024xf32>
    %mul3A_402 = arith.mulf %sub3A_389, %mul3A_401 : vector<128x1024xf32>
    %get3A_403 = arith.constant 0 : index
    %get3A_404 = arith.constant 0 : index
    %get3A_405 = vector.load %arg10[%get3A_403, %get3A_404] : memref<128x1xf32, #tpu.memory_space<vmem>>, vector<128x1xf32>
    %mul3A_406 = vector.broadcast %get3A_405 : vector<128x1xf32> to vector<128x1024xf32>
    %mul3A_407 = arith.mulf %mul3A_402, %mul3A_406 : vector<128x1024xf32>
    %get3A_408 = arith.constant 0 : index
    %get3A_409 = arith.constant 0 : index
    %get3A_410 = vector.load %arg11[%get3A_408, %get3A_409] : memref<128x1xf32, #tpu.memory_space<vmem>>, vector<128x1xf32>
    %add3A_411 = vector.broadcast %get3A_410 : vector<128x1xf32> to vector<128x1024xf32>
    %add3A_412 = arith.addf %mul3A_407, %add3A_411 : vector<128x1024xf32>
    %get3A_413 = arith.constant 0 : index
    %get3A_414 = arith.constant 0 : index
    %get3A_415 = vector.load %arg14[%get3A_413, %get3A_414] : memref<33x128xbf16, #tpu.memory_space<vmem>>, vector<33x128xbf16>
    %get3A_416 = arith.constant 0 : index
    %get3A_417 = arith.constant 0 : index
    %get3A_418 = vector.load %arg15[%get3A_416, %get3A_417] : memref<33x128xbf16, #tpu.memory_space<vmem>>, vector<33x128xbf16>
    %convert_element_type3A_419 = arith.truncf %add3A_412 : vector<128x1024xf32> to vector<128x1024xbf16>
    %convert_element_type3A_420 = arith.extf %convert_element_type3A_419 : vector<128x1024xbf16> to vector<128x1024xf32>
    %sub3A_421 = arith.subf %add3A_412, %convert_element_type3A_420 : vector<128x1024xf32>
    %convert_element_type3A_422 = arith.truncf %sub3A_421 : vector<128x1024xf32> to vector<128x1024xbf16>
    %dot_general3A_423 = arith.constant dense<0.000000e+00> : vector<33x1024xf32>
    %dot_general3A_424 = tpu.matmul %get3A_415, %convert_element_type3A_419, %dot_general3A_423 {dimension_numbers = #tpu.dot_dimension_numbers<[1], [0], [0], [1], [0, 0, 1, 1], [], []>, transpose_lhs_hint = false} : vector<33x128xbf16>, vector<128x1024xbf16>, vector<33x1024xf32> -> vector<33x1024xf32>
    %dot_general3A_425 = arith.constant dense<0.000000e+00> : vector<33x1024xf32>
    %dot_general3A_426 = tpu.matmul %get3A_418, %convert_element_type3A_419, %dot_general3A_425 {dimension_numbers = #tpu.dot_dimension_numbers<[1], [0], [0], [1], [0, 0, 1, 1], [], []>, transpose_lhs_hint = false} : vector<33x128xbf16>, vector<128x1024xbf16>, vector<33x1024xf32> -> vector<33x1024xf32>
    %add3A_427 = arith.addf %dot_general3A_424, %dot_general3A_426 : vector<33x1024xf32>
    %dot_general3A_428 = arith.constant dense<0.000000e+00> : vector<33x1024xf32>
    %dot_general3A_429 = tpu.matmul %get3A_415, %convert_element_type3A_422, %dot_general3A_428 {dimension_numbers = #tpu.dot_dimension_numbers<[1], [0], [0], [1], [0, 0, 1, 1], [], []>, transpose_lhs_hint = false} : vector<33x128xbf16>, vector<128x1024xbf16>, vector<33x1024xf32> -> vector<33x1024xf32>
    %add3A_430 = arith.addf %add3A_427, %dot_general3A_429 : vector<33x1024xf32>
    %slice3A_431 = vector.extract_strided_slice %add3A_430 {offsets = [0, 0], sizes = [32, 1024], strides = [1, 1]} : vector<33x1024xf32> to vector<32x1024xf32>
    %get3A_432 = arith.constant 0 : index
    %get3A_433 = arith.constant 0 : index
    %get3A_434 = vector.load %arg12[%get3A_432, %get3A_433] : memref<32x1xf32, #tpu.memory_space<vmem>>, vector<32x1xf32>
    %add3A_435 = vector.broadcast %get3A_434 : vector<32x1xf32> to vector<32x1024xf32>
    %add3A_436 = arith.addf %slice3A_431, %add3A_435 : vector<32x1024xf32>
    %max3A_437 = arith.constant 0.000000e+00 : f32
    %max3A_438 = vector.broadcast %max3A_437 : f32 to vector<32x1024xf32>
    %max3A_439 = arith.maximumf %add3A_436, %max3A_438 : vector<32x1024xf32>
    %get3A_440 = arith.constant 0 : index
    %get3A_441 = arith.constant 0 : index
    %get3A_442 = vector.load %arg13[%get3A_440, %get3A_441] : memref<32x1xf32, #tpu.memory_space<vmem>>, vector<32x1xf32>
    %mul3A_443 = vector.broadcast %get3A_442 : vector<32x1xf32> to vector<32x1024xf32>
    %mul3A_444 = arith.mulf %max3A_439, %mul3A_443 : vector<32x1024xf32>
    %reduce_sum3A_445 = arith.constant dense<0.000000e+00> : vector<1024xf32>
    %reduce_sum3A_446 = vector.multi_reduction <add>, %mul3A_444, %reduce_sum3A_445 [0] : vector<32x1024xf32> to vector<1024xf32>
    %broadcast_in_dim3A_447 = vector.shape_cast %reduce_sum3A_446 : vector<1024xf32> to vector<1x1024xf32>
    %slice3A_448 = vector.extract_strided_slice %add3A_430 {offsets = [32, 0], sizes = [1, 1024], strides = [1, 1]} : vector<33x1024xf32> to vector<1x1024xf32>
    %get3A_449 = arith.constant 4 : index
    %get3A_450 = arith.constant 0 : index
    %get3A_451 = arith.constant 0 : index
    %get3A_452 = vector.load %arg1[%get3A_449, %get3A_450, %get3A_451] : memref<16x64x1024xf32, #tpu.memory_space<vmem>>, vector<1x64x1024xf32>
    %get3A_453 = vector.shape_cast %get3A_452 : vector<1x64x1024xf32> to vector<64x1024xf32>
    %get3A_454 = arith.constant 4 : index
    %get3A_455 = arith.constant 0 : index
    %get3A_456 = arith.constant 0 : index
    %get3A_457 = vector.load %arg2[%get3A_454, %get3A_455, %get3A_456] : memref<16x64x1024xf32, #tpu.memory_space<vmem>>, vector<1x64x1024xf32>
    %get3A_458 = vector.shape_cast %get3A_457 : vector<1x64x1024xf32> to vector<64x1024xf32>
    %slice3A_459 = vector.extract_strided_slice %transpose3A {offsets = [0, 4], sizes = [64, 1], strides = [1, 1]} : vector<64x16xf32> to vector<64x1xf32>
    %slice3A_460 = vector.extract_strided_slice %transpose3A_11 {offsets = [0, 4], sizes = [64, 1], strides = [1, 1]} : vector<64x16xf32> to vector<64x1xf32>
    %mul3A_461 = vector.broadcast %slice3A_459 : vector<64x1xf32> to vector<64x1024xf32>
    %mul3A_462 = arith.mulf %mul3A_461, %get3A_1 : vector<64x1024xf32>
    %concatenate3A_463 = tpu.concatenate %mul3A_462, %get3A_458 in 0 : vector<64x1024xf32>, vector<64x1024xf32> -> vector<128x1024xf32>
    %get3A_464 = arith.constant 0 : index
    %get3A_465 = arith.constant 0 : index
    %get3A_466 = vector.load %arg7[%get3A_464, %get3A_465] : memref<128x128xbf16, #tpu.memory_space<vmem>>, vector<128x128xbf16>
    %get3A_467 = arith.constant 0 : index
    %get3A_468 = arith.constant 0 : index
    %get3A_469 = vector.load %arg8[%get3A_467, %get3A_468] : memref<128x128xbf16, #tpu.memory_space<vmem>>, vector<128x128xbf16>
    %convert_element_type3A_470 = arith.truncf %concatenate3A_463 : vector<128x1024xf32> to vector<128x1024xbf16>
    %convert_element_type3A_471 = arith.extf %convert_element_type3A_470 : vector<128x1024xbf16> to vector<128x1024xf32>
    %sub3A_472 = arith.subf %concatenate3A_463, %convert_element_type3A_471 : vector<128x1024xf32>
    %convert_element_type3A_473 = arith.truncf %sub3A_472 : vector<128x1024xf32> to vector<128x1024xbf16>
    %dot_general3A_474 = arith.constant dense<0.000000e+00> : vector<128x1024xf32>
    %dot_general3A_475 = tpu.matmul %get3A_466, %convert_element_type3A_470, %dot_general3A_474 {dimension_numbers = #tpu.dot_dimension_numbers<[1], [0], [0], [1], [0, 0, 1, 1], [], []>, transpose_lhs_hint = false} : vector<128x128xbf16>, vector<128x1024xbf16>, vector<128x1024xf32> -> vector<128x1024xf32>
    %dot_general3A_476 = arith.constant dense<0.000000e+00> : vector<128x1024xf32>
    %dot_general3A_477 = tpu.matmul %get3A_469, %convert_element_type3A_470, %dot_general3A_476 {dimension_numbers = #tpu.dot_dimension_numbers<[1], [0], [0], [1], [0, 0, 1, 1], [], []>, transpose_lhs_hint = false} : vector<128x128xbf16>, vector<128x1024xbf16>, vector<128x1024xf32> -> vector<128x1024xf32>
    %add3A_478 = arith.addf %dot_general3A_475, %dot_general3A_477 : vector<128x1024xf32>
    %dot_general3A_479 = arith.constant dense<0.000000e+00> : vector<128x1024xf32>
    %dot_general3A_480 = tpu.matmul %get3A_466, %convert_element_type3A_473, %dot_general3A_479 {dimension_numbers = #tpu.dot_dimension_numbers<[1], [0], [0], [1], [0, 0, 1, 1], [], []>, transpose_lhs_hint = false} : vector<128x128xbf16>, vector<128x1024xbf16>, vector<128x1024xf32> -> vector<128x1024xf32>
    %add3A_481 = arith.addf %add3A_478, %dot_general3A_480 : vector<128x1024xf32>
    %slice3A_482 = vector.extract_strided_slice %add3A_481 {offsets = [0, 0], sizes = [64, 1024], strides = [1, 1]} : vector<128x1024xf32> to vector<64x1024xf32>
    %add3A_483 = arith.addf %get3A_453, %slice3A_482 : vector<64x1024xf32>
    %add3A_484 = vector.broadcast %slice3A_460 : vector<64x1xf32> to vector<64x1024xf32>
    %add3A_485 = arith.addf %add3A_483, %add3A_484 : vector<64x1024xf32>
    %add3A_486 = arith.addf %add3A_485, %get3A_4 : vector<64x1024xf32>
    %slice3A_487 = vector.extract_strided_slice %add3A_481 {offsets = [64, 0], sizes = [64, 1024], strides = [1, 1]} : vector<128x1024xf32> to vector<64x1024xf32>
    %get3A_488 = arith.constant 0 : index
    %get3A_489 = arith.constant 0 : index
    %get3A_490 = vector.load %arg9[%get3A_488, %get3A_489] : memref<64x1xf32, #tpu.memory_space<vmem>>, vector<64x1xf32>
    %add3A_491 = vector.broadcast %get3A_490 : vector<64x1xf32> to vector<64x1024xf32>
    %add3A_492 = arith.addf %slice3A_487, %add3A_491 : vector<64x1024xf32>
    %concatenate3A_493 = tpu.concatenate %add3A_486, %add3A_492 in 0 : vector<64x1024xf32>, vector<64x1024xf32> -> vector<128x1024xf32>
    %reduce_sum3A_494 = arith.constant dense<0.000000e+00> : vector<1024xf32>
    %reduce_sum3A_495 = vector.multi_reduction <add>, %concatenate3A_493, %reduce_sum3A_494 [0] : vector<128x1024xf32> to vector<1024xf32>
    %broadcast_in_dim3A_496 = vector.shape_cast %reduce_sum3A_495 : vector<1024xf32> to vector<1x1024xf32>
    %mul3A_497 = arith.constant 7.812500e-03 : f32
    %mul3A_498 = vector.broadcast %mul3A_497 : f32 to vector<1x1024xf32>
    %mul3A_499 = arith.mulf %broadcast_in_dim3A_496, %mul3A_498 : vector<1x1024xf32>
    %sub3A_500 = vector.broadcast %mul3A_499 : vector<1x1024xf32> to vector<128x1024xf32>
    %sub3A_501 = arith.subf %concatenate3A_493, %sub3A_500 : vector<128x1024xf32>
    %mul3A_502 = arith.mulf %sub3A_501, %sub3A_501 : vector<128x1024xf32>
    %reduce_sum3A_503 = arith.constant dense<0.000000e+00> : vector<1024xf32>
    %reduce_sum3A_504 = vector.multi_reduction <add>, %mul3A_502, %reduce_sum3A_503 [0] : vector<128x1024xf32> to vector<1024xf32>
    %broadcast_in_dim3A_505 = vector.shape_cast %reduce_sum3A_504 : vector<1024xf32> to vector<1x1024xf32>
    %mul3A_506 = arith.constant 7.812500e-03 : f32
    %mul3A_507 = vector.broadcast %mul3A_506 : f32 to vector<1x1024xf32>
    %mul3A_508 = arith.mulf %broadcast_in_dim3A_505, %mul3A_507 : vector<1x1024xf32>
    %add3A_509 = arith.constant 9.99999974E-6 : f32
    %add3A_510 = vector.broadcast %add3A_509 : f32 to vector<1x1024xf32>
    %add3A_511 = arith.addf %mul3A_508, %add3A_510 : vector<1x1024xf32>
    %rsqrt3A_512 = math.rsqrt %add3A_511 : vector<1x1024xf32>
    %mul3A_513 = vector.broadcast %rsqrt3A_512 : vector<1x1024xf32> to vector<128x1024xf32>
    %mul3A_514 = arith.mulf %sub3A_501, %mul3A_513 : vector<128x1024xf32>
    %get3A_515 = arith.constant 0 : index
    %get3A_516 = arith.constant 0 : index
    %get3A_517 = vector.load %arg10[%get3A_515, %get3A_516] : memref<128x1xf32, #tpu.memory_space<vmem>>, vector<128x1xf32>
    %mul3A_518 = vector.broadcast %get3A_517 : vector<128x1xf32> to vector<128x1024xf32>
    %mul3A_519 = arith.mulf %mul3A_514, %mul3A_518 : vector<128x1024xf32>
    %get3A_520 = arith.constant 0 : index
    %get3A_521 = arith.constant 0 : index
    %get3A_522 = vector.load %arg11[%get3A_520, %get3A_521] : memref<128x1xf32, #tpu.memory_space<vmem>>, vector<128x1xf32>
    %add3A_523 = vector.broadcast %get3A_522 : vector<128x1xf32> to vector<128x1024xf32>
    %add3A_524 = arith.addf %mul3A_519, %add3A_523 : vector<128x1024xf32>
    %get3A_525 = arith.constant 0 : index
    %get3A_526 = arith.constant 0 : index
    %get3A_527 = vector.load %arg14[%get3A_525, %get3A_526] : memref<33x128xbf16, #tpu.memory_space<vmem>>, vector<33x128xbf16>
    %get3A_528 = arith.constant 0 : index
    %get3A_529 = arith.constant 0 : index
    %get3A_530 = vector.load %arg15[%get3A_528, %get3A_529] : memref<33x128xbf16, #tpu.memory_space<vmem>>, vector<33x128xbf16>
    %convert_element_type3A_531 = arith.truncf %add3A_524 : vector<128x1024xf32> to vector<128x1024xbf16>
    %convert_element_type3A_532 = arith.extf %convert_element_type3A_531 : vector<128x1024xbf16> to vector<128x1024xf32>
    %sub3A_533 = arith.subf %add3A_524, %convert_element_type3A_532 : vector<128x1024xf32>
    %convert_element_type3A_534 = arith.truncf %sub3A_533 : vector<128x1024xf32> to vector<128x1024xbf16>
    %dot_general3A_535 = arith.constant dense<0.000000e+00> : vector<33x1024xf32>
    %dot_general3A_536 = tpu.matmul %get3A_527, %convert_element_type3A_531, %dot_general3A_535 {dimension_numbers = #tpu.dot_dimension_numbers<[1], [0], [0], [1], [0, 0, 1, 1], [], []>, transpose_lhs_hint = false} : vector<33x128xbf16>, vector<128x1024xbf16>, vector<33x1024xf32> -> vector<33x1024xf32>
    %dot_general3A_537 = arith.constant dense<0.000000e+00> : vector<33x1024xf32>
    %dot_general3A_538 = tpu.matmul %get3A_530, %convert_element_type3A_531, %dot_general3A_537 {dimension_numbers = #tpu.dot_dimension_numbers<[1], [0], [0], [1], [0, 0, 1, 1], [], []>, transpose_lhs_hint = false} : vector<33x128xbf16>, vector<128x1024xbf16>, vector<33x1024xf32> -> vector<33x1024xf32>
    %add3A_539 = arith.addf %dot_general3A_536, %dot_general3A_538 : vector<33x1024xf32>
    %dot_general3A_540 = arith.constant dense<0.000000e+00> : vector<33x1024xf32>
    %dot_general3A_541 = tpu.matmul %get3A_527, %convert_element_type3A_534, %dot_general3A_540 {dimension_numbers = #tpu.dot_dimension_numbers<[1], [0], [0], [1], [0, 0, 1, 1], [], []>, transpose_lhs_hint = false} : vector<33x128xbf16>, vector<128x1024xbf16>, vector<33x1024xf32> -> vector<33x1024xf32>
    %add3A_542 = arith.addf %add3A_539, %dot_general3A_541 : vector<33x1024xf32>
    %slice3A_543 = vector.extract_strided_slice %add3A_542 {offsets = [0, 0], sizes = [32, 1024], strides = [1, 1]} : vector<33x1024xf32> to vector<32x1024xf32>
    %get3A_544 = arith.constant 0 : index
    %get3A_545 = arith.constant 0 : index
    %get3A_546 = vector.load %arg12[%get3A_544, %get3A_545] : memref<32x1xf32, #tpu.memory_space<vmem>>, vector<32x1xf32>
    %add3A_547 = vector.broadcast %get3A_546 : vector<32x1xf32> to vector<32x1024xf32>
    %add3A_548 = arith.addf %slice3A_543, %add3A_547 : vector<32x1024xf32>
    %max3A_549 = arith.constant 0.000000e+00 : f32
    %max3A_550 = vector.broadcast %max3A_549 : f32 to vector<32x1024xf32>
    %max3A_551 = arith.maximumf %add3A_548, %max3A_550 : vector<32x1024xf32>
    %get3A_552 = arith.constant 0 : index
    %get3A_553 = arith.constant 0 : index
    %get3A_554 = vector.load %arg13[%get3A_552, %get3A_553] : memref<32x1xf32, #tpu.memory_space<vmem>>, vector<32x1xf32>
    %mul3A_555 = vector.broadcast %get3A_554 : vector<32x1xf32> to vector<32x1024xf32>
    %mul3A_556 = arith.mulf %max3A_551, %mul3A_555 : vector<32x1024xf32>
    %reduce_sum3A_557 = arith.constant dense<0.000000e+00> : vector<1024xf32>
    %reduce_sum3A_558 = vector.multi_reduction <add>, %mul3A_556, %reduce_sum3A_557 [0] : vector<32x1024xf32> to vector<1024xf32>
    %broadcast_in_dim3A_559 = vector.shape_cast %reduce_sum3A_558 : vector<1024xf32> to vector<1x1024xf32>
    %slice3A_560 = vector.extract_strided_slice %add3A_542 {offsets = [32, 0], sizes = [1, 1024], strides = [1, 1]} : vector<33x1024xf32> to vector<1x1024xf32>
    %get3A_561 = arith.constant 5 : index
    %get3A_562 = arith.constant 0 : index
    %get3A_563 = arith.constant 0 : index
    %get3A_564 = vector.load %arg1[%get3A_561, %get3A_562, %get3A_563] : memref<16x64x1024xf32, #tpu.memory_space<vmem>>, vector<1x64x1024xf32>
    %get3A_565 = vector.shape_cast %get3A_564 : vector<1x64x1024xf32> to vector<64x1024xf32>
    %get3A_566 = arith.constant 5 : index
    %get3A_567 = arith.constant 0 : index
    %get3A_568 = arith.constant 0 : index
    %get3A_569 = vector.load %arg2[%get3A_566, %get3A_567, %get3A_568] : memref<16x64x1024xf32, #tpu.memory_space<vmem>>, vector<1x64x1024xf32>
    %get3A_570 = vector.shape_cast %get3A_569 : vector<1x64x1024xf32> to vector<64x1024xf32>
    %slice3A_571 = vector.extract_strided_slice %transpose3A {offsets = [0, 5], sizes = [64, 1], strides = [1, 1]} : vector<64x16xf32> to vector<64x1xf32>
    %slice3A_572 = vector.extract_strided_slice %transpose3A_11 {offsets = [0, 5], sizes = [64, 1], strides = [1, 1]} : vector<64x16xf32> to vector<64x1xf32>
    %mul3A_573 = vector.broadcast %slice3A_571 : vector<64x1xf32> to vector<64x1024xf32>
    %mul3A_574 = arith.mulf %mul3A_573, %get3A_1 : vector<64x1024xf32>
    %concatenate3A_575 = tpu.concatenate %mul3A_574, %get3A_570 in 0 : vector<64x1024xf32>, vector<64x1024xf32> -> vector<128x1024xf32>
    %get3A_576 = arith.constant 0 : index
    %get3A_577 = arith.constant 0 : index
    %get3A_578 = vector.load %arg7[%get3A_576, %get3A_577] : memref<128x128xbf16, #tpu.memory_space<vmem>>, vector<128x128xbf16>
    %get3A_579 = arith.constant 0 : index
    %get3A_580 = arith.constant 0 : index
    %get3A_581 = vector.load %arg8[%get3A_579, %get3A_580] : memref<128x128xbf16, #tpu.memory_space<vmem>>, vector<128x128xbf16>
    %convert_element_type3A_582 = arith.truncf %concatenate3A_575 : vector<128x1024xf32> to vector<128x1024xbf16>
    %convert_element_type3A_583 = arith.extf %convert_element_type3A_582 : vector<128x1024xbf16> to vector<128x1024xf32>
    %sub3A_584 = arith.subf %concatenate3A_575, %convert_element_type3A_583 : vector<128x1024xf32>
    %convert_element_type3A_585 = arith.truncf %sub3A_584 : vector<128x1024xf32> to vector<128x1024xbf16>
    %dot_general3A_586 = arith.constant dense<0.000000e+00> : vector<128x1024xf32>
    %dot_general3A_587 = tpu.matmul %get3A_578, %convert_element_type3A_582, %dot_general3A_586 {dimension_numbers = #tpu.dot_dimension_numbers<[1], [0], [0], [1], [0, 0, 1, 1], [], []>, transpose_lhs_hint = false} : vector<128x128xbf16>, vector<128x1024xbf16>, vector<128x1024xf32> -> vector<128x1024xf32>
    %dot_general3A_588 = arith.constant dense<0.000000e+00> : vector<128x1024xf32>
    %dot_general3A_589 = tpu.matmul %get3A_581, %convert_element_type3A_582, %dot_general3A_588 {dimension_numbers = #tpu.dot_dimension_numbers<[1], [0], [0], [1], [0, 0, 1, 1], [], []>, transpose_lhs_hint = false} : vector<128x128xbf16>, vector<128x1024xbf16>, vector<128x1024xf32> -> vector<128x1024xf32>
    %add3A_590 = arith.addf %dot_general3A_587, %dot_general3A_589 : vector<128x1024xf32>
    %dot_general3A_591 = arith.constant dense<0.000000e+00> : vector<128x1024xf32>
    %dot_general3A_592 = tpu.matmul %get3A_578, %convert_element_type3A_585, %dot_general3A_591 {dimension_numbers = #tpu.dot_dimension_numbers<[1], [0], [0], [1], [0, 0, 1, 1], [], []>, transpose_lhs_hint = false} : vector<128x128xbf16>, vector<128x1024xbf16>, vector<128x1024xf32> -> vector<128x1024xf32>
    %add3A_593 = arith.addf %add3A_590, %dot_general3A_592 : vector<128x1024xf32>
    %slice3A_594 = vector.extract_strided_slice %add3A_593 {offsets = [0, 0], sizes = [64, 1024], strides = [1, 1]} : vector<128x1024xf32> to vector<64x1024xf32>
    %add3A_595 = arith.addf %get3A_565, %slice3A_594 : vector<64x1024xf32>
    %add3A_596 = vector.broadcast %slice3A_572 : vector<64x1xf32> to vector<64x1024xf32>
    %add3A_597 = arith.addf %add3A_595, %add3A_596 : vector<64x1024xf32>
    %add3A_598 = arith.addf %add3A_597, %get3A_4 : vector<64x1024xf32>
    %slice3A_599 = vector.extract_strided_slice %add3A_593 {offsets = [64, 0], sizes = [64, 1024], strides = [1, 1]} : vector<128x1024xf32> to vector<64x1024xf32>
    %get3A_600 = arith.constant 0 : index
    %get3A_601 = arith.constant 0 : index
    %get3A_602 = vector.load %arg9[%get3A_600, %get3A_601] : memref<64x1xf32, #tpu.memory_space<vmem>>, vector<64x1xf32>
    %add3A_603 = vector.broadcast %get3A_602 : vector<64x1xf32> to vector<64x1024xf32>
    %add3A_604 = arith.addf %slice3A_599, %add3A_603 : vector<64x1024xf32>
    %concatenate3A_605 = tpu.concatenate %add3A_598, %add3A_604 in 0 : vector<64x1024xf32>, vector<64x1024xf32> -> vector<128x1024xf32>
    %reduce_sum3A_606 = arith.constant dense<0.000000e+00> : vector<1024xf32>
    %reduce_sum3A_607 = vector.multi_reduction <add>, %concatenate3A_605, %reduce_sum3A_606 [0] : vector<128x1024xf32> to vector<1024xf32>
    %broadcast_in_dim3A_608 = vector.shape_cast %reduce_sum3A_607 : vector<1024xf32> to vector<1x1024xf32>
    %mul3A_609 = arith.constant 7.812500e-03 : f32
    %mul3A_610 = vector.broadcast %mul3A_609 : f32 to vector<1x1024xf32>
    %mul3A_611 = arith.mulf %broadcast_in_dim3A_608, %mul3A_610 : vector<1x1024xf32>
    %sub3A_612 = vector.broadcast %mul3A_611 : vector<1x1024xf32> to vector<128x1024xf32>
    %sub3A_613 = arith.subf %concatenate3A_605, %sub3A_612 : vector<128x1024xf32>
    %mul3A_614 = arith.mulf %sub3A_613, %sub3A_613 : vector<128x1024xf32>
    %reduce_sum3A_615 = arith.constant dense<0.000000e+00> : vector<1024xf32>
    %reduce_sum3A_616 = vector.multi_reduction <add>, %mul3A_614, %reduce_sum3A_615 [0] : vector<128x1024xf32> to vector<1024xf32>
    %broadcast_in_dim3A_617 = vector.shape_cast %reduce_sum3A_616 : vector<1024xf32> to vector<1x1024xf32>
    %mul3A_618 = arith.constant 7.812500e-03 : f32
    %mul3A_619 = vector.broadcast %mul3A_618 : f32 to vector<1x1024xf32>
    %mul3A_620 = arith.mulf %broadcast_in_dim3A_617, %mul3A_619 : vector<1x1024xf32>
    %add3A_621 = arith.constant 9.99999974E-6 : f32
    %add3A_622 = vector.broadcast %add3A_621 : f32 to vector<1x1024xf32>
    %add3A_623 = arith.addf %mul3A_620, %add3A_622 : vector<1x1024xf32>
    %rsqrt3A_624 = math.rsqrt %add3A_623 : vector<1x1024xf32>
    %mul3A_625 = vector.broadcast %rsqrt3A_624 : vector<1x1024xf32> to vector<128x1024xf32>
    %mul3A_626 = arith.mulf %sub3A_613, %mul3A_625 : vector<128x1024xf32>
    %get3A_627 = arith.constant 0 : index
    %get3A_628 = arith.constant 0 : index
    %get3A_629 = vector.load %arg10[%get3A_627, %get3A_628] : memref<128x1xf32, #tpu.memory_space<vmem>>, vector<128x1xf32>
    %mul3A_630 = vector.broadcast %get3A_629 : vector<128x1xf32> to vector<128x1024xf32>
    %mul3A_631 = arith.mulf %mul3A_626, %mul3A_630 : vector<128x1024xf32>
    %get3A_632 = arith.constant 0 : index
    %get3A_633 = arith.constant 0 : index
    %get3A_634 = vector.load %arg11[%get3A_632, %get3A_633] : memref<128x1xf32, #tpu.memory_space<vmem>>, vector<128x1xf32>
    %add3A_635 = vector.broadcast %get3A_634 : vector<128x1xf32> to vector<128x1024xf32>
    %add3A_636 = arith.addf %mul3A_631, %add3A_635 : vector<128x1024xf32>
    %get3A_637 = arith.constant 0 : index
    %get3A_638 = arith.constant 0 : index
    %get3A_639 = vector.load %arg14[%get3A_637, %get3A_638] : memref<33x128xbf16, #tpu.memory_space<vmem>>, vector<33x128xbf16>
    %get3A_640 = arith.constant 0 : index
    %get3A_641 = arith.constant 0 : index
    %get3A_642 = vector.load %arg15[%get3A_640, %get3A_641] : memref<33x128xbf16, #tpu.memory_space<vmem>>, vector<33x128xbf16>
    %convert_element_type3A_643 = arith.truncf %add3A_636 : vector<128x1024xf32> to vector<128x1024xbf16>
    %convert_element_type3A_644 = arith.extf %convert_element_type3A_643 : vector<128x1024xbf16> to vector<128x1024xf32>
    %sub3A_645 = arith.subf %add3A_636, %convert_element_type3A_644 : vector<128x1024xf32>
    %convert_element_type3A_646 = arith.truncf %sub3A_645 : vector<128x1024xf32> to vector<128x1024xbf16>
    %dot_general3A_647 = arith.constant dense<0.000000e+00> : vector<33x1024xf32>
    %dot_general3A_648 = tpu.matmul %get3A_639, %convert_element_type3A_643, %dot_general3A_647 {dimension_numbers = #tpu.dot_dimension_numbers<[1], [0], [0], [1], [0, 0, 1, 1], [], []>, transpose_lhs_hint = false} : vector<33x128xbf16>, vector<128x1024xbf16>, vector<33x1024xf32> -> vector<33x1024xf32>
    %dot_general3A_649 = arith.constant dense<0.000000e+00> : vector<33x1024xf32>
    %dot_general3A_650 = tpu.matmul %get3A_642, %convert_element_type3A_643, %dot_general3A_649 {dimension_numbers = #tpu.dot_dimension_numbers<[1], [0], [0], [1], [0, 0, 1, 1], [], []>, transpose_lhs_hint = false} : vector<33x128xbf16>, vector<128x1024xbf16>, vector<33x1024xf32> -> vector<33x1024xf32>
    %add3A_651 = arith.addf %dot_general3A_648, %dot_general3A_650 : vector<33x1024xf32>
    %dot_general3A_652 = arith.constant dense<0.000000e+00> : vector<33x1024xf32>
    %dot_general3A_653 = tpu.matmul %get3A_639, %convert_element_type3A_646, %dot_general3A_652 {dimension_numbers = #tpu.dot_dimension_numbers<[1], [0], [0], [1], [0, 0, 1, 1], [], []>, transpose_lhs_hint = false} : vector<33x128xbf16>, vector<128x1024xbf16>, vector<33x1024xf32> -> vector<33x1024xf32>
    %add3A_654 = arith.addf %add3A_651, %dot_general3A_653 : vector<33x1024xf32>
    %slice3A_655 = vector.extract_strided_slice %add3A_654 {offsets = [0, 0], sizes = [32, 1024], strides = [1, 1]} : vector<33x1024xf32> to vector<32x1024xf32>
    %get3A_656 = arith.constant 0 : index
    %get3A_657 = arith.constant 0 : index
    %get3A_658 = vector.load %arg12[%get3A_656, %get3A_657] : memref<32x1xf32, #tpu.memory_space<vmem>>, vector<32x1xf32>
    %add3A_659 = vector.broadcast %get3A_658 : vector<32x1xf32> to vector<32x1024xf32>
    %add3A_660 = arith.addf %slice3A_655, %add3A_659 : vector<32x1024xf32>
    %max3A_661 = arith.constant 0.000000e+00 : f32
    %max3A_662 = vector.broadcast %max3A_661 : f32 to vector<32x1024xf32>
    %max3A_663 = arith.maximumf %add3A_660, %max3A_662 : vector<32x1024xf32>
    %get3A_664 = arith.constant 0 : index
    %get3A_665 = arith.constant 0 : index
    %get3A_666 = vector.load %arg13[%get3A_664, %get3A_665] : memref<32x1xf32, #tpu.memory_space<vmem>>, vector<32x1xf32>
    %mul3A_667 = vector.broadcast %get3A_666 : vector<32x1xf32> to vector<32x1024xf32>
    %mul3A_668 = arith.mulf %max3A_663, %mul3A_667 : vector<32x1024xf32>
    %reduce_sum3A_669 = arith.constant dense<0.000000e+00> : vector<1024xf32>
    %reduce_sum3A_670 = vector.multi_reduction <add>, %mul3A_668, %reduce_sum3A_669 [0] : vector<32x1024xf32> to vector<1024xf32>
    %broadcast_in_dim3A_671 = vector.shape_cast %reduce_sum3A_670 : vector<1024xf32> to vector<1x1024xf32>
    %slice3A_672 = vector.extract_strided_slice %add3A_654 {offsets = [32, 0], sizes = [1, 1024], strides = [1, 1]} : vector<33x1024xf32> to vector<1x1024xf32>
    %get3A_673 = arith.constant 6 : index
    %get3A_674 = arith.constant 0 : index
    %get3A_675 = arith.constant 0 : index
    %get3A_676 = vector.load %arg1[%get3A_673, %get3A_674, %get3A_675] : memref<16x64x1024xf32, #tpu.memory_space<vmem>>, vector<1x64x1024xf32>
    %get3A_677 = vector.shape_cast %get3A_676 : vector<1x64x1024xf32> to vector<64x1024xf32>
    %get3A_678 = arith.constant 6 : index
    %get3A_679 = arith.constant 0 : index
    %get3A_680 = arith.constant 0 : index
    %get3A_681 = vector.load %arg2[%get3A_678, %get3A_679, %get3A_680] : memref<16x64x1024xf32, #tpu.memory_space<vmem>>, vector<1x64x1024xf32>
    %get3A_682 = vector.shape_cast %get3A_681 : vector<1x64x1024xf32> to vector<64x1024xf32>
    %slice3A_683 = vector.extract_strided_slice %transpose3A {offsets = [0, 6], sizes = [64, 1], strides = [1, 1]} : vector<64x16xf32> to vector<64x1xf32>
    %slice3A_684 = vector.extract_strided_slice %transpose3A_11 {offsets = [0, 6], sizes = [64, 1], strides = [1, 1]} : vector<64x16xf32> to vector<64x1xf32>
    %mul3A_685 = vector.broadcast %slice3A_683 : vector<64x1xf32> to vector<64x1024xf32>
    %mul3A_686 = arith.mulf %mul3A_685, %get3A_1 : vector<64x1024xf32>
    %concatenate3A_687 = tpu.concatenate %mul3A_686, %get3A_682 in 0 : vector<64x1024xf32>, vector<64x1024xf32> -> vector<128x1024xf32>
    %get3A_688 = arith.constant 0 : index
    %get3A_689 = arith.constant 0 : index
    %get3A_690 = vector.load %arg7[%get3A_688, %get3A_689] : memref<128x128xbf16, #tpu.memory_space<vmem>>, vector<128x128xbf16>
    %get3A_691 = arith.constant 0 : index
    %get3A_692 = arith.constant 0 : index
    %get3A_693 = vector.load %arg8[%get3A_691, %get3A_692] : memref<128x128xbf16, #tpu.memory_space<vmem>>, vector<128x128xbf16>
    %convert_element_type3A_694 = arith.truncf %concatenate3A_687 : vector<128x1024xf32> to vector<128x1024xbf16>
    %convert_element_type3A_695 = arith.extf %convert_element_type3A_694 : vector<128x1024xbf16> to vector<128x1024xf32>
    %sub3A_696 = arith.subf %concatenate3A_687, %convert_element_type3A_695 : vector<128x1024xf32>
    %convert_element_type3A_697 = arith.truncf %sub3A_696 : vector<128x1024xf32> to vector<128x1024xbf16>
    %dot_general3A_698 = arith.constant dense<0.000000e+00> : vector<128x1024xf32>
    %dot_general3A_699 = tpu.matmul %get3A_690, %convert_element_type3A_694, %dot_general3A_698 {dimension_numbers = #tpu.dot_dimension_numbers<[1], [0], [0], [1], [0, 0, 1, 1], [], []>, transpose_lhs_hint = false} : vector<128x128xbf16>, vector<128x1024xbf16>, vector<128x1024xf32> -> vector<128x1024xf32>
    %dot_general3A_700 = arith.constant dense<0.000000e+00> : vector<128x1024xf32>
    %dot_general3A_701 = tpu.matmul %get3A_693, %convert_element_type3A_694, %dot_general3A_700 {dimension_numbers = #tpu.dot_dimension_numbers<[1], [0], [0], [1], [0, 0, 1, 1], [], []>, transpose_lhs_hint = false} : vector<128x128xbf16>, vector<128x1024xbf16>, vector<128x1024xf32> -> vector<128x1024xf32>
    %add3A_702 = arith.addf %dot_general3A_699, %dot_general3A_701 : vector<128x1024xf32>
    %dot_general3A_703 = arith.constant dense<0.000000e+00> : vector<128x1024xf32>
    %dot_general3A_704 = tpu.matmul %get3A_690, %convert_element_type3A_697, %dot_general3A_703 {dimension_numbers = #tpu.dot_dimension_numbers<[1], [0], [0], [1], [0, 0, 1, 1], [], []>, transpose_lhs_hint = false} : vector<128x128xbf16>, vector<128x1024xbf16>, vector<128x1024xf32> -> vector<128x1024xf32>
    %add3A_705 = arith.addf %add3A_702, %dot_general3A_704 : vector<128x1024xf32>
    %slice3A_706 = vector.extract_strided_slice %add3A_705 {offsets = [0, 0], sizes = [64, 1024], strides = [1, 1]} : vector<128x1024xf32> to vector<64x1024xf32>
    %add3A_707 = arith.addf %get3A_677, %slice3A_706 : vector<64x1024xf32>
    %add3A_708 = vector.broadcast %slice3A_684 : vector<64x1xf32> to vector<64x1024xf32>
    %add3A_709 = arith.addf %add3A_707, %add3A_708 : vector<64x1024xf32>
    %add3A_710 = arith.addf %add3A_709, %get3A_4 : vector<64x1024xf32>
    %slice3A_711 = vector.extract_strided_slice %add3A_705 {offsets = [64, 0], sizes = [64, 1024], strides = [1, 1]} : vector<128x1024xf32> to vector<64x1024xf32>
    %get3A_712 = arith.constant 0 : index
    %get3A_713 = arith.constant 0 : index
    %get3A_714 = vector.load %arg9[%get3A_712, %get3A_713] : memref<64x1xf32, #tpu.memory_space<vmem>>, vector<64x1xf32>
    %add3A_715 = vector.broadcast %get3A_714 : vector<64x1xf32> to vector<64x1024xf32>
    %add3A_716 = arith.addf %slice3A_711, %add3A_715 : vector<64x1024xf32>
    %concatenate3A_717 = tpu.concatenate %add3A_710, %add3A_716 in 0 : vector<64x1024xf32>, vector<64x1024xf32> -> vector<128x1024xf32>
    %reduce_sum3A_718 = arith.constant dense<0.000000e+00> : vector<1024xf32>
    %reduce_sum3A_719 = vector.multi_reduction <add>, %concatenate3A_717, %reduce_sum3A_718 [0] : vector<128x1024xf32> to vector<1024xf32>
    %broadcast_in_dim3A_720 = vector.shape_cast %reduce_sum3A_719 : vector<1024xf32> to vector<1x1024xf32>
    %mul3A_721 = arith.constant 7.812500e-03 : f32
    %mul3A_722 = vector.broadcast %mul3A_721 : f32 to vector<1x1024xf32>
    %mul3A_723 = arith.mulf %broadcast_in_dim3A_720, %mul3A_722 : vector<1x1024xf32>
    %sub3A_724 = vector.broadcast %mul3A_723 : vector<1x1024xf32> to vector<128x1024xf32>
    %sub3A_725 = arith.subf %concatenate3A_717, %sub3A_724 : vector<128x1024xf32>
    %mul3A_726 = arith.mulf %sub3A_725, %sub3A_725 : vector<128x1024xf32>
    %reduce_sum3A_727 = arith.constant dense<0.000000e+00> : vector<1024xf32>
    %reduce_sum3A_728 = vector.multi_reduction <add>, %mul3A_726, %reduce_sum3A_727 [0] : vector<128x1024xf32> to vector<1024xf32>
    %broadcast_in_dim3A_729 = vector.shape_cast %reduce_sum3A_728 : vector<1024xf32> to vector<1x1024xf32>
    %mul3A_730 = arith.constant 7.812500e-03 : f32
    %mul3A_731 = vector.broadcast %mul3A_730 : f32 to vector<1x1024xf32>
    %mul3A_732 = arith.mulf %broadcast_in_dim3A_729, %mul3A_731 : vector<1x1024xf32>
    %add3A_733 = arith.constant 9.99999974E-6 : f32
    %add3A_734 = vector.broadcast %add3A_733 : f32 to vector<1x1024xf32>
    %add3A_735 = arith.addf %mul3A_732, %add3A_734 : vector<1x1024xf32>
    %rsqrt3A_736 = math.rsqrt %add3A_735 : vector<1x1024xf32>
    %mul3A_737 = vector.broadcast %rsqrt3A_736 : vector<1x1024xf32> to vector<128x1024xf32>
    %mul3A_738 = arith.mulf %sub3A_725, %mul3A_737 : vector<128x1024xf32>
    %get3A_739 = arith.constant 0 : index
    %get3A_740 = arith.constant 0 : index
    %get3A_741 = vector.load %arg10[%get3A_739, %get3A_740] : memref<128x1xf32, #tpu.memory_space<vmem>>, vector<128x1xf32>
    %mul3A_742 = vector.broadcast %get3A_741 : vector<128x1xf32> to vector<128x1024xf32>
    %mul3A_743 = arith.mulf %mul3A_738, %mul3A_742 : vector<128x1024xf32>
    %get3A_744 = arith.constant 0 : index
    %get3A_745 = arith.constant 0 : index
    %get3A_746 = vector.load %arg11[%get3A_744, %get3A_745] : memref<128x1xf32, #tpu.memory_space<vmem>>, vector<128x1xf32>
    %add3A_747 = vector.broadcast %get3A_746 : vector<128x1xf32> to vector<128x1024xf32>
    %add3A_748 = arith.addf %mul3A_743, %add3A_747 : vector<128x1024xf32>
    %get3A_749 = arith.constant 0 : index
    %get3A_750 = arith.constant 0 : index
    %get3A_751 = vector.load %arg14[%get3A_749, %get3A_750] : memref<33x128xbf16, #tpu.memory_space<vmem>>, vector<33x128xbf16>
    %get3A_752 = arith.constant 0 : index
    %get3A_753 = arith.constant 0 : index
    %get3A_754 = vector.load %arg15[%get3A_752, %get3A_753] : memref<33x128xbf16, #tpu.memory_space<vmem>>, vector<33x128xbf16>
    %convert_element_type3A_755 = arith.truncf %add3A_748 : vector<128x1024xf32> to vector<128x1024xbf16>
    %convert_element_type3A_756 = arith.extf %convert_element_type3A_755 : vector<128x1024xbf16> to vector<128x1024xf32>
    %sub3A_757 = arith.subf %add3A_748, %convert_element_type3A_756 : vector<128x1024xf32>
    %convert_element_type3A_758 = arith.truncf %sub3A_757 : vector<128x1024xf32> to vector<128x1024xbf16>
    %dot_general3A_759 = arith.constant dense<0.000000e+00> : vector<33x1024xf32>
    %dot_general3A_760 = tpu.matmul %get3A_751, %convert_element_type3A_755, %dot_general3A_759 {dimension_numbers = #tpu.dot_dimension_numbers<[1], [0], [0], [1], [0, 0, 1, 1], [], []>, transpose_lhs_hint = false} : vector<33x128xbf16>, vector<128x1024xbf16>, vector<33x1024xf32> -> vector<33x1024xf32>
    %dot_general3A_761 = arith.constant dense<0.000000e+00> : vector<33x1024xf32>
    %dot_general3A_762 = tpu.matmul %get3A_754, %convert_element_type3A_755, %dot_general3A_761 {dimension_numbers = #tpu.dot_dimension_numbers<[1], [0], [0], [1], [0, 0, 1, 1], [], []>, transpose_lhs_hint = false} : vector<33x128xbf16>, vector<128x1024xbf16>, vector<33x1024xf32> -> vector<33x1024xf32>
    %add3A_763 = arith.addf %dot_general3A_760, %dot_general3A_762 : vector<33x1024xf32>
    %dot_general3A_764 = arith.constant dense<0.000000e+00> : vector<33x1024xf32>
    %dot_general3A_765 = tpu.matmul %get3A_751, %convert_element_type3A_758, %dot_general3A_764 {dimension_numbers = #tpu.dot_dimension_numbers<[1], [0], [0], [1], [0, 0, 1, 1], [], []>, transpose_lhs_hint = false} : vector<33x128xbf16>, vector<128x1024xbf16>, vector<33x1024xf32> -> vector<33x1024xf32>
    %add3A_766 = arith.addf %add3A_763, %dot_general3A_765 : vector<33x1024xf32>
    %slice3A_767 = vector.extract_strided_slice %add3A_766 {offsets = [0, 0], sizes = [32, 1024], strides = [1, 1]} : vector<33x1024xf32> to vector<32x1024xf32>
    %get3A_768 = arith.constant 0 : index
    %get3A_769 = arith.constant 0 : index
    %get3A_770 = vector.load %arg12[%get3A_768, %get3A_769] : memref<32x1xf32, #tpu.memory_space<vmem>>, vector<32x1xf32>
    %add3A_771 = vector.broadcast %get3A_770 : vector<32x1xf32> to vector<32x1024xf32>
    %add3A_772 = arith.addf %slice3A_767, %add3A_771 : vector<32x1024xf32>
    %max3A_773 = arith.constant 0.000000e+00 : f32
    %max3A_774 = vector.broadcast %max3A_773 : f32 to vector<32x1024xf32>
    %max3A_775 = arith.maximumf %add3A_772, %max3A_774 : vector<32x1024xf32>
    %get3A_776 = arith.constant 0 : index
    %get3A_777 = arith.constant 0 : index
    %get3A_778 = vector.load %arg13[%get3A_776, %get3A_777] : memref<32x1xf32, #tpu.memory_space<vmem>>, vector<32x1xf32>
    %mul3A_779 = vector.broadcast %get3A_778 : vector<32x1xf32> to vector<32x1024xf32>
    %mul3A_780 = arith.mulf %max3A_775, %mul3A_779 : vector<32x1024xf32>
    %reduce_sum3A_781 = arith.constant dense<0.000000e+00> : vector<1024xf32>
    %reduce_sum3A_782 = vector.multi_reduction <add>, %mul3A_780, %reduce_sum3A_781 [0] : vector<32x1024xf32> to vector<1024xf32>
    %broadcast_in_dim3A_783 = vector.shape_cast %reduce_sum3A_782 : vector<1024xf32> to vector<1x1024xf32>
    %slice3A_784 = vector.extract_strided_slice %add3A_766 {offsets = [32, 0], sizes = [1, 1024], strides = [1, 1]} : vector<33x1024xf32> to vector<1x1024xf32>
    %get3A_785 = arith.constant 7 : index
    %get3A_786 = arith.constant 0 : index
    %get3A_787 = arith.constant 0 : index
    %get3A_788 = vector.load %arg1[%get3A_785, %get3A_786, %get3A_787] : memref<16x64x1024xf32, #tpu.memory_space<vmem>>, vector<1x64x1024xf32>
    %get3A_789 = vector.shape_cast %get3A_788 : vector<1x64x1024xf32> to vector<64x1024xf32>
    %get3A_790 = arith.constant 7 : index
    %get3A_791 = arith.constant 0 : index
    %get3A_792 = arith.constant 0 : index
    %get3A_793 = vector.load %arg2[%get3A_790, %get3A_791, %get3A_792] : memref<16x64x1024xf32, #tpu.memory_space<vmem>>, vector<1x64x1024xf32>
    %get3A_794 = vector.shape_cast %get3A_793 : vector<1x64x1024xf32> to vector<64x1024xf32>
    %slice3A_795 = vector.extract_strided_slice %transpose3A {offsets = [0, 7], sizes = [64, 1], strides = [1, 1]} : vector<64x16xf32> to vector<64x1xf32>
    %slice3A_796 = vector.extract_strided_slice %transpose3A_11 {offsets = [0, 7], sizes = [64, 1], strides = [1, 1]} : vector<64x16xf32> to vector<64x1xf32>
    %mul3A_797 = vector.broadcast %slice3A_795 : vector<64x1xf32> to vector<64x1024xf32>
    %mul3A_798 = arith.mulf %mul3A_797, %get3A_1 : vector<64x1024xf32>
    %concatenate3A_799 = tpu.concatenate %mul3A_798, %get3A_794 in 0 : vector<64x1024xf32>, vector<64x1024xf32> -> vector<128x1024xf32>
    %get3A_800 = arith.constant 0 : index
    %get3A_801 = arith.constant 0 : index
    %get3A_802 = vector.load %arg7[%get3A_800, %get3A_801] : memref<128x128xbf16, #tpu.memory_space<vmem>>, vector<128x128xbf16>
    %get3A_803 = arith.constant 0 : index
    %get3A_804 = arith.constant 0 : index
    %get3A_805 = vector.load %arg8[%get3A_803, %get3A_804] : memref<128x128xbf16, #tpu.memory_space<vmem>>, vector<128x128xbf16>
    %convert_element_type3A_806 = arith.truncf %concatenate3A_799 : vector<128x1024xf32> to vector<128x1024xbf16>
    %convert_element_type3A_807 = arith.extf %convert_element_type3A_806 : vector<128x1024xbf16> to vector<128x1024xf32>
    %sub3A_808 = arith.subf %concatenate3A_799, %convert_element_type3A_807 : vector<128x1024xf32>
    %convert_element_type3A_809 = arith.truncf %sub3A_808 : vector<128x1024xf32> to vector<128x1024xbf16>
    %dot_general3A_810 = arith.constant dense<0.000000e+00> : vector<128x1024xf32>
    %dot_general3A_811 = tpu.matmul %get3A_802, %convert_element_type3A_806, %dot_general3A_810 {dimension_numbers = #tpu.dot_dimension_numbers<[1], [0], [0], [1], [0, 0, 1, 1], [], []>, transpose_lhs_hint = false} : vector<128x128xbf16>, vector<128x1024xbf16>, vector<128x1024xf32> -> vector<128x1024xf32>
    %dot_general3A_812 = arith.constant dense<0.000000e+00> : vector<128x1024xf32>
    %dot_general3A_813 = tpu.matmul %get3A_805, %convert_element_type3A_806, %dot_general3A_812 {dimension_numbers = #tpu.dot_dimension_numbers<[1], [0], [0], [1], [0, 0, 1, 1], [], []>, transpose_lhs_hint = false} : vector<128x128xbf16>, vector<128x1024xbf16>, vector<128x1024xf32> -> vector<128x1024xf32>
    %add3A_814 = arith.addf %dot_general3A_811, %dot_general3A_813 : vector<128x1024xf32>
    %dot_general3A_815 = arith.constant dense<0.000000e+00> : vector<128x1024xf32>
    %dot_general3A_816 = tpu.matmul %get3A_802, %convert_element_type3A_809, %dot_general3A_815 {dimension_numbers = #tpu.dot_dimension_numbers<[1], [0], [0], [1], [0, 0, 1, 1], [], []>, transpose_lhs_hint = false} : vector<128x128xbf16>, vector<128x1024xbf16>, vector<128x1024xf32> -> vector<128x1024xf32>
    %add3A_817 = arith.addf %add3A_814, %dot_general3A_816 : vector<128x1024xf32>
    %slice3A_818 = vector.extract_strided_slice %add3A_817 {offsets = [0, 0], sizes = [64, 1024], strides = [1, 1]} : vector<128x1024xf32> to vector<64x1024xf32>
    %add3A_819 = arith.addf %get3A_789, %slice3A_818 : vector<64x1024xf32>
    %add3A_820 = vector.broadcast %slice3A_796 : vector<64x1xf32> to vector<64x1024xf32>
    %add3A_821 = arith.addf %add3A_819, %add3A_820 : vector<64x1024xf32>
    %add3A_822 = arith.addf %add3A_821, %get3A_4 : vector<64x1024xf32>
    %slice3A_823 = vector.extract_strided_slice %add3A_817 {offsets = [64, 0], sizes = [64, 1024], strides = [1, 1]} : vector<128x1024xf32> to vector<64x1024xf32>
    %get3A_824 = arith.constant 0 : index
    %get3A_825 = arith.constant 0 : index
    %get3A_826 = vector.load %arg9[%get3A_824, %get3A_825] : memref<64x1xf32, #tpu.memory_space<vmem>>, vector<64x1xf32>
    %add3A_827 = vector.broadcast %get3A_826 : vector<64x1xf32> to vector<64x1024xf32>
    %add3A_828 = arith.addf %slice3A_823, %add3A_827 : vector<64x1024xf32>
    %concatenate3A_829 = tpu.concatenate %add3A_822, %add3A_828 in 0 : vector<64x1024xf32>, vector<64x1024xf32> -> vector<128x1024xf32>
    %reduce_sum3A_830 = arith.constant dense<0.000000e+00> : vector<1024xf32>
    %reduce_sum3A_831 = vector.multi_reduction <add>, %concatenate3A_829, %reduce_sum3A_830 [0] : vector<128x1024xf32> to vector<1024xf32>
    %broadcast_in_dim3A_832 = vector.shape_cast %reduce_sum3A_831 : vector<1024xf32> to vector<1x1024xf32>
    %mul3A_833 = arith.constant 7.812500e-03 : f32
    %mul3A_834 = vector.broadcast %mul3A_833 : f32 to vector<1x1024xf32>
    %mul3A_835 = arith.mulf %broadcast_in_dim3A_832, %mul3A_834 : vector<1x1024xf32>
    %sub3A_836 = vector.broadcast %mul3A_835 : vector<1x1024xf32> to vector<128x1024xf32>
    %sub3A_837 = arith.subf %concatenate3A_829, %sub3A_836 : vector<128x1024xf32>
    %mul3A_838 = arith.mulf %sub3A_837, %sub3A_837 : vector<128x1024xf32>
    %reduce_sum3A_839 = arith.constant dense<0.000000e+00> : vector<1024xf32>
    %reduce_sum3A_840 = vector.multi_reduction <add>, %mul3A_838, %reduce_sum3A_839 [0] : vector<128x1024xf32> to vector<1024xf32>
    %broadcast_in_dim3A_841 = vector.shape_cast %reduce_sum3A_840 : vector<1024xf32> to vector<1x1024xf32>
    %mul3A_842 = arith.constant 7.812500e-03 : f32
    %mul3A_843 = vector.broadcast %mul3A_842 : f32 to vector<1x1024xf32>
    %mul3A_844 = arith.mulf %broadcast_in_dim3A_841, %mul3A_843 : vector<1x1024xf32>
    %add3A_845 = arith.constant 9.99999974E-6 : f32
    %add3A_846 = vector.broadcast %add3A_845 : f32 to vector<1x1024xf32>
    %add3A_847 = arith.addf %mul3A_844, %add3A_846 : vector<1x1024xf32>
    %rsqrt3A_848 = math.rsqrt %add3A_847 : vector<1x1024xf32>
    %mul3A_849 = vector.broadcast %rsqrt3A_848 : vector<1x1024xf32> to vector<128x1024xf32>
    %mul3A_850 = arith.mulf %sub3A_837, %mul3A_849 : vector<128x1024xf32>
    %get3A_851 = arith.constant 0 : index
    %get3A_852 = arith.constant 0 : index
    %get3A_853 = vector.load %arg10[%get3A_851, %get3A_852] : memref<128x1xf32, #tpu.memory_space<vmem>>, vector<128x1xf32>
    %mul3A_854 = vector.broadcast %get3A_853 : vector<128x1xf32> to vector<128x1024xf32>
    %mul3A_855 = arith.mulf %mul3A_850, %mul3A_854 : vector<128x1024xf32>
    %get3A_856 = arith.constant 0 : index
    %get3A_857 = arith.constant 0 : index
    %get3A_858 = vector.load %arg11[%get3A_856, %get3A_857] : memref<128x1xf32, #tpu.memory_space<vmem>>, vector<128x1xf32>
    %add3A_859 = vector.broadcast %get3A_858 : vector<128x1xf32> to vector<128x1024xf32>
    %add3A_860 = arith.addf %mul3A_855, %add3A_859 : vector<128x1024xf32>
    %get3A_861 = arith.constant 0 : index
    %get3A_862 = arith.constant 0 : index
    %get3A_863 = vector.load %arg14[%get3A_861, %get3A_862] : memref<33x128xbf16, #tpu.memory_space<vmem>>, vector<33x128xbf16>
    %get3A_864 = arith.constant 0 : index
    %get3A_865 = arith.constant 0 : index
    %get3A_866 = vector.load %arg15[%get3A_864, %get3A_865] : memref<33x128xbf16, #tpu.memory_space<vmem>>, vector<33x128xbf16>
    %convert_element_type3A_867 = arith.truncf %add3A_860 : vector<128x1024xf32> to vector<128x1024xbf16>
    %convert_element_type3A_868 = arith.extf %convert_element_type3A_867 : vector<128x1024xbf16> to vector<128x1024xf32>
    %sub3A_869 = arith.subf %add3A_860, %convert_element_type3A_868 : vector<128x1024xf32>
    %convert_element_type3A_870 = arith.truncf %sub3A_869 : vector<128x1024xf32> to vector<128x1024xbf16>
    %dot_general3A_871 = arith.constant dense<0.000000e+00> : vector<33x1024xf32>
    %dot_general3A_872 = tpu.matmul %get3A_863, %convert_element_type3A_867, %dot_general3A_871 {dimension_numbers = #tpu.dot_dimension_numbers<[1], [0], [0], [1], [0, 0, 1, 1], [], []>, transpose_lhs_hint = false} : vector<33x128xbf16>, vector<128x1024xbf16>, vector<33x1024xf32> -> vector<33x1024xf32>
    %dot_general3A_873 = arith.constant dense<0.000000e+00> : vector<33x1024xf32>
    %dot_general3A_874 = tpu.matmul %get3A_866, %convert_element_type3A_867, %dot_general3A_873 {dimension_numbers = #tpu.dot_dimension_numbers<[1], [0], [0], [1], [0, 0, 1, 1], [], []>, transpose_lhs_hint = false} : vector<33x128xbf16>, vector<128x1024xbf16>, vector<33x1024xf32> -> vector<33x1024xf32>
    %add3A_875 = arith.addf %dot_general3A_872, %dot_general3A_874 : vector<33x1024xf32>
    %dot_general3A_876 = arith.constant dense<0.000000e+00> : vector<33x1024xf32>
    %dot_general3A_877 = tpu.matmul %get3A_863, %convert_element_type3A_870, %dot_general3A_876 {dimension_numbers = #tpu.dot_dimension_numbers<[1], [0], [0], [1], [0, 0, 1, 1], [], []>, transpose_lhs_hint = false} : vector<33x128xbf16>, vector<128x1024xbf16>, vector<33x1024xf32> -> vector<33x1024xf32>
    %add3A_878 = arith.addf %add3A_875, %dot_general3A_877 : vector<33x1024xf32>
    %slice3A_879 = vector.extract_strided_slice %add3A_878 {offsets = [0, 0], sizes = [32, 1024], strides = [1, 1]} : vector<33x1024xf32> to vector<32x1024xf32>
    %get3A_880 = arith.constant 0 : index
    %get3A_881 = arith.constant 0 : index
    %get3A_882 = vector.load %arg12[%get3A_880, %get3A_881] : memref<32x1xf32, #tpu.memory_space<vmem>>, vector<32x1xf32>
    %add3A_883 = vector.broadcast %get3A_882 : vector<32x1xf32> to vector<32x1024xf32>
    %add3A_884 = arith.addf %slice3A_879, %add3A_883 : vector<32x1024xf32>
    %max3A_885 = arith.constant 0.000000e+00 : f32
    %max3A_886 = vector.broadcast %max3A_885 : f32 to vector<32x1024xf32>
    %max3A_887 = arith.maximumf %add3A_884, %max3A_886 : vector<32x1024xf32>
    %get3A_888 = arith.constant 0 : index
    %get3A_889 = arith.constant 0 : index
    %get3A_890 = vector.load %arg13[%get3A_888, %get3A_889] : memref<32x1xf32, #tpu.memory_space<vmem>>, vector<32x1xf32>
    %mul3A_891 = vector.broadcast %get3A_890 : vector<32x1xf32> to vector<32x1024xf32>
    %mul3A_892 = arith.mulf %max3A_887, %mul3A_891 : vector<32x1024xf32>
    %reduce_sum3A_893 = arith.constant dense<0.000000e+00> : vector<1024xf32>
    %reduce_sum3A_894 = vector.multi_reduction <add>, %mul3A_892, %reduce_sum3A_893 [0] : vector<32x1024xf32> to vector<1024xf32>
    %broadcast_in_dim3A_895 = vector.shape_cast %reduce_sum3A_894 : vector<1024xf32> to vector<1x1024xf32>
    %slice3A_896 = vector.extract_strided_slice %add3A_878 {offsets = [32, 0], sizes = [1, 1024], strides = [1, 1]} : vector<33x1024xf32> to vector<1x1024xf32>
    %get3A_897 = arith.constant 8 : index
    %get3A_898 = arith.constant 0 : index
    %get3A_899 = arith.constant 0 : index
    %get3A_900 = vector.load %arg1[%get3A_897, %get3A_898, %get3A_899] : memref<16x64x1024xf32, #tpu.memory_space<vmem>>, vector<1x64x1024xf32>
    %get3A_901 = vector.shape_cast %get3A_900 : vector<1x64x1024xf32> to vector<64x1024xf32>
    %get3A_902 = arith.constant 8 : index
    %get3A_903 = arith.constant 0 : index
    %get3A_904 = arith.constant 0 : index
    %get3A_905 = vector.load %arg2[%get3A_902, %get3A_903, %get3A_904] : memref<16x64x1024xf32, #tpu.memory_space<vmem>>, vector<1x64x1024xf32>
    %get3A_906 = vector.shape_cast %get3A_905 : vector<1x64x1024xf32> to vector<64x1024xf32>
    %slice3A_907 = vector.extract_strided_slice %transpose3A {offsets = [0, 8], sizes = [64, 1], strides = [1, 1]} : vector<64x16xf32> to vector<64x1xf32>
    %slice3A_908 = vector.extract_strided_slice %transpose3A_11 {offsets = [0, 8], sizes = [64, 1], strides = [1, 1]} : vector<64x16xf32> to vector<64x1xf32>
    %mul3A_909 = vector.broadcast %slice3A_907 : vector<64x1xf32> to vector<64x1024xf32>
    %mul3A_910 = arith.mulf %mul3A_909, %get3A_1 : vector<64x1024xf32>
    %concatenate3A_911 = tpu.concatenate %mul3A_910, %get3A_906 in 0 : vector<64x1024xf32>, vector<64x1024xf32> -> vector<128x1024xf32>
    %get3A_912 = arith.constant 0 : index
    %get3A_913 = arith.constant 0 : index
    %get3A_914 = vector.load %arg7[%get3A_912, %get3A_913] : memref<128x128xbf16, #tpu.memory_space<vmem>>, vector<128x128xbf16>
    %get3A_915 = arith.constant 0 : index
    %get3A_916 = arith.constant 0 : index
    %get3A_917 = vector.load %arg8[%get3A_915, %get3A_916] : memref<128x128xbf16, #tpu.memory_space<vmem>>, vector<128x128xbf16>
    %convert_element_type3A_918 = arith.truncf %concatenate3A_911 : vector<128x1024xf32> to vector<128x1024xbf16>
    %convert_element_type3A_919 = arith.extf %convert_element_type3A_918 : vector<128x1024xbf16> to vector<128x1024xf32>
    %sub3A_920 = arith.subf %concatenate3A_911, %convert_element_type3A_919 : vector<128x1024xf32>
    %convert_element_type3A_921 = arith.truncf %sub3A_920 : vector<128x1024xf32> to vector<128x1024xbf16>
    %dot_general3A_922 = arith.constant dense<0.000000e+00> : vector<128x1024xf32>
    %dot_general3A_923 = tpu.matmul %get3A_914, %convert_element_type3A_918, %dot_general3A_922 {dimension_numbers = #tpu.dot_dimension_numbers<[1], [0], [0], [1], [0, 0, 1, 1], [], []>, transpose_lhs_hint = false} : vector<128x128xbf16>, vector<128x1024xbf16>, vector<128x1024xf32> -> vector<128x1024xf32>
    %dot_general3A_924 = arith.constant dense<0.000000e+00> : vector<128x1024xf32>
    %dot_general3A_925 = tpu.matmul %get3A_917, %convert_element_type3A_918, %dot_general3A_924 {dimension_numbers = #tpu.dot_dimension_numbers<[1], [0], [0], [1], [0, 0, 1, 1], [], []>, transpose_lhs_hint = false} : vector<128x128xbf16>, vector<128x1024xbf16>, vector<128x1024xf32> -> vector<128x1024xf32>
    %add3A_926 = arith.addf %dot_general3A_923, %dot_general3A_925 : vector<128x1024xf32>
    %dot_general3A_927 = arith.constant dense<0.000000e+00> : vector<128x1024xf32>
    %dot_general3A_928 = tpu.matmul %get3A_914, %convert_element_type3A_921, %dot_general3A_927 {dimension_numbers = #tpu.dot_dimension_numbers<[1], [0], [0], [1], [0, 0, 1, 1], [], []>, transpose_lhs_hint = false} : vector<128x128xbf16>, vector<128x1024xbf16>, vector<128x1024xf32> -> vector<128x1024xf32>
    %add3A_929 = arith.addf %add3A_926, %dot_general3A_928 : vector<128x1024xf32>
    %slice3A_930 = vector.extract_strided_slice %add3A_929 {offsets = [0, 0], sizes = [64, 1024], strides = [1, 1]} : vector<128x1024xf32> to vector<64x1024xf32>
    %add3A_931 = arith.addf %get3A_901, %slice3A_930 : vector<64x1024xf32>
    %add3A_932 = vector.broadcast %slice3A_908 : vector<64x1xf32> to vector<64x1024xf32>
    %add3A_933 = arith.addf %add3A_931, %add3A_932 : vector<64x1024xf32>
    %add3A_934 = arith.addf %add3A_933, %get3A_4 : vector<64x1024xf32>
    %slice3A_935 = vector.extract_strided_slice %add3A_929 {offsets = [64, 0], sizes = [64, 1024], strides = [1, 1]} : vector<128x1024xf32> to vector<64x1024xf32>
    %get3A_936 = arith.constant 0 : index
    %get3A_937 = arith.constant 0 : index
    %get3A_938 = vector.load %arg9[%get3A_936, %get3A_937] : memref<64x1xf32, #tpu.memory_space<vmem>>, vector<64x1xf32>
    %add3A_939 = vector.broadcast %get3A_938 : vector<64x1xf32> to vector<64x1024xf32>
    %add3A_940 = arith.addf %slice3A_935, %add3A_939 : vector<64x1024xf32>
    %concatenate3A_941 = tpu.concatenate %add3A_934, %add3A_940 in 0 : vector<64x1024xf32>, vector<64x1024xf32> -> vector<128x1024xf32>
    %reduce_sum3A_942 = arith.constant dense<0.000000e+00> : vector<1024xf32>
    %reduce_sum3A_943 = vector.multi_reduction <add>, %concatenate3A_941, %reduce_sum3A_942 [0] : vector<128x1024xf32> to vector<1024xf32>
    %broadcast_in_dim3A_944 = vector.shape_cast %reduce_sum3A_943 : vector<1024xf32> to vector<1x1024xf32>
    %mul3A_945 = arith.constant 7.812500e-03 : f32
    %mul3A_946 = vector.broadcast %mul3A_945 : f32 to vector<1x1024xf32>
    %mul3A_947 = arith.mulf %broadcast_in_dim3A_944, %mul3A_946 : vector<1x1024xf32>
    %sub3A_948 = vector.broadcast %mul3A_947 : vector<1x1024xf32> to vector<128x1024xf32>
    %sub3A_949 = arith.subf %concatenate3A_941, %sub3A_948 : vector<128x1024xf32>
    %mul3A_950 = arith.mulf %sub3A_949, %sub3A_949 : vector<128x1024xf32>
    %reduce_sum3A_951 = arith.constant dense<0.000000e+00> : vector<1024xf32>
    %reduce_sum3A_952 = vector.multi_reduction <add>, %mul3A_950, %reduce_sum3A_951 [0] : vector<128x1024xf32> to vector<1024xf32>
    %broadcast_in_dim3A_953 = vector.shape_cast %reduce_sum3A_952 : vector<1024xf32> to vector<1x1024xf32>
    %mul3A_954 = arith.constant 7.812500e-03 : f32
    %mul3A_955 = vector.broadcast %mul3A_954 : f32 to vector<1x1024xf32>
    %mul3A_956 = arith.mulf %broadcast_in_dim3A_953, %mul3A_955 : vector<1x1024xf32>
    %add3A_957 = arith.constant 9.99999974E-6 : f32
    %add3A_958 = vector.broadcast %add3A_957 : f32 to vector<1x1024xf32>
    %add3A_959 = arith.addf %mul3A_956, %add3A_958 : vector<1x1024xf32>
    %rsqrt3A_960 = math.rsqrt %add3A_959 : vector<1x1024xf32>
    %mul3A_961 = vector.broadcast %rsqrt3A_960 : vector<1x1024xf32> to vector<128x1024xf32>
    %mul3A_962 = arith.mulf %sub3A_949, %mul3A_961 : vector<128x1024xf32>
    %get3A_963 = arith.constant 0 : index
    %get3A_964 = arith.constant 0 : index
    %get3A_965 = vector.load %arg10[%get3A_963, %get3A_964] : memref<128x1xf32, #tpu.memory_space<vmem>>, vector<128x1xf32>
    %mul3A_966 = vector.broadcast %get3A_965 : vector<128x1xf32> to vector<128x1024xf32>
    %mul3A_967 = arith.mulf %mul3A_962, %mul3A_966 : vector<128x1024xf32>
    %get3A_968 = arith.constant 0 : index
    %get3A_969 = arith.constant 0 : index
    %get3A_970 = vector.load %arg11[%get3A_968, %get3A_969] : memref<128x1xf32, #tpu.memory_space<vmem>>, vector<128x1xf32>
    %add3A_971 = vector.broadcast %get3A_970 : vector<128x1xf32> to vector<128x1024xf32>
    %add3A_972 = arith.addf %mul3A_967, %add3A_971 : vector<128x1024xf32>
    %get3A_973 = arith.constant 0 : index
    %get3A_974 = arith.constant 0 : index
    %get3A_975 = vector.load %arg14[%get3A_973, %get3A_974] : memref<33x128xbf16, #tpu.memory_space<vmem>>, vector<33x128xbf16>
    %get3A_976 = arith.constant 0 : index
    %get3A_977 = arith.constant 0 : index
    %get3A_978 = vector.load %arg15[%get3A_976, %get3A_977] : memref<33x128xbf16, #tpu.memory_space<vmem>>, vector<33x128xbf16>
    %convert_element_type3A_979 = arith.truncf %add3A_972 : vector<128x1024xf32> to vector<128x1024xbf16>
    %convert_element_type3A_980 = arith.extf %convert_element_type3A_979 : vector<128x1024xbf16> to vector<128x1024xf32>
    %sub3A_981 = arith.subf %add3A_972, %convert_element_type3A_980 : vector<128x1024xf32>
    %convert_element_type3A_982 = arith.truncf %sub3A_981 : vector<128x1024xf32> to vector<128x1024xbf16>
    %dot_general3A_983 = arith.constant dense<0.000000e+00> : vector<33x1024xf32>
    %dot_general3A_984 = tpu.matmul %get3A_975, %convert_element_type3A_979, %dot_general3A_983 {dimension_numbers = #tpu.dot_dimension_numbers<[1], [0], [0], [1], [0, 0, 1, 1], [], []>, transpose_lhs_hint = false} : vector<33x128xbf16>, vector<128x1024xbf16>, vector<33x1024xf32> -> vector<33x1024xf32>
    %dot_general3A_985 = arith.constant dense<0.000000e+00> : vector<33x1024xf32>
    %dot_general3A_986 = tpu.matmul %get3A_978, %convert_element_type3A_979, %dot_general3A_985 {dimension_numbers = #tpu.dot_dimension_numbers<[1], [0], [0], [1], [0, 0, 1, 1], [], []>, transpose_lhs_hint = false} : vector<33x128xbf16>, vector<128x1024xbf16>, vector<33x1024xf32> -> vector<33x1024xf32>
    %add3A_987 = arith.addf %dot_general3A_984, %dot_general3A_986 : vector<33x1024xf32>
    %dot_general3A_988 = arith.constant dense<0.000000e+00> : vector<33x1024xf32>
    %dot_general3A_989 = tpu.matmul %get3A_975, %convert_element_type3A_982, %dot_general3A_988 {dimension_numbers = #tpu.dot_dimension_numbers<[1], [0], [0], [1], [0, 0, 1, 1], [], []>, transpose_lhs_hint = false} : vector<33x128xbf16>, vector<128x1024xbf16>, vector<33x1024xf32> -> vector<33x1024xf32>
    %add3A_990 = arith.addf %add3A_987, %dot_general3A_989 : vector<33x1024xf32>
    %slice3A_991 = vector.extract_strided_slice %add3A_990 {offsets = [0, 0], sizes = [32, 1024], strides = [1, 1]} : vector<33x1024xf32> to vector<32x1024xf32>
    %get3A_992 = arith.constant 0 : index
    %get3A_993 = arith.constant 0 : index
    %get3A_994 = vector.load %arg12[%get3A_992, %get3A_993] : memref<32x1xf32, #tpu.memory_space<vmem>>, vector<32x1xf32>
    %add3A_995 = vector.broadcast %get3A_994 : vector<32x1xf32> to vector<32x1024xf32>
    %add3A_996 = arith.addf %slice3A_991, %add3A_995 : vector<32x1024xf32>
    %max3A_997 = arith.constant 0.000000e+00 : f32
    %max3A_998 = vector.broadcast %max3A_997 : f32 to vector<32x1024xf32>
    %max3A_999 = arith.maximumf %add3A_996, %max3A_998 : vector<32x1024xf32>
    %get3A_1000 = arith.constant 0 : index
    %get3A_1001 = arith.constant 0 : index
    %get3A_1002 = vector.load %arg13[%get3A_1000, %get3A_1001] : memref<32x1xf32, #tpu.memory_space<vmem>>, vector<32x1xf32>
    %mul3A_1003 = vector.broadcast %get3A_1002 : vector<32x1xf32> to vector<32x1024xf32>
    %mul3A_1004 = arith.mulf %max3A_999, %mul3A_1003 : vector<32x1024xf32>
    %reduce_sum3A_1005 = arith.constant dense<0.000000e+00> : vector<1024xf32>
    %reduce_sum3A_1006 = vector.multi_reduction <add>, %mul3A_1004, %reduce_sum3A_1005 [0] : vector<32x1024xf32> to vector<1024xf32>
    %broadcast_in_dim3A_1007 = vector.shape_cast %reduce_sum3A_1006 : vector<1024xf32> to vector<1x1024xf32>
    %slice3A_1008 = vector.extract_strided_slice %add3A_990 {offsets = [32, 0], sizes = [1, 1024], strides = [1, 1]} : vector<33x1024xf32> to vector<1x1024xf32>
    %get3A_1009 = arith.constant 9 : index
    %get3A_1010 = arith.constant 0 : index
    %get3A_1011 = arith.constant 0 : index
    %get3A_1012 = vector.load %arg1[%get3A_1009, %get3A_1010, %get3A_1011] : memref<16x64x1024xf32, #tpu.memory_space<vmem>>, vector<1x64x1024xf32>
    %get3A_1013 = vector.shape_cast %get3A_1012 : vector<1x64x1024xf32> to vector<64x1024xf32>
    %get3A_1014 = arith.constant 9 : index
    %get3A_1015 = arith.constant 0 : index
    %get3A_1016 = arith.constant 0 : index
    %get3A_1017 = vector.load %arg2[%get3A_1014, %get3A_1015, %get3A_1016] : memref<16x64x1024xf32, #tpu.memory_space<vmem>>, vector<1x64x1024xf32>
    %get3A_1018 = vector.shape_cast %get3A_1017 : vector<1x64x1024xf32> to vector<64x1024xf32>
    %slice3A_1019 = vector.extract_strided_slice %transpose3A {offsets = [0, 9], sizes = [64, 1], strides = [1, 1]} : vector<64x16xf32> to vector<64x1xf32>
    %slice3A_1020 = vector.extract_strided_slice %transpose3A_11 {offsets = [0, 9], sizes = [64, 1], strides = [1, 1]} : vector<64x16xf32> to vector<64x1xf32>
    %mul3A_1021 = vector.broadcast %slice3A_1019 : vector<64x1xf32> to vector<64x1024xf32>
    %mul3A_1022 = arith.mulf %mul3A_1021, %get3A_1 : vector<64x1024xf32>
    %concatenate3A_1023 = tpu.concatenate %mul3A_1022, %get3A_1018 in 0 : vector<64x1024xf32>, vector<64x1024xf32> -> vector<128x1024xf32>
    %get3A_1024 = arith.constant 0 : index
    %get3A_1025 = arith.constant 0 : index
    %get3A_1026 = vector.load %arg7[%get3A_1024, %get3A_1025] : memref<128x128xbf16, #tpu.memory_space<vmem>>, vector<128x128xbf16>
    %get3A_1027 = arith.constant 0 : index
    %get3A_1028 = arith.constant 0 : index
    %get3A_1029 = vector.load %arg8[%get3A_1027, %get3A_1028] : memref<128x128xbf16, #tpu.memory_space<vmem>>, vector<128x128xbf16>
    %convert_element_type3A_1030 = arith.truncf %concatenate3A_1023 : vector<128x1024xf32> to vector<128x1024xbf16>
    %convert_element_type3A_1031 = arith.extf %convert_element_type3A_1030 : vector<128x1024xbf16> to vector<128x1024xf32>
    %sub3A_1032 = arith.subf %concatenate3A_1023, %convert_element_type3A_1031 : vector<128x1024xf32>
    %convert_element_type3A_1033 = arith.truncf %sub3A_1032 : vector<128x1024xf32> to vector<128x1024xbf16>
    %dot_general3A_1034 = arith.constant dense<0.000000e+00> : vector<128x1024xf32>
    %dot_general3A_1035 = tpu.matmul %get3A_1026, %convert_element_type3A_1030, %dot_general3A_1034 {dimension_numbers = #tpu.dot_dimension_numbers<[1], [0], [0], [1], [0, 0, 1, 1], [], []>, transpose_lhs_hint = false} : vector<128x128xbf16>, vector<128x1024xbf16>, vector<128x1024xf32> -> vector<128x1024xf32>
    %dot_general3A_1036 = arith.constant dense<0.000000e+00> : vector<128x1024xf32>
    %dot_general3A_1037 = tpu.matmul %get3A_1029, %convert_element_type3A_1030, %dot_general3A_1036 {dimension_numbers = #tpu.dot_dimension_numbers<[1], [0], [0], [1], [0, 0, 1, 1], [], []>, transpose_lhs_hint = false} : vector<128x128xbf16>, vector<128x1024xbf16>, vector<128x1024xf32> -> vector<128x1024xf32>
    %add3A_1038 = arith.addf %dot_general3A_1035, %dot_general3A_1037 : vector<128x1024xf32>
    %dot_general3A_1039 = arith.constant dense<0.000000e+00> : vector<128x1024xf32>
    %dot_general3A_1040 = tpu.matmul %get3A_1026, %convert_element_type3A_1033, %dot_general3A_1039 {dimension_numbers = #tpu.dot_dimension_numbers<[1], [0], [0], [1], [0, 0, 1, 1], [], []>, transpose_lhs_hint = false} : vector<128x128xbf16>, vector<128x1024xbf16>, vector<128x1024xf32> -> vector<128x1024xf32>
    %add3A_1041 = arith.addf %add3A_1038, %dot_general3A_1040 : vector<128x1024xf32>
    %slice3A_1042 = vector.extract_strided_slice %add3A_1041 {offsets = [0, 0], sizes = [64, 1024], strides = [1, 1]} : vector<128x1024xf32> to vector<64x1024xf32>
    %add3A_1043 = arith.addf %get3A_1013, %slice3A_1042 : vector<64x1024xf32>
    %add3A_1044 = vector.broadcast %slice3A_1020 : vector<64x1xf32> to vector<64x1024xf32>
    %add3A_1045 = arith.addf %add3A_1043, %add3A_1044 : vector<64x1024xf32>
    %add3A_1046 = arith.addf %add3A_1045, %get3A_4 : vector<64x1024xf32>
    %slice3A_1047 = vector.extract_strided_slice %add3A_1041 {offsets = [64, 0], sizes = [64, 1024], strides = [1, 1]} : vector<128x1024xf32> to vector<64x1024xf32>
    %get3A_1048 = arith.constant 0 : index
    %get3A_1049 = arith.constant 0 : index
    %get3A_1050 = vector.load %arg9[%get3A_1048, %get3A_1049] : memref<64x1xf32, #tpu.memory_space<vmem>>, vector<64x1xf32>
    %add3A_1051 = vector.broadcast %get3A_1050 : vector<64x1xf32> to vector<64x1024xf32>
    %add3A_1052 = arith.addf %slice3A_1047, %add3A_1051 : vector<64x1024xf32>
    %concatenate3A_1053 = tpu.concatenate %add3A_1046, %add3A_1052 in 0 : vector<64x1024xf32>, vector<64x1024xf32> -> vector<128x1024xf32>
    %reduce_sum3A_1054 = arith.constant dense<0.000000e+00> : vector<1024xf32>
    %reduce_sum3A_1055 = vector.multi_reduction <add>, %concatenate3A_1053, %reduce_sum3A_1054 [0] : vector<128x1024xf32> to vector<1024xf32>
    %broadcast_in_dim3A_1056 = vector.shape_cast %reduce_sum3A_1055 : vector<1024xf32> to vector<1x1024xf32>
    %mul3A_1057 = arith.constant 7.812500e-03 : f32
    %mul3A_1058 = vector.broadcast %mul3A_1057 : f32 to vector<1x1024xf32>
    %mul3A_1059 = arith.mulf %broadcast_in_dim3A_1056, %mul3A_1058 : vector<1x1024xf32>
    %sub3A_1060 = vector.broadcast %mul3A_1059 : vector<1x1024xf32> to vector<128x1024xf32>
    %sub3A_1061 = arith.subf %concatenate3A_1053, %sub3A_1060 : vector<128x1024xf32>
    %mul3A_1062 = arith.mulf %sub3A_1061, %sub3A_1061 : vector<128x1024xf32>
    %reduce_sum3A_1063 = arith.constant dense<0.000000e+00> : vector<1024xf32>
    %reduce_sum3A_1064 = vector.multi_reduction <add>, %mul3A_1062, %reduce_sum3A_1063 [0] : vector<128x1024xf32> to vector<1024xf32>
    %broadcast_in_dim3A_1065 = vector.shape_cast %reduce_sum3A_1064 : vector<1024xf32> to vector<1x1024xf32>
    %mul3A_1066 = arith.constant 7.812500e-03 : f32
    %mul3A_1067 = vector.broadcast %mul3A_1066 : f32 to vector<1x1024xf32>
    %mul3A_1068 = arith.mulf %broadcast_in_dim3A_1065, %mul3A_1067 : vector<1x1024xf32>
    %add3A_1069 = arith.constant 9.99999974E-6 : f32
    %add3A_1070 = vector.broadcast %add3A_1069 : f32 to vector<1x1024xf32>
    %add3A_1071 = arith.addf %mul3A_1068, %add3A_1070 : vector<1x1024xf32>
    %rsqrt3A_1072 = math.rsqrt %add3A_1071 : vector<1x1024xf32>
    %mul3A_1073 = vector.broadcast %rsqrt3A_1072 : vector<1x1024xf32> to vector<128x1024xf32>
    %mul3A_1074 = arith.mulf %sub3A_1061, %mul3A_1073 : vector<128x1024xf32>
    %get3A_1075 = arith.constant 0 : index
    %get3A_1076 = arith.constant 0 : index
    %get3A_1077 = vector.load %arg10[%get3A_1075, %get3A_1076] : memref<128x1xf32, #tpu.memory_space<vmem>>, vector<128x1xf32>
    %mul3A_1078 = vector.broadcast %get3A_1077 : vector<128x1xf32> to vector<128x1024xf32>
    %mul3A_1079 = arith.mulf %mul3A_1074, %mul3A_1078 : vector<128x1024xf32>
    %get3A_1080 = arith.constant 0 : index
    %get3A_1081 = arith.constant 0 : index
    %get3A_1082 = vector.load %arg11[%get3A_1080, %get3A_1081] : memref<128x1xf32, #tpu.memory_space<vmem>>, vector<128x1xf32>
    %add3A_1083 = vector.broadcast %get3A_1082 : vector<128x1xf32> to vector<128x1024xf32>
    %add3A_1084 = arith.addf %mul3A_1079, %add3A_1083 : vector<128x1024xf32>
    %get3A_1085 = arith.constant 0 : index
    %get3A_1086 = arith.constant 0 : index
    %get3A_1087 = vector.load %arg14[%get3A_1085, %get3A_1086] : memref<33x128xbf16, #tpu.memory_space<vmem>>, vector<33x128xbf16>
    %get3A_1088 = arith.constant 0 : index
    %get3A_1089 = arith.constant 0 : index
    %get3A_1090 = vector.load %arg15[%get3A_1088, %get3A_1089] : memref<33x128xbf16, #tpu.memory_space<vmem>>, vector<33x128xbf16>
    %convert_element_type3A_1091 = arith.truncf %add3A_1084 : vector<128x1024xf32> to vector<128x1024xbf16>
    %convert_element_type3A_1092 = arith.extf %convert_element_type3A_1091 : vector<128x1024xbf16> to vector<128x1024xf32>
    %sub3A_1093 = arith.subf %add3A_1084, %convert_element_type3A_1092 : vector<128x1024xf32>
    %convert_element_type3A_1094 = arith.truncf %sub3A_1093 : vector<128x1024xf32> to vector<128x1024xbf16>
    %dot_general3A_1095 = arith.constant dense<0.000000e+00> : vector<33x1024xf32>
    %dot_general3A_1096 = tpu.matmul %get3A_1087, %convert_element_type3A_1091, %dot_general3A_1095 {dimension_numbers = #tpu.dot_dimension_numbers<[1], [0], [0], [1], [0, 0, 1, 1], [], []>, transpose_lhs_hint = false} : vector<33x128xbf16>, vector<128x1024xbf16>, vector<33x1024xf32> -> vector<33x1024xf32>
    %dot_general3A_1097 = arith.constant dense<0.000000e+00> : vector<33x1024xf32>
    %dot_general3A_1098 = tpu.matmul %get3A_1090, %convert_element_type3A_1091, %dot_general3A_1097 {dimension_numbers = #tpu.dot_dimension_numbers<[1], [0], [0], [1], [0, 0, 1, 1], [], []>, transpose_lhs_hint = false} : vector<33x128xbf16>, vector<128x1024xbf16>, vector<33x1024xf32> -> vector<33x1024xf32>
    %add3A_1099 = arith.addf %dot_general3A_1096, %dot_general3A_1098 : vector<33x1024xf32>
    %dot_general3A_1100 = arith.constant dense<0.000000e+00> : vector<33x1024xf32>
    %dot_general3A_1101 = tpu.matmul %get3A_1087, %convert_element_type3A_1094, %dot_general3A_1100 {dimension_numbers = #tpu.dot_dimension_numbers<[1], [0], [0], [1], [0, 0, 1, 1], [], []>, transpose_lhs_hint = false} : vector<33x128xbf16>, vector<128x1024xbf16>, vector<33x1024xf32> -> vector<33x1024xf32>
    %add3A_1102 = arith.addf %add3A_1099, %dot_general3A_1101 : vector<33x1024xf32>
    %slice3A_1103 = vector.extract_strided_slice %add3A_1102 {offsets = [0, 0], sizes = [32, 1024], strides = [1, 1]} : vector<33x1024xf32> to vector<32x1024xf32>
    %get3A_1104 = arith.constant 0 : index
    %get3A_1105 = arith.constant 0 : index
    %get3A_1106 = vector.load %arg12[%get3A_1104, %get3A_1105] : memref<32x1xf32, #tpu.memory_space<vmem>>, vector<32x1xf32>
    %add3A_1107 = vector.broadcast %get3A_1106 : vector<32x1xf32> to vector<32x1024xf32>
    %add3A_1108 = arith.addf %slice3A_1103, %add3A_1107 : vector<32x1024xf32>
    %max3A_1109 = arith.constant 0.000000e+00 : f32
    %max3A_1110 = vector.broadcast %max3A_1109 : f32 to vector<32x1024xf32>
    %max3A_1111 = arith.maximumf %add3A_1108, %max3A_1110 : vector<32x1024xf32>
    %get3A_1112 = arith.constant 0 : index
    %get3A_1113 = arith.constant 0 : index
    %get3A_1114 = vector.load %arg13[%get3A_1112, %get3A_1113] : memref<32x1xf32, #tpu.memory_space<vmem>>, vector<32x1xf32>
    %mul3A_1115 = vector.broadcast %get3A_1114 : vector<32x1xf32> to vector<32x1024xf32>
    %mul3A_1116 = arith.mulf %max3A_1111, %mul3A_1115 : vector<32x1024xf32>
    %reduce_sum3A_1117 = arith.constant dense<0.000000e+00> : vector<1024xf32>
    %reduce_sum3A_1118 = vector.multi_reduction <add>, %mul3A_1116, %reduce_sum3A_1117 [0] : vector<32x1024xf32> to vector<1024xf32>
    %broadcast_in_dim3A_1119 = vector.shape_cast %reduce_sum3A_1118 : vector<1024xf32> to vector<1x1024xf32>
    %slice3A_1120 = vector.extract_strided_slice %add3A_1102 {offsets = [32, 0], sizes = [1, 1024], strides = [1, 1]} : vector<33x1024xf32> to vector<1x1024xf32>
    %get3A_1121 = arith.constant 10 : index
    %get3A_1122 = arith.constant 0 : index
    %get3A_1123 = arith.constant 0 : index
    %get3A_1124 = vector.load %arg1[%get3A_1121, %get3A_1122, %get3A_1123] : memref<16x64x1024xf32, #tpu.memory_space<vmem>>, vector<1x64x1024xf32>
    %get3A_1125 = vector.shape_cast %get3A_1124 : vector<1x64x1024xf32> to vector<64x1024xf32>
    %get3A_1126 = arith.constant 10 : index
    %get3A_1127 = arith.constant 0 : index
    %get3A_1128 = arith.constant 0 : index
    %get3A_1129 = vector.load %arg2[%get3A_1126, %get3A_1127, %get3A_1128] : memref<16x64x1024xf32, #tpu.memory_space<vmem>>, vector<1x64x1024xf32>
    %get3A_1130 = vector.shape_cast %get3A_1129 : vector<1x64x1024xf32> to vector<64x1024xf32>
    %slice3A_1131 = vector.extract_strided_slice %transpose3A {offsets = [0, 10], sizes = [64, 1], strides = [1, 1]} : vector<64x16xf32> to vector<64x1xf32>
    %slice3A_1132 = vector.extract_strided_slice %transpose3A_11 {offsets = [0, 10], sizes = [64, 1], strides = [1, 1]} : vector<64x16xf32> to vector<64x1xf32>
    %mul3A_1133 = vector.broadcast %slice3A_1131 : vector<64x1xf32> to vector<64x1024xf32>
    %mul3A_1134 = arith.mulf %mul3A_1133, %get3A_1 : vector<64x1024xf32>
    %concatenate3A_1135 = tpu.concatenate %mul3A_1134, %get3A_1130 in 0 : vector<64x1024xf32>, vector<64x1024xf32> -> vector<128x1024xf32>
    %get3A_1136 = arith.constant 0 : index
    %get3A_1137 = arith.constant 0 : index
    %get3A_1138 = vector.load %arg7[%get3A_1136, %get3A_1137] : memref<128x128xbf16, #tpu.memory_space<vmem>>, vector<128x128xbf16>
    %get3A_1139 = arith.constant 0 : index
    %get3A_1140 = arith.constant 0 : index
    %get3A_1141 = vector.load %arg8[%get3A_1139, %get3A_1140] : memref<128x128xbf16, #tpu.memory_space<vmem>>, vector<128x128xbf16>
    %convert_element_type3A_1142 = arith.truncf %concatenate3A_1135 : vector<128x1024xf32> to vector<128x1024xbf16>
    %convert_element_type3A_1143 = arith.extf %convert_element_type3A_1142 : vector<128x1024xbf16> to vector<128x1024xf32>
    %sub3A_1144 = arith.subf %concatenate3A_1135, %convert_element_type3A_1143 : vector<128x1024xf32>
    %convert_element_type3A_1145 = arith.truncf %sub3A_1144 : vector<128x1024xf32> to vector<128x1024xbf16>
    %dot_general3A_1146 = arith.constant dense<0.000000e+00> : vector<128x1024xf32>
    %dot_general3A_1147 = tpu.matmul %get3A_1138, %convert_element_type3A_1142, %dot_general3A_1146 {dimension_numbers = #tpu.dot_dimension_numbers<[1], [0], [0], [1], [0, 0, 1, 1], [], []>, transpose_lhs_hint = false} : vector<128x128xbf16>, vector<128x1024xbf16>, vector<128x1024xf32> -> vector<128x1024xf32>
    %dot_general3A_1148 = arith.constant dense<0.000000e+00> : vector<128x1024xf32>
    %dot_general3A_1149 = tpu.matmul %get3A_1141, %convert_element_type3A_1142, %dot_general3A_1148 {dimension_numbers = #tpu.dot_dimension_numbers<[1], [0], [0], [1], [0, 0, 1, 1], [], []>, transpose_lhs_hint = false} : vector<128x128xbf16>, vector<128x1024xbf16>, vector<128x1024xf32> -> vector<128x1024xf32>
    %add3A_1150 = arith.addf %dot_general3A_1147, %dot_general3A_1149 : vector<128x1024xf32>
    %dot_general3A_1151 = arith.constant dense<0.000000e+00> : vector<128x1024xf32>
    %dot_general3A_1152 = tpu.matmul %get3A_1138, %convert_element_type3A_1145, %dot_general3A_1151 {dimension_numbers = #tpu.dot_dimension_numbers<[1], [0], [0], [1], [0, 0, 1, 1], [], []>, transpose_lhs_hint = false} : vector<128x128xbf16>, vector<128x1024xbf16>, vector<128x1024xf32> -> vector<128x1024xf32>
    %add3A_1153 = arith.addf %add3A_1150, %dot_general3A_1152 : vector<128x1024xf32>
    %slice3A_1154 = vector.extract_strided_slice %add3A_1153 {offsets = [0, 0], sizes = [64, 1024], strides = [1, 1]} : vector<128x1024xf32> to vector<64x1024xf32>
    %add3A_1155 = arith.addf %get3A_1125, %slice3A_1154 : vector<64x1024xf32>
    %add3A_1156 = vector.broadcast %slice3A_1132 : vector<64x1xf32> to vector<64x1024xf32>
    %add3A_1157 = arith.addf %add3A_1155, %add3A_1156 : vector<64x1024xf32>
    %add3A_1158 = arith.addf %add3A_1157, %get3A_4 : vector<64x1024xf32>
    %slice3A_1159 = vector.extract_strided_slice %add3A_1153 {offsets = [64, 0], sizes = [64, 1024], strides = [1, 1]} : vector<128x1024xf32> to vector<64x1024xf32>
    %get3A_1160 = arith.constant 0 : index
    %get3A_1161 = arith.constant 0 : index
    %get3A_1162 = vector.load %arg9[%get3A_1160, %get3A_1161] : memref<64x1xf32, #tpu.memory_space<vmem>>, vector<64x1xf32>
    %add3A_1163 = vector.broadcast %get3A_1162 : vector<64x1xf32> to vector<64x1024xf32>
    %add3A_1164 = arith.addf %slice3A_1159, %add3A_1163 : vector<64x1024xf32>
    %concatenate3A_1165 = tpu.concatenate %add3A_1158, %add3A_1164 in 0 : vector<64x1024xf32>, vector<64x1024xf32> -> vector<128x1024xf32>
    %reduce_sum3A_1166 = arith.constant dense<0.000000e+00> : vector<1024xf32>
    %reduce_sum3A_1167 = vector.multi_reduction <add>, %concatenate3A_1165, %reduce_sum3A_1166 [0] : vector<128x1024xf32> to vector<1024xf32>
    %broadcast_in_dim3A_1168 = vector.shape_cast %reduce_sum3A_1167 : vector<1024xf32> to vector<1x1024xf32>
    %mul3A_1169 = arith.constant 7.812500e-03 : f32
    %mul3A_1170 = vector.broadcast %mul3A_1169 : f32 to vector<1x1024xf32>
    %mul3A_1171 = arith.mulf %broadcast_in_dim3A_1168, %mul3A_1170 : vector<1x1024xf32>
    %sub3A_1172 = vector.broadcast %mul3A_1171 : vector<1x1024xf32> to vector<128x1024xf32>
    %sub3A_1173 = arith.subf %concatenate3A_1165, %sub3A_1172 : vector<128x1024xf32>
    %mul3A_1174 = arith.mulf %sub3A_1173, %sub3A_1173 : vector<128x1024xf32>
    %reduce_sum3A_1175 = arith.constant dense<0.000000e+00> : vector<1024xf32>
    %reduce_sum3A_1176 = vector.multi_reduction <add>, %mul3A_1174, %reduce_sum3A_1175 [0] : vector<128x1024xf32> to vector<1024xf32>
    %broadcast_in_dim3A_1177 = vector.shape_cast %reduce_sum3A_1176 : vector<1024xf32> to vector<1x1024xf32>
    %mul3A_1178 = arith.constant 7.812500e-03 : f32
    %mul3A_1179 = vector.broadcast %mul3A_1178 : f32 to vector<1x1024xf32>
    %mul3A_1180 = arith.mulf %broadcast_in_dim3A_1177, %mul3A_1179 : vector<1x1024xf32>
    %add3A_1181 = arith.constant 9.99999974E-6 : f32
    %add3A_1182 = vector.broadcast %add3A_1181 : f32 to vector<1x1024xf32>
    %add3A_1183 = arith.addf %mul3A_1180, %add3A_1182 : vector<1x1024xf32>
    %rsqrt3A_1184 = math.rsqrt %add3A_1183 : vector<1x1024xf32>
    %mul3A_1185 = vector.broadcast %rsqrt3A_1184 : vector<1x1024xf32> to vector<128x1024xf32>
    %mul3A_1186 = arith.mulf %sub3A_1173, %mul3A_1185 : vector<128x1024xf32>
    %get3A_1187 = arith.constant 0 : index
    %get3A_1188 = arith.constant 0 : index
    %get3A_1189 = vector.load %arg10[%get3A_1187, %get3A_1188] : memref<128x1xf32, #tpu.memory_space<vmem>>, vector<128x1xf32>
    %mul3A_1190 = vector.broadcast %get3A_1189 : vector<128x1xf32> to vector<128x1024xf32>
    %mul3A_1191 = arith.mulf %mul3A_1186, %mul3A_1190 : vector<128x1024xf32>
    %get3A_1192 = arith.constant 0 : index
    %get3A_1193 = arith.constant 0 : index
    %get3A_1194 = vector.load %arg11[%get3A_1192, %get3A_1193] : memref<128x1xf32, #tpu.memory_space<vmem>>, vector<128x1xf32>
    %add3A_1195 = vector.broadcast %get3A_1194 : vector<128x1xf32> to vector<128x1024xf32>
    %add3A_1196 = arith.addf %mul3A_1191, %add3A_1195 : vector<128x1024xf32>
    %get3A_1197 = arith.constant 0 : index
    %get3A_1198 = arith.constant 0 : index
    %get3A_1199 = vector.load %arg14[%get3A_1197, %get3A_1198] : memref<33x128xbf16, #tpu.memory_space<vmem>>, vector<33x128xbf16>
    %get3A_1200 = arith.constant 0 : index
    %get3A_1201 = arith.constant 0 : index
    %get3A_1202 = vector.load %arg15[%get3A_1200, %get3A_1201] : memref<33x128xbf16, #tpu.memory_space<vmem>>, vector<33x128xbf16>
    %convert_element_type3A_1203 = arith.truncf %add3A_1196 : vector<128x1024xf32> to vector<128x1024xbf16>
    %convert_element_type3A_1204 = arith.extf %convert_element_type3A_1203 : vector<128x1024xbf16> to vector<128x1024xf32>
    %sub3A_1205 = arith.subf %add3A_1196, %convert_element_type3A_1204 : vector<128x1024xf32>
    %convert_element_type3A_1206 = arith.truncf %sub3A_1205 : vector<128x1024xf32> to vector<128x1024xbf16>
    %dot_general3A_1207 = arith.constant dense<0.000000e+00> : vector<33x1024xf32>
    %dot_general3A_1208 = tpu.matmul %get3A_1199, %convert_element_type3A_1203, %dot_general3A_1207 {dimension_numbers = #tpu.dot_dimension_numbers<[1], [0], [0], [1], [0, 0, 1, 1], [], []>, transpose_lhs_hint = false} : vector<33x128xbf16>, vector<128x1024xbf16>, vector<33x1024xf32> -> vector<33x1024xf32>
    %dot_general3A_1209 = arith.constant dense<0.000000e+00> : vector<33x1024xf32>
    %dot_general3A_1210 = tpu.matmul %get3A_1202, %convert_element_type3A_1203, %dot_general3A_1209 {dimension_numbers = #tpu.dot_dimension_numbers<[1], [0], [0], [1], [0, 0, 1, 1], [], []>, transpose_lhs_hint = false} : vector<33x128xbf16>, vector<128x1024xbf16>, vector<33x1024xf32> -> vector<33x1024xf32>
    %add3A_1211 = arith.addf %dot_general3A_1208, %dot_general3A_1210 : vector<33x1024xf32>
    %dot_general3A_1212 = arith.constant dense<0.000000e+00> : vector<33x1024xf32>
    %dot_general3A_1213 = tpu.matmul %get3A_1199, %convert_element_type3A_1206, %dot_general3A_1212 {dimension_numbers = #tpu.dot_dimension_numbers<[1], [0], [0], [1], [0, 0, 1, 1], [], []>, transpose_lhs_hint = false} : vector<33x128xbf16>, vector<128x1024xbf16>, vector<33x1024xf32> -> vector<33x1024xf32>
    %add3A_1214 = arith.addf %add3A_1211, %dot_general3A_1213 : vector<33x1024xf32>
    %slice3A_1215 = vector.extract_strided_slice %add3A_1214 {offsets = [0, 0], sizes = [32, 1024], strides = [1, 1]} : vector<33x1024xf32> to vector<32x1024xf32>
    %get3A_1216 = arith.constant 0 : index
    %get3A_1217 = arith.constant 0 : index
    %get3A_1218 = vector.load %arg12[%get3A_1216, %get3A_1217] : memref<32x1xf32, #tpu.memory_space<vmem>>, vector<32x1xf32>
    %add3A_1219 = vector.broadcast %get3A_1218 : vector<32x1xf32> to vector<32x1024xf32>
    %add3A_1220 = arith.addf %slice3A_1215, %add3A_1219 : vector<32x1024xf32>
    %max3A_1221 = arith.constant 0.000000e+00 : f32
    %max3A_1222 = vector.broadcast %max3A_1221 : f32 to vector<32x1024xf32>
    %max3A_1223 = arith.maximumf %add3A_1220, %max3A_1222 : vector<32x1024xf32>
    %get3A_1224 = arith.constant 0 : index
    %get3A_1225 = arith.constant 0 : index
    %get3A_1226 = vector.load %arg13[%get3A_1224, %get3A_1225] : memref<32x1xf32, #tpu.memory_space<vmem>>, vector<32x1xf32>
    %mul3A_1227 = vector.broadcast %get3A_1226 : vector<32x1xf32> to vector<32x1024xf32>
    %mul3A_1228 = arith.mulf %max3A_1223, %mul3A_1227 : vector<32x1024xf32>
    %reduce_sum3A_1229 = arith.constant dense<0.000000e+00> : vector<1024xf32>
    %reduce_sum3A_1230 = vector.multi_reduction <add>, %mul3A_1228, %reduce_sum3A_1229 [0] : vector<32x1024xf32> to vector<1024xf32>
    %broadcast_in_dim3A_1231 = vector.shape_cast %reduce_sum3A_1230 : vector<1024xf32> to vector<1x1024xf32>
    %slice3A_1232 = vector.extract_strided_slice %add3A_1214 {offsets = [32, 0], sizes = [1, 1024], strides = [1, 1]} : vector<33x1024xf32> to vector<1x1024xf32>
    %get3A_1233 = arith.constant 11 : index
    %get3A_1234 = arith.constant 0 : index
    %get3A_1235 = arith.constant 0 : index
    %get3A_1236 = vector.load %arg1[%get3A_1233, %get3A_1234, %get3A_1235] : memref<16x64x1024xf32, #tpu.memory_space<vmem>>, vector<1x64x1024xf32>
    %get3A_1237 = vector.shape_cast %get3A_1236 : vector<1x64x1024xf32> to vector<64x1024xf32>
    %get3A_1238 = arith.constant 11 : index
    %get3A_1239 = arith.constant 0 : index
    %get3A_1240 = arith.constant 0 : index
    %get3A_1241 = vector.load %arg2[%get3A_1238, %get3A_1239, %get3A_1240] : memref<16x64x1024xf32, #tpu.memory_space<vmem>>, vector<1x64x1024xf32>
    %get3A_1242 = vector.shape_cast %get3A_1241 : vector<1x64x1024xf32> to vector<64x1024xf32>
    %slice3A_1243 = vector.extract_strided_slice %transpose3A {offsets = [0, 11], sizes = [64, 1], strides = [1, 1]} : vector<64x16xf32> to vector<64x1xf32>
    %slice3A_1244 = vector.extract_strided_slice %transpose3A_11 {offsets = [0, 11], sizes = [64, 1], strides = [1, 1]} : vector<64x16xf32> to vector<64x1xf32>
    %mul3A_1245 = vector.broadcast %slice3A_1243 : vector<64x1xf32> to vector<64x1024xf32>
    %mul3A_1246 = arith.mulf %mul3A_1245, %get3A_1 : vector<64x1024xf32>
    %concatenate3A_1247 = tpu.concatenate %mul3A_1246, %get3A_1242 in 0 : vector<64x1024xf32>, vector<64x1024xf32> -> vector<128x1024xf32>
    %get3A_1248 = arith.constant 0 : index
    %get3A_1249 = arith.constant 0 : index
    %get3A_1250 = vector.load %arg7[%get3A_1248, %get3A_1249] : memref<128x128xbf16, #tpu.memory_space<vmem>>, vector<128x128xbf16>
    %get3A_1251 = arith.constant 0 : index
    %get3A_1252 = arith.constant 0 : index
    %get3A_1253 = vector.load %arg8[%get3A_1251, %get3A_1252] : memref<128x128xbf16, #tpu.memory_space<vmem>>, vector<128x128xbf16>
    %convert_element_type3A_1254 = arith.truncf %concatenate3A_1247 : vector<128x1024xf32> to vector<128x1024xbf16>
    %convert_element_type3A_1255 = arith.extf %convert_element_type3A_1254 : vector<128x1024xbf16> to vector<128x1024xf32>
    %sub3A_1256 = arith.subf %concatenate3A_1247, %convert_element_type3A_1255 : vector<128x1024xf32>
    %convert_element_type3A_1257 = arith.truncf %sub3A_1256 : vector<128x1024xf32> to vector<128x1024xbf16>
    %dot_general3A_1258 = arith.constant dense<0.000000e+00> : vector<128x1024xf32>
    %dot_general3A_1259 = tpu.matmul %get3A_1250, %convert_element_type3A_1254, %dot_general3A_1258 {dimension_numbers = #tpu.dot_dimension_numbers<[1], [0], [0], [1], [0, 0, 1, 1], [], []>, transpose_lhs_hint = false} : vector<128x128xbf16>, vector<128x1024xbf16>, vector<128x1024xf32> -> vector<128x1024xf32>
    %dot_general3A_1260 = arith.constant dense<0.000000e+00> : vector<128x1024xf32>
    %dot_general3A_1261 = tpu.matmul %get3A_1253, %convert_element_type3A_1254, %dot_general3A_1260 {dimension_numbers = #tpu.dot_dimension_numbers<[1], [0], [0], [1], [0, 0, 1, 1], [], []>, transpose_lhs_hint = false} : vector<128x128xbf16>, vector<128x1024xbf16>, vector<128x1024xf32> -> vector<128x1024xf32>
    %add3A_1262 = arith.addf %dot_general3A_1259, %dot_general3A_1261 : vector<128x1024xf32>
    %dot_general3A_1263 = arith.constant dense<0.000000e+00> : vector<128x1024xf32>
    %dot_general3A_1264 = tpu.matmul %get3A_1250, %convert_element_type3A_1257, %dot_general3A_1263 {dimension_numbers = #tpu.dot_dimension_numbers<[1], [0], [0], [1], [0, 0, 1, 1], [], []>, transpose_lhs_hint = false} : vector<128x128xbf16>, vector<128x1024xbf16>, vector<128x1024xf32> -> vector<128x1024xf32>
    %add3A_1265 = arith.addf %add3A_1262, %dot_general3A_1264 : vector<128x1024xf32>
    %slice3A_1266 = vector.extract_strided_slice %add3A_1265 {offsets = [0, 0], sizes = [64, 1024], strides = [1, 1]} : vector<128x1024xf32> to vector<64x1024xf32>
    %add3A_1267 = arith.addf %get3A_1237, %slice3A_1266 : vector<64x1024xf32>
    %add3A_1268 = vector.broadcast %slice3A_1244 : vector<64x1xf32> to vector<64x1024xf32>
    %add3A_1269 = arith.addf %add3A_1267, %add3A_1268 : vector<64x1024xf32>
    %add3A_1270 = arith.addf %add3A_1269, %get3A_4 : vector<64x1024xf32>
    %slice3A_1271 = vector.extract_strided_slice %add3A_1265 {offsets = [64, 0], sizes = [64, 1024], strides = [1, 1]} : vector<128x1024xf32> to vector<64x1024xf32>
    %get3A_1272 = arith.constant 0 : index
    %get3A_1273 = arith.constant 0 : index
    %get3A_1274 = vector.load %arg9[%get3A_1272, %get3A_1273] : memref<64x1xf32, #tpu.memory_space<vmem>>, vector<64x1xf32>
    %add3A_1275 = vector.broadcast %get3A_1274 : vector<64x1xf32> to vector<64x1024xf32>
    %add3A_1276 = arith.addf %slice3A_1271, %add3A_1275 : vector<64x1024xf32>
    %concatenate3A_1277 = tpu.concatenate %add3A_1270, %add3A_1276 in 0 : vector<64x1024xf32>, vector<64x1024xf32> -> vector<128x1024xf32>
    %reduce_sum3A_1278 = arith.constant dense<0.000000e+00> : vector<1024xf32>
    %reduce_sum3A_1279 = vector.multi_reduction <add>, %concatenate3A_1277, %reduce_sum3A_1278 [0] : vector<128x1024xf32> to vector<1024xf32>
    %broadcast_in_dim3A_1280 = vector.shape_cast %reduce_sum3A_1279 : vector<1024xf32> to vector<1x1024xf32>
    %mul3A_1281 = arith.constant 7.812500e-03 : f32
    %mul3A_1282 = vector.broadcast %mul3A_1281 : f32 to vector<1x1024xf32>
    %mul3A_1283 = arith.mulf %broadcast_in_dim3A_1280, %mul3A_1282 : vector<1x1024xf32>
    %sub3A_1284 = vector.broadcast %mul3A_1283 : vector<1x1024xf32> to vector<128x1024xf32>
    %sub3A_1285 = arith.subf %concatenate3A_1277, %sub3A_1284 : vector<128x1024xf32>
    %mul3A_1286 = arith.mulf %sub3A_1285, %sub3A_1285 : vector<128x1024xf32>
    %reduce_sum3A_1287 = arith.constant dense<0.000000e+00> : vector<1024xf32>
    %reduce_sum3A_1288 = vector.multi_reduction <add>, %mul3A_1286, %reduce_sum3A_1287 [0] : vector<128x1024xf32> to vector<1024xf32>
    %broadcast_in_dim3A_1289 = vector.shape_cast %reduce_sum3A_1288 : vector<1024xf32> to vector<1x1024xf32>
    %mul3A_1290 = arith.constant 7.812500e-03 : f32
    %mul3A_1291 = vector.broadcast %mul3A_1290 : f32 to vector<1x1024xf32>
    %mul3A_1292 = arith.mulf %broadcast_in_dim3A_1289, %mul3A_1291 : vector<1x1024xf32>
    %add3A_1293 = arith.constant 9.99999974E-6 : f32
    %add3A_1294 = vector.broadcast %add3A_1293 : f32 to vector<1x1024xf32>
    %add3A_1295 = arith.addf %mul3A_1292, %add3A_1294 : vector<1x1024xf32>
    %rsqrt3A_1296 = math.rsqrt %add3A_1295 : vector<1x1024xf32>
    %mul3A_1297 = vector.broadcast %rsqrt3A_1296 : vector<1x1024xf32> to vector<128x1024xf32>
    %mul3A_1298 = arith.mulf %sub3A_1285, %mul3A_1297 : vector<128x1024xf32>
    %get3A_1299 = arith.constant 0 : index
    %get3A_1300 = arith.constant 0 : index
    %get3A_1301 = vector.load %arg10[%get3A_1299, %get3A_1300] : memref<128x1xf32, #tpu.memory_space<vmem>>, vector<128x1xf32>
    %mul3A_1302 = vector.broadcast %get3A_1301 : vector<128x1xf32> to vector<128x1024xf32>
    %mul3A_1303 = arith.mulf %mul3A_1298, %mul3A_1302 : vector<128x1024xf32>
    %get3A_1304 = arith.constant 0 : index
    %get3A_1305 = arith.constant 0 : index
    %get3A_1306 = vector.load %arg11[%get3A_1304, %get3A_1305] : memref<128x1xf32, #tpu.memory_space<vmem>>, vector<128x1xf32>
    %add3A_1307 = vector.broadcast %get3A_1306 : vector<128x1xf32> to vector<128x1024xf32>
    %add3A_1308 = arith.addf %mul3A_1303, %add3A_1307 : vector<128x1024xf32>
    %get3A_1309 = arith.constant 0 : index
    %get3A_1310 = arith.constant 0 : index
    %get3A_1311 = vector.load %arg14[%get3A_1309, %get3A_1310] : memref<33x128xbf16, #tpu.memory_space<vmem>>, vector<33x128xbf16>
    %get3A_1312 = arith.constant 0 : index
    %get3A_1313 = arith.constant 0 : index
    %get3A_1314 = vector.load %arg15[%get3A_1312, %get3A_1313] : memref<33x128xbf16, #tpu.memory_space<vmem>>, vector<33x128xbf16>
    %convert_element_type3A_1315 = arith.truncf %add3A_1308 : vector<128x1024xf32> to vector<128x1024xbf16>
    %convert_element_type3A_1316 = arith.extf %convert_element_type3A_1315 : vector<128x1024xbf16> to vector<128x1024xf32>
    %sub3A_1317 = arith.subf %add3A_1308, %convert_element_type3A_1316 : vector<128x1024xf32>
    %convert_element_type3A_1318 = arith.truncf %sub3A_1317 : vector<128x1024xf32> to vector<128x1024xbf16>
    %dot_general3A_1319 = arith.constant dense<0.000000e+00> : vector<33x1024xf32>
    %dot_general3A_1320 = tpu.matmul %get3A_1311, %convert_element_type3A_1315, %dot_general3A_1319 {dimension_numbers = #tpu.dot_dimension_numbers<[1], [0], [0], [1], [0, 0, 1, 1], [], []>, transpose_lhs_hint = false} : vector<33x128xbf16>, vector<128x1024xbf16>, vector<33x1024xf32> -> vector<33x1024xf32>
    %dot_general3A_1321 = arith.constant dense<0.000000e+00> : vector<33x1024xf32>
    %dot_general3A_1322 = tpu.matmul %get3A_1314, %convert_element_type3A_1315, %dot_general3A_1321 {dimension_numbers = #tpu.dot_dimension_numbers<[1], [0], [0], [1], [0, 0, 1, 1], [], []>, transpose_lhs_hint = false} : vector<33x128xbf16>, vector<128x1024xbf16>, vector<33x1024xf32> -> vector<33x1024xf32>
    %add3A_1323 = arith.addf %dot_general3A_1320, %dot_general3A_1322 : vector<33x1024xf32>
    %dot_general3A_1324 = arith.constant dense<0.000000e+00> : vector<33x1024xf32>
    %dot_general3A_1325 = tpu.matmul %get3A_1311, %convert_element_type3A_1318, %dot_general3A_1324 {dimension_numbers = #tpu.dot_dimension_numbers<[1], [0], [0], [1], [0, 0, 1, 1], [], []>, transpose_lhs_hint = false} : vector<33x128xbf16>, vector<128x1024xbf16>, vector<33x1024xf32> -> vector<33x1024xf32>
    %add3A_1326 = arith.addf %add3A_1323, %dot_general3A_1325 : vector<33x1024xf32>
    %slice3A_1327 = vector.extract_strided_slice %add3A_1326 {offsets = [0, 0], sizes = [32, 1024], strides = [1, 1]} : vector<33x1024xf32> to vector<32x1024xf32>
    %get3A_1328 = arith.constant 0 : index
    %get3A_1329 = arith.constant 0 : index
    %get3A_1330 = vector.load %arg12[%get3A_1328, %get3A_1329] : memref<32x1xf32, #tpu.memory_space<vmem>>, vector<32x1xf32>
    %add3A_1331 = vector.broadcast %get3A_1330 : vector<32x1xf32> to vector<32x1024xf32>
    %add3A_1332 = arith.addf %slice3A_1327, %add3A_1331 : vector<32x1024xf32>
    %max3A_1333 = arith.constant 0.000000e+00 : f32
    %max3A_1334 = vector.broadcast %max3A_1333 : f32 to vector<32x1024xf32>
    %max3A_1335 = arith.maximumf %add3A_1332, %max3A_1334 : vector<32x1024xf32>
    %get3A_1336 = arith.constant 0 : index
    %get3A_1337 = arith.constant 0 : index
    %get3A_1338 = vector.load %arg13[%get3A_1336, %get3A_1337] : memref<32x1xf32, #tpu.memory_space<vmem>>, vector<32x1xf32>
    %mul3A_1339 = vector.broadcast %get3A_1338 : vector<32x1xf32> to vector<32x1024xf32>
    %mul3A_1340 = arith.mulf %max3A_1335, %mul3A_1339 : vector<32x1024xf32>
    %reduce_sum3A_1341 = arith.constant dense<0.000000e+00> : vector<1024xf32>
    %reduce_sum3A_1342 = vector.multi_reduction <add>, %mul3A_1340, %reduce_sum3A_1341 [0] : vector<32x1024xf32> to vector<1024xf32>
    %broadcast_in_dim3A_1343 = vector.shape_cast %reduce_sum3A_1342 : vector<1024xf32> to vector<1x1024xf32>
    %slice3A_1344 = vector.extract_strided_slice %add3A_1326 {offsets = [32, 0], sizes = [1, 1024], strides = [1, 1]} : vector<33x1024xf32> to vector<1x1024xf32>
    %get3A_1345 = arith.constant 12 : index
    %get3A_1346 = arith.constant 0 : index
    %get3A_1347 = arith.constant 0 : index
    %get3A_1348 = vector.load %arg1[%get3A_1345, %get3A_1346, %get3A_1347] : memref<16x64x1024xf32, #tpu.memory_space<vmem>>, vector<1x64x1024xf32>
    %get3A_1349 = vector.shape_cast %get3A_1348 : vector<1x64x1024xf32> to vector<64x1024xf32>
    %get3A_1350 = arith.constant 12 : index
    %get3A_1351 = arith.constant 0 : index
    %get3A_1352 = arith.constant 0 : index
    %get3A_1353 = vector.load %arg2[%get3A_1350, %get3A_1351, %get3A_1352] : memref<16x64x1024xf32, #tpu.memory_space<vmem>>, vector<1x64x1024xf32>
    %get3A_1354 = vector.shape_cast %get3A_1353 : vector<1x64x1024xf32> to vector<64x1024xf32>
    %slice3A_1355 = vector.extract_strided_slice %transpose3A {offsets = [0, 12], sizes = [64, 1], strides = [1, 1]} : vector<64x16xf32> to vector<64x1xf32>
    %slice3A_1356 = vector.extract_strided_slice %transpose3A_11 {offsets = [0, 12], sizes = [64, 1], strides = [1, 1]} : vector<64x16xf32> to vector<64x1xf32>
    %mul3A_1357 = vector.broadcast %slice3A_1355 : vector<64x1xf32> to vector<64x1024xf32>
    %mul3A_1358 = arith.mulf %mul3A_1357, %get3A_1 : vector<64x1024xf32>
    %concatenate3A_1359 = tpu.concatenate %mul3A_1358, %get3A_1354 in 0 : vector<64x1024xf32>, vector<64x1024xf32> -> vector<128x1024xf32>
    %get3A_1360 = arith.constant 0 : index
    %get3A_1361 = arith.constant 0 : index
    %get3A_1362 = vector.load %arg7[%get3A_1360, %get3A_1361] : memref<128x128xbf16, #tpu.memory_space<vmem>>, vector<128x128xbf16>
    %get3A_1363 = arith.constant 0 : index
    %get3A_1364 = arith.constant 0 : index
    %get3A_1365 = vector.load %arg8[%get3A_1363, %get3A_1364] : memref<128x128xbf16, #tpu.memory_space<vmem>>, vector<128x128xbf16>
    %convert_element_type3A_1366 = arith.truncf %concatenate3A_1359 : vector<128x1024xf32> to vector<128x1024xbf16>
    %convert_element_type3A_1367 = arith.extf %convert_element_type3A_1366 : vector<128x1024xbf16> to vector<128x1024xf32>
    %sub3A_1368 = arith.subf %concatenate3A_1359, %convert_element_type3A_1367 : vector<128x1024xf32>
    %convert_element_type3A_1369 = arith.truncf %sub3A_1368 : vector<128x1024xf32> to vector<128x1024xbf16>
    %dot_general3A_1370 = arith.constant dense<0.000000e+00> : vector<128x1024xf32>
    %dot_general3A_1371 = tpu.matmul %get3A_1362, %convert_element_type3A_1366, %dot_general3A_1370 {dimension_numbers = #tpu.dot_dimension_numbers<[1], [0], [0], [1], [0, 0, 1, 1], [], []>, transpose_lhs_hint = false} : vector<128x128xbf16>, vector<128x1024xbf16>, vector<128x1024xf32> -> vector<128x1024xf32>
    %dot_general3A_1372 = arith.constant dense<0.000000e+00> : vector<128x1024xf32>
    %dot_general3A_1373 = tpu.matmul %get3A_1365, %convert_element_type3A_1366, %dot_general3A_1372 {dimension_numbers = #tpu.dot_dimension_numbers<[1], [0], [0], [1], [0, 0, 1, 1], [], []>, transpose_lhs_hint = false} : vector<128x128xbf16>, vector<128x1024xbf16>, vector<128x1024xf32> -> vector<128x1024xf32>
    %add3A_1374 = arith.addf %dot_general3A_1371, %dot_general3A_1373 : vector<128x1024xf32>
    %dot_general3A_1375 = arith.constant dense<0.000000e+00> : vector<128x1024xf32>
    %dot_general3A_1376 = tpu.matmul %get3A_1362, %convert_element_type3A_1369, %dot_general3A_1375 {dimension_numbers = #tpu.dot_dimension_numbers<[1], [0], [0], [1], [0, 0, 1, 1], [], []>, transpose_lhs_hint = false} : vector<128x128xbf16>, vector<128x1024xbf16>, vector<128x1024xf32> -> vector<128x1024xf32>
    %add3A_1377 = arith.addf %add3A_1374, %dot_general3A_1376 : vector<128x1024xf32>
    %slice3A_1378 = vector.extract_strided_slice %add3A_1377 {offsets = [0, 0], sizes = [64, 1024], strides = [1, 1]} : vector<128x1024xf32> to vector<64x1024xf32>
    %add3A_1379 = arith.addf %get3A_1349, %slice3A_1378 : vector<64x1024xf32>
    %add3A_1380 = vector.broadcast %slice3A_1356 : vector<64x1xf32> to vector<64x1024xf32>
    %add3A_1381 = arith.addf %add3A_1379, %add3A_1380 : vector<64x1024xf32>
    %add3A_1382 = arith.addf %add3A_1381, %get3A_4 : vector<64x1024xf32>
    %slice3A_1383 = vector.extract_strided_slice %add3A_1377 {offsets = [64, 0], sizes = [64, 1024], strides = [1, 1]} : vector<128x1024xf32> to vector<64x1024xf32>
    %get3A_1384 = arith.constant 0 : index
    %get3A_1385 = arith.constant 0 : index
    %get3A_1386 = vector.load %arg9[%get3A_1384, %get3A_1385] : memref<64x1xf32, #tpu.memory_space<vmem>>, vector<64x1xf32>
    %add3A_1387 = vector.broadcast %get3A_1386 : vector<64x1xf32> to vector<64x1024xf32>
    %add3A_1388 = arith.addf %slice3A_1383, %add3A_1387 : vector<64x1024xf32>
    %concatenate3A_1389 = tpu.concatenate %add3A_1382, %add3A_1388 in 0 : vector<64x1024xf32>, vector<64x1024xf32> -> vector<128x1024xf32>
    %reduce_sum3A_1390 = arith.constant dense<0.000000e+00> : vector<1024xf32>
    %reduce_sum3A_1391 = vector.multi_reduction <add>, %concatenate3A_1389, %reduce_sum3A_1390 [0] : vector<128x1024xf32> to vector<1024xf32>
    %broadcast_in_dim3A_1392 = vector.shape_cast %reduce_sum3A_1391 : vector<1024xf32> to vector<1x1024xf32>
    %mul3A_1393 = arith.constant 7.812500e-03 : f32
    %mul3A_1394 = vector.broadcast %mul3A_1393 : f32 to vector<1x1024xf32>
    %mul3A_1395 = arith.mulf %broadcast_in_dim3A_1392, %mul3A_1394 : vector<1x1024xf32>
    %sub3A_1396 = vector.broadcast %mul3A_1395 : vector<1x1024xf32> to vector<128x1024xf32>
    %sub3A_1397 = arith.subf %concatenate3A_1389, %sub3A_1396 : vector<128x1024xf32>
    %mul3A_1398 = arith.mulf %sub3A_1397, %sub3A_1397 : vector<128x1024xf32>
    %reduce_sum3A_1399 = arith.constant dense<0.000000e+00> : vector<1024xf32>
    %reduce_sum3A_1400 = vector.multi_reduction <add>, %mul3A_1398, %reduce_sum3A_1399 [0] : vector<128x1024xf32> to vector<1024xf32>
    %broadcast_in_dim3A_1401 = vector.shape_cast %reduce_sum3A_1400 : vector<1024xf32> to vector<1x1024xf32>
    %mul3A_1402 = arith.constant 7.812500e-03 : f32
    %mul3A_1403 = vector.broadcast %mul3A_1402 : f32 to vector<1x1024xf32>
    %mul3A_1404 = arith.mulf %broadcast_in_dim3A_1401, %mul3A_1403 : vector<1x1024xf32>
    %add3A_1405 = arith.constant 9.99999974E-6 : f32
    %add3A_1406 = vector.broadcast %add3A_1405 : f32 to vector<1x1024xf32>
    %add3A_1407 = arith.addf %mul3A_1404, %add3A_1406 : vector<1x1024xf32>
    %rsqrt3A_1408 = math.rsqrt %add3A_1407 : vector<1x1024xf32>
    %mul3A_1409 = vector.broadcast %rsqrt3A_1408 : vector<1x1024xf32> to vector<128x1024xf32>
    %mul3A_1410 = arith.mulf %sub3A_1397, %mul3A_1409 : vector<128x1024xf32>
    %get3A_1411 = arith.constant 0 : index
    %get3A_1412 = arith.constant 0 : index
    %get3A_1413 = vector.load %arg10[%get3A_1411, %get3A_1412] : memref<128x1xf32, #tpu.memory_space<vmem>>, vector<128x1xf32>
    %mul3A_1414 = vector.broadcast %get3A_1413 : vector<128x1xf32> to vector<128x1024xf32>
    %mul3A_1415 = arith.mulf %mul3A_1410, %mul3A_1414 : vector<128x1024xf32>
    %get3A_1416 = arith.constant 0 : index
    %get3A_1417 = arith.constant 0 : index
    %get3A_1418 = vector.load %arg11[%get3A_1416, %get3A_1417] : memref<128x1xf32, #tpu.memory_space<vmem>>, vector<128x1xf32>
    %add3A_1419 = vector.broadcast %get3A_1418 : vector<128x1xf32> to vector<128x1024xf32>
    %add3A_1420 = arith.addf %mul3A_1415, %add3A_1419 : vector<128x1024xf32>
    %get3A_1421 = arith.constant 0 : index
    %get3A_1422 = arith.constant 0 : index
    %get3A_1423 = vector.load %arg14[%get3A_1421, %get3A_1422] : memref<33x128xbf16, #tpu.memory_space<vmem>>, vector<33x128xbf16>
    %get3A_1424 = arith.constant 0 : index
    %get3A_1425 = arith.constant 0 : index
    %get3A_1426 = vector.load %arg15[%get3A_1424, %get3A_1425] : memref<33x128xbf16, #tpu.memory_space<vmem>>, vector<33x128xbf16>
    %convert_element_type3A_1427 = arith.truncf %add3A_1420 : vector<128x1024xf32> to vector<128x1024xbf16>
    %convert_element_type3A_1428 = arith.extf %convert_element_type3A_1427 : vector<128x1024xbf16> to vector<128x1024xf32>
    %sub3A_1429 = arith.subf %add3A_1420, %convert_element_type3A_1428 : vector<128x1024xf32>
    %convert_element_type3A_1430 = arith.truncf %sub3A_1429 : vector<128x1024xf32> to vector<128x1024xbf16>
    %dot_general3A_1431 = arith.constant dense<0.000000e+00> : vector<33x1024xf32>
    %dot_general3A_1432 = tpu.matmul %get3A_1423, %convert_element_type3A_1427, %dot_general3A_1431 {dimension_numbers = #tpu.dot_dimension_numbers<[1], [0], [0], [1], [0, 0, 1, 1], [], []>, transpose_lhs_hint = false} : vector<33x128xbf16>, vector<128x1024xbf16>, vector<33x1024xf32> -> vector<33x1024xf32>
    %dot_general3A_1433 = arith.constant dense<0.000000e+00> : vector<33x1024xf32>
    %dot_general3A_1434 = tpu.matmul %get3A_1426, %convert_element_type3A_1427, %dot_general3A_1433 {dimension_numbers = #tpu.dot_dimension_numbers<[1], [0], [0], [1], [0, 0, 1, 1], [], []>, transpose_lhs_hint = false} : vector<33x128xbf16>, vector<128x1024xbf16>, vector<33x1024xf32> -> vector<33x1024xf32>
    %add3A_1435 = arith.addf %dot_general3A_1432, %dot_general3A_1434 : vector<33x1024xf32>
    %dot_general3A_1436 = arith.constant dense<0.000000e+00> : vector<33x1024xf32>
    %dot_general3A_1437 = tpu.matmul %get3A_1423, %convert_element_type3A_1430, %dot_general3A_1436 {dimension_numbers = #tpu.dot_dimension_numbers<[1], [0], [0], [1], [0, 0, 1, 1], [], []>, transpose_lhs_hint = false} : vector<33x128xbf16>, vector<128x1024xbf16>, vector<33x1024xf32> -> vector<33x1024xf32>
    %add3A_1438 = arith.addf %add3A_1435, %dot_general3A_1437 : vector<33x1024xf32>
    %slice3A_1439 = vector.extract_strided_slice %add3A_1438 {offsets = [0, 0], sizes = [32, 1024], strides = [1, 1]} : vector<33x1024xf32> to vector<32x1024xf32>
    %get3A_1440 = arith.constant 0 : index
    %get3A_1441 = arith.constant 0 : index
    %get3A_1442 = vector.load %arg12[%get3A_1440, %get3A_1441] : memref<32x1xf32, #tpu.memory_space<vmem>>, vector<32x1xf32>
    %add3A_1443 = vector.broadcast %get3A_1442 : vector<32x1xf32> to vector<32x1024xf32>
    %add3A_1444 = arith.addf %slice3A_1439, %add3A_1443 : vector<32x1024xf32>
    %max3A_1445 = arith.constant 0.000000e+00 : f32
    %max3A_1446 = vector.broadcast %max3A_1445 : f32 to vector<32x1024xf32>
    %max3A_1447 = arith.maximumf %add3A_1444, %max3A_1446 : vector<32x1024xf32>
    %get3A_1448 = arith.constant 0 : index
    %get3A_1449 = arith.constant 0 : index
    %get3A_1450 = vector.load %arg13[%get3A_1448, %get3A_1449] : memref<32x1xf32, #tpu.memory_space<vmem>>, vector<32x1xf32>
    %mul3A_1451 = vector.broadcast %get3A_1450 : vector<32x1xf32> to vector<32x1024xf32>
    %mul3A_1452 = arith.mulf %max3A_1447, %mul3A_1451 : vector<32x1024xf32>
    %reduce_sum3A_1453 = arith.constant dense<0.000000e+00> : vector<1024xf32>
    %reduce_sum3A_1454 = vector.multi_reduction <add>, %mul3A_1452, %reduce_sum3A_1453 [0] : vector<32x1024xf32> to vector<1024xf32>
    %broadcast_in_dim3A_1455 = vector.shape_cast %reduce_sum3A_1454 : vector<1024xf32> to vector<1x1024xf32>
    %slice3A_1456 = vector.extract_strided_slice %add3A_1438 {offsets = [32, 0], sizes = [1, 1024], strides = [1, 1]} : vector<33x1024xf32> to vector<1x1024xf32>
    %get3A_1457 = arith.constant 13 : index
    %get3A_1458 = arith.constant 0 : index
    %get3A_1459 = arith.constant 0 : index
    %get3A_1460 = vector.load %arg1[%get3A_1457, %get3A_1458, %get3A_1459] : memref<16x64x1024xf32, #tpu.memory_space<vmem>>, vector<1x64x1024xf32>
    %get3A_1461 = vector.shape_cast %get3A_1460 : vector<1x64x1024xf32> to vector<64x1024xf32>
    %get3A_1462 = arith.constant 13 : index
    %get3A_1463 = arith.constant 0 : index
    %get3A_1464 = arith.constant 0 : index
    %get3A_1465 = vector.load %arg2[%get3A_1462, %get3A_1463, %get3A_1464] : memref<16x64x1024xf32, #tpu.memory_space<vmem>>, vector<1x64x1024xf32>
    %get3A_1466 = vector.shape_cast %get3A_1465 : vector<1x64x1024xf32> to vector<64x1024xf32>
    %slice3A_1467 = vector.extract_strided_slice %transpose3A {offsets = [0, 13], sizes = [64, 1], strides = [1, 1]} : vector<64x16xf32> to vector<64x1xf32>
    %slice3A_1468 = vector.extract_strided_slice %transpose3A_11 {offsets = [0, 13], sizes = [64, 1], strides = [1, 1]} : vector<64x16xf32> to vector<64x1xf32>
    %mul3A_1469 = vector.broadcast %slice3A_1467 : vector<64x1xf32> to vector<64x1024xf32>
    %mul3A_1470 = arith.mulf %mul3A_1469, %get3A_1 : vector<64x1024xf32>
    %concatenate3A_1471 = tpu.concatenate %mul3A_1470, %get3A_1466 in 0 : vector<64x1024xf32>, vector<64x1024xf32> -> vector<128x1024xf32>
    %get3A_1472 = arith.constant 0 : index
    %get3A_1473 = arith.constant 0 : index
    %get3A_1474 = vector.load %arg7[%get3A_1472, %get3A_1473] : memref<128x128xbf16, #tpu.memory_space<vmem>>, vector<128x128xbf16>
    %get3A_1475 = arith.constant 0 : index
    %get3A_1476 = arith.constant 0 : index
    %get3A_1477 = vector.load %arg8[%get3A_1475, %get3A_1476] : memref<128x128xbf16, #tpu.memory_space<vmem>>, vector<128x128xbf16>
    %convert_element_type3A_1478 = arith.truncf %concatenate3A_1471 : vector<128x1024xf32> to vector<128x1024xbf16>
    %convert_element_type3A_1479 = arith.extf %convert_element_type3A_1478 : vector<128x1024xbf16> to vector<128x1024xf32>
    %sub3A_1480 = arith.subf %concatenate3A_1471, %convert_element_type3A_1479 : vector<128x1024xf32>
    %convert_element_type3A_1481 = arith.truncf %sub3A_1480 : vector<128x1024xf32> to vector<128x1024xbf16>
    %dot_general3A_1482 = arith.constant dense<0.000000e+00> : vector<128x1024xf32>
    %dot_general3A_1483 = tpu.matmul %get3A_1474, %convert_element_type3A_1478, %dot_general3A_1482 {dimension_numbers = #tpu.dot_dimension_numbers<[1], [0], [0], [1], [0, 0, 1, 1], [], []>, transpose_lhs_hint = false} : vector<128x128xbf16>, vector<128x1024xbf16>, vector<128x1024xf32> -> vector<128x1024xf32>
    %dot_general3A_1484 = arith.constant dense<0.000000e+00> : vector<128x1024xf32>
    %dot_general3A_1485 = tpu.matmul %get3A_1477, %convert_element_type3A_1478, %dot_general3A_1484 {dimension_numbers = #tpu.dot_dimension_numbers<[1], [0], [0], [1], [0, 0, 1, 1], [], []>, transpose_lhs_hint = false} : vector<128x128xbf16>, vector<128x1024xbf16>, vector<128x1024xf32> -> vector<128x1024xf32>
    %add3A_1486 = arith.addf %dot_general3A_1483, %dot_general3A_1485 : vector<128x1024xf32>
    %dot_general3A_1487 = arith.constant dense<0.000000e+00> : vector<128x1024xf32>
    %dot_general3A_1488 = tpu.matmul %get3A_1474, %convert_element_type3A_1481, %dot_general3A_1487 {dimension_numbers = #tpu.dot_dimension_numbers<[1], [0], [0], [1], [0, 0, 1, 1], [], []>, transpose_lhs_hint = false} : vector<128x128xbf16>, vector<128x1024xbf16>, vector<128x1024xf32> -> vector<128x1024xf32>
    %add3A_1489 = arith.addf %add3A_1486, %dot_general3A_1488 : vector<128x1024xf32>
    %slice3A_1490 = vector.extract_strided_slice %add3A_1489 {offsets = [0, 0], sizes = [64, 1024], strides = [1, 1]} : vector<128x1024xf32> to vector<64x1024xf32>
    %add3A_1491 = arith.addf %get3A_1461, %slice3A_1490 : vector<64x1024xf32>
    %add3A_1492 = vector.broadcast %slice3A_1468 : vector<64x1xf32> to vector<64x1024xf32>
    %add3A_1493 = arith.addf %add3A_1491, %add3A_1492 : vector<64x1024xf32>
    %add3A_1494 = arith.addf %add3A_1493, %get3A_4 : vector<64x1024xf32>
    %slice3A_1495 = vector.extract_strided_slice %add3A_1489 {offsets = [64, 0], sizes = [64, 1024], strides = [1, 1]} : vector<128x1024xf32> to vector<64x1024xf32>
    %get3A_1496 = arith.constant 0 : index
    %get3A_1497 = arith.constant 0 : index
    %get3A_1498 = vector.load %arg9[%get3A_1496, %get3A_1497] : memref<64x1xf32, #tpu.memory_space<vmem>>, vector<64x1xf32>
    %add3A_1499 = vector.broadcast %get3A_1498 : vector<64x1xf32> to vector<64x1024xf32>
    %add3A_1500 = arith.addf %slice3A_1495, %add3A_1499 : vector<64x1024xf32>
    %concatenate3A_1501 = tpu.concatenate %add3A_1494, %add3A_1500 in 0 : vector<64x1024xf32>, vector<64x1024xf32> -> vector<128x1024xf32>
    %reduce_sum3A_1502 = arith.constant dense<0.000000e+00> : vector<1024xf32>
    %reduce_sum3A_1503 = vector.multi_reduction <add>, %concatenate3A_1501, %reduce_sum3A_1502 [0] : vector<128x1024xf32> to vector<1024xf32>
    %broadcast_in_dim3A_1504 = vector.shape_cast %reduce_sum3A_1503 : vector<1024xf32> to vector<1x1024xf32>
    %mul3A_1505 = arith.constant 7.812500e-03 : f32
    %mul3A_1506 = vector.broadcast %mul3A_1505 : f32 to vector<1x1024xf32>
    %mul3A_1507 = arith.mulf %broadcast_in_dim3A_1504, %mul3A_1506 : vector<1x1024xf32>
    %sub3A_1508 = vector.broadcast %mul3A_1507 : vector<1x1024xf32> to vector<128x1024xf32>
    %sub3A_1509 = arith.subf %concatenate3A_1501, %sub3A_1508 : vector<128x1024xf32>
    %mul3A_1510 = arith.mulf %sub3A_1509, %sub3A_1509 : vector<128x1024xf32>
    %reduce_sum3A_1511 = arith.constant dense<0.000000e+00> : vector<1024xf32>
    %reduce_sum3A_1512 = vector.multi_reduction <add>, %mul3A_1510, %reduce_sum3A_1511 [0] : vector<128x1024xf32> to vector<1024xf32>
    %broadcast_in_dim3A_1513 = vector.shape_cast %reduce_sum3A_1512 : vector<1024xf32> to vector<1x1024xf32>
    %mul3A_1514 = arith.constant 7.812500e-03 : f32
    %mul3A_1515 = vector.broadcast %mul3A_1514 : f32 to vector<1x1024xf32>
    %mul3A_1516 = arith.mulf %broadcast_in_dim3A_1513, %mul3A_1515 : vector<1x1024xf32>
    %add3A_1517 = arith.constant 9.99999974E-6 : f32
    %add3A_1518 = vector.broadcast %add3A_1517 : f32 to vector<1x1024xf32>
    %add3A_1519 = arith.addf %mul3A_1516, %add3A_1518 : vector<1x1024xf32>
    %rsqrt3A_1520 = math.rsqrt %add3A_1519 : vector<1x1024xf32>
    %mul3A_1521 = vector.broadcast %rsqrt3A_1520 : vector<1x1024xf32> to vector<128x1024xf32>
    %mul3A_1522 = arith.mulf %sub3A_1509, %mul3A_1521 : vector<128x1024xf32>
    %get3A_1523 = arith.constant 0 : index
    %get3A_1524 = arith.constant 0 : index
    %get3A_1525 = vector.load %arg10[%get3A_1523, %get3A_1524] : memref<128x1xf32, #tpu.memory_space<vmem>>, vector<128x1xf32>
    %mul3A_1526 = vector.broadcast %get3A_1525 : vector<128x1xf32> to vector<128x1024xf32>
    %mul3A_1527 = arith.mulf %mul3A_1522, %mul3A_1526 : vector<128x1024xf32>
    %get3A_1528 = arith.constant 0 : index
    %get3A_1529 = arith.constant 0 : index
    %get3A_1530 = vector.load %arg11[%get3A_1528, %get3A_1529] : memref<128x1xf32, #tpu.memory_space<vmem>>, vector<128x1xf32>
    %add3A_1531 = vector.broadcast %get3A_1530 : vector<128x1xf32> to vector<128x1024xf32>
    %add3A_1532 = arith.addf %mul3A_1527, %add3A_1531 : vector<128x1024xf32>
    %get3A_1533 = arith.constant 0 : index
    %get3A_1534 = arith.constant 0 : index
    %get3A_1535 = vector.load %arg14[%get3A_1533, %get3A_1534] : memref<33x128xbf16, #tpu.memory_space<vmem>>, vector<33x128xbf16>
    %get3A_1536 = arith.constant 0 : index
    %get3A_1537 = arith.constant 0 : index
    %get3A_1538 = vector.load %arg15[%get3A_1536, %get3A_1537] : memref<33x128xbf16, #tpu.memory_space<vmem>>, vector<33x128xbf16>
    %convert_element_type3A_1539 = arith.truncf %add3A_1532 : vector<128x1024xf32> to vector<128x1024xbf16>
    %convert_element_type3A_1540 = arith.extf %convert_element_type3A_1539 : vector<128x1024xbf16> to vector<128x1024xf32>
    %sub3A_1541 = arith.subf %add3A_1532, %convert_element_type3A_1540 : vector<128x1024xf32>
    %convert_element_type3A_1542 = arith.truncf %sub3A_1541 : vector<128x1024xf32> to vector<128x1024xbf16>
    %dot_general3A_1543 = arith.constant dense<0.000000e+00> : vector<33x1024xf32>
    %dot_general3A_1544 = tpu.matmul %get3A_1535, %convert_element_type3A_1539, %dot_general3A_1543 {dimension_numbers = #tpu.dot_dimension_numbers<[1], [0], [0], [1], [0, 0, 1, 1], [], []>, transpose_lhs_hint = false} : vector<33x128xbf16>, vector<128x1024xbf16>, vector<33x1024xf32> -> vector<33x1024xf32>
    %dot_general3A_1545 = arith.constant dense<0.000000e+00> : vector<33x1024xf32>
    %dot_general3A_1546 = tpu.matmul %get3A_1538, %convert_element_type3A_1539, %dot_general3A_1545 {dimension_numbers = #tpu.dot_dimension_numbers<[1], [0], [0], [1], [0, 0, 1, 1], [], []>, transpose_lhs_hint = false} : vector<33x128xbf16>, vector<128x1024xbf16>, vector<33x1024xf32> -> vector<33x1024xf32>
    %add3A_1547 = arith.addf %dot_general3A_1544, %dot_general3A_1546 : vector<33x1024xf32>
    %dot_general3A_1548 = arith.constant dense<0.000000e+00> : vector<33x1024xf32>
    %dot_general3A_1549 = tpu.matmul %get3A_1535, %convert_element_type3A_1542, %dot_general3A_1548 {dimension_numbers = #tpu.dot_dimension_numbers<[1], [0], [0], [1], [0, 0, 1, 1], [], []>, transpose_lhs_hint = false} : vector<33x128xbf16>, vector<128x1024xbf16>, vector<33x1024xf32> -> vector<33x1024xf32>
    %add3A_1550 = arith.addf %add3A_1547, %dot_general3A_1549 : vector<33x1024xf32>
    %slice3A_1551 = vector.extract_strided_slice %add3A_1550 {offsets = [0, 0], sizes = [32, 1024], strides = [1, 1]} : vector<33x1024xf32> to vector<32x1024xf32>
    %get3A_1552 = arith.constant 0 : index
    %get3A_1553 = arith.constant 0 : index
    %get3A_1554 = vector.load %arg12[%get3A_1552, %get3A_1553] : memref<32x1xf32, #tpu.memory_space<vmem>>, vector<32x1xf32>
    %add3A_1555 = vector.broadcast %get3A_1554 : vector<32x1xf32> to vector<32x1024xf32>
    %add3A_1556 = arith.addf %slice3A_1551, %add3A_1555 : vector<32x1024xf32>
    %max3A_1557 = arith.constant 0.000000e+00 : f32
    %max3A_1558 = vector.broadcast %max3A_1557 : f32 to vector<32x1024xf32>
    %max3A_1559 = arith.maximumf %add3A_1556, %max3A_1558 : vector<32x1024xf32>
    %get3A_1560 = arith.constant 0 : index
    %get3A_1561 = arith.constant 0 : index
    %get3A_1562 = vector.load %arg13[%get3A_1560, %get3A_1561] : memref<32x1xf32, #tpu.memory_space<vmem>>, vector<32x1xf32>
    %mul3A_1563 = vector.broadcast %get3A_1562 : vector<32x1xf32> to vector<32x1024xf32>
    %mul3A_1564 = arith.mulf %max3A_1559, %mul3A_1563 : vector<32x1024xf32>
    %reduce_sum3A_1565 = arith.constant dense<0.000000e+00> : vector<1024xf32>
    %reduce_sum3A_1566 = vector.multi_reduction <add>, %mul3A_1564, %reduce_sum3A_1565 [0] : vector<32x1024xf32> to vector<1024xf32>
    %broadcast_in_dim3A_1567 = vector.shape_cast %reduce_sum3A_1566 : vector<1024xf32> to vector<1x1024xf32>
    %slice3A_1568 = vector.extract_strided_slice %add3A_1550 {offsets = [32, 0], sizes = [1, 1024], strides = [1, 1]} : vector<33x1024xf32> to vector<1x1024xf32>
    %get3A_1569 = arith.constant 14 : index
    %get3A_1570 = arith.constant 0 : index
    %get3A_1571 = arith.constant 0 : index
    %get3A_1572 = vector.load %arg1[%get3A_1569, %get3A_1570, %get3A_1571] : memref<16x64x1024xf32, #tpu.memory_space<vmem>>, vector<1x64x1024xf32>
    %get3A_1573 = vector.shape_cast %get3A_1572 : vector<1x64x1024xf32> to vector<64x1024xf32>
    %get3A_1574 = arith.constant 14 : index
    %get3A_1575 = arith.constant 0 : index
    %get3A_1576 = arith.constant 0 : index
    %get3A_1577 = vector.load %arg2[%get3A_1574, %get3A_1575, %get3A_1576] : memref<16x64x1024xf32, #tpu.memory_space<vmem>>, vector<1x64x1024xf32>
    %get3A_1578 = vector.shape_cast %get3A_1577 : vector<1x64x1024xf32> to vector<64x1024xf32>
    %slice3A_1579 = vector.extract_strided_slice %transpose3A {offsets = [0, 14], sizes = [64, 1], strides = [1, 1]} : vector<64x16xf32> to vector<64x1xf32>
    %slice3A_1580 = vector.extract_strided_slice %transpose3A_11 {offsets = [0, 14], sizes = [64, 1], strides = [1, 1]} : vector<64x16xf32> to vector<64x1xf32>
    %mul3A_1581 = vector.broadcast %slice3A_1579 : vector<64x1xf32> to vector<64x1024xf32>
    %mul3A_1582 = arith.mulf %mul3A_1581, %get3A_1 : vector<64x1024xf32>
    %concatenate3A_1583 = tpu.concatenate %mul3A_1582, %get3A_1578 in 0 : vector<64x1024xf32>, vector<64x1024xf32> -> vector<128x1024xf32>
    %get3A_1584 = arith.constant 0 : index
    %get3A_1585 = arith.constant 0 : index
    %get3A_1586 = vector.load %arg7[%get3A_1584, %get3A_1585] : memref<128x128xbf16, #tpu.memory_space<vmem>>, vector<128x128xbf16>
    %get3A_1587 = arith.constant 0 : index
    %get3A_1588 = arith.constant 0 : index
    %get3A_1589 = vector.load %arg8[%get3A_1587, %get3A_1588] : memref<128x128xbf16, #tpu.memory_space<vmem>>, vector<128x128xbf16>
    %convert_element_type3A_1590 = arith.truncf %concatenate3A_1583 : vector<128x1024xf32> to vector<128x1024xbf16>
    %convert_element_type3A_1591 = arith.extf %convert_element_type3A_1590 : vector<128x1024xbf16> to vector<128x1024xf32>
    %sub3A_1592 = arith.subf %concatenate3A_1583, %convert_element_type3A_1591 : vector<128x1024xf32>
    %convert_element_type3A_1593 = arith.truncf %sub3A_1592 : vector<128x1024xf32> to vector<128x1024xbf16>
    %dot_general3A_1594 = arith.constant dense<0.000000e+00> : vector<128x1024xf32>
    %dot_general3A_1595 = tpu.matmul %get3A_1586, %convert_element_type3A_1590, %dot_general3A_1594 {dimension_numbers = #tpu.dot_dimension_numbers<[1], [0], [0], [1], [0, 0, 1, 1], [], []>, transpose_lhs_hint = false} : vector<128x128xbf16>, vector<128x1024xbf16>, vector<128x1024xf32> -> vector<128x1024xf32>
    %dot_general3A_1596 = arith.constant dense<0.000000e+00> : vector<128x1024xf32>
    %dot_general3A_1597 = tpu.matmul %get3A_1589, %convert_element_type3A_1590, %dot_general3A_1596 {dimension_numbers = #tpu.dot_dimension_numbers<[1], [0], [0], [1], [0, 0, 1, 1], [], []>, transpose_lhs_hint = false} : vector<128x128xbf16>, vector<128x1024xbf16>, vector<128x1024xf32> -> vector<128x1024xf32>
    %add3A_1598 = arith.addf %dot_general3A_1595, %dot_general3A_1597 : vector<128x1024xf32>
    %dot_general3A_1599 = arith.constant dense<0.000000e+00> : vector<128x1024xf32>
    %dot_general3A_1600 = tpu.matmul %get3A_1586, %convert_element_type3A_1593, %dot_general3A_1599 {dimension_numbers = #tpu.dot_dimension_numbers<[1], [0], [0], [1], [0, 0, 1, 1], [], []>, transpose_lhs_hint = false} : vector<128x128xbf16>, vector<128x1024xbf16>, vector<128x1024xf32> -> vector<128x1024xf32>
    %add3A_1601 = arith.addf %add3A_1598, %dot_general3A_1600 : vector<128x1024xf32>
    %slice3A_1602 = vector.extract_strided_slice %add3A_1601 {offsets = [0, 0], sizes = [64, 1024], strides = [1, 1]} : vector<128x1024xf32> to vector<64x1024xf32>
    %add3A_1603 = arith.addf %get3A_1573, %slice3A_1602 : vector<64x1024xf32>
    %add3A_1604 = vector.broadcast %slice3A_1580 : vector<64x1xf32> to vector<64x1024xf32>
    %add3A_1605 = arith.addf %add3A_1603, %add3A_1604 : vector<64x1024xf32>
    %add3A_1606 = arith.addf %add3A_1605, %get3A_4 : vector<64x1024xf32>
    %slice3A_1607 = vector.extract_strided_slice %add3A_1601 {offsets = [64, 0], sizes = [64, 1024], strides = [1, 1]} : vector<128x1024xf32> to vector<64x1024xf32>
    %get3A_1608 = arith.constant 0 : index
    %get3A_1609 = arith.constant 0 : index
    %get3A_1610 = vector.load %arg9[%get3A_1608, %get3A_1609] : memref<64x1xf32, #tpu.memory_space<vmem>>, vector<64x1xf32>
    %add3A_1611 = vector.broadcast %get3A_1610 : vector<64x1xf32> to vector<64x1024xf32>
    %add3A_1612 = arith.addf %slice3A_1607, %add3A_1611 : vector<64x1024xf32>
    %concatenate3A_1613 = tpu.concatenate %add3A_1606, %add3A_1612 in 0 : vector<64x1024xf32>, vector<64x1024xf32> -> vector<128x1024xf32>
    %reduce_sum3A_1614 = arith.constant dense<0.000000e+00> : vector<1024xf32>
    %reduce_sum3A_1615 = vector.multi_reduction <add>, %concatenate3A_1613, %reduce_sum3A_1614 [0] : vector<128x1024xf32> to vector<1024xf32>
    %broadcast_in_dim3A_1616 = vector.shape_cast %reduce_sum3A_1615 : vector<1024xf32> to vector<1x1024xf32>
    %mul3A_1617 = arith.constant 7.812500e-03 : f32
    %mul3A_1618 = vector.broadcast %mul3A_1617 : f32 to vector<1x1024xf32>
    %mul3A_1619 = arith.mulf %broadcast_in_dim3A_1616, %mul3A_1618 : vector<1x1024xf32>
    %sub3A_1620 = vector.broadcast %mul3A_1619 : vector<1x1024xf32> to vector<128x1024xf32>
    %sub3A_1621 = arith.subf %concatenate3A_1613, %sub3A_1620 : vector<128x1024xf32>
    %mul3A_1622 = arith.mulf %sub3A_1621, %sub3A_1621 : vector<128x1024xf32>
    %reduce_sum3A_1623 = arith.constant dense<0.000000e+00> : vector<1024xf32>
    %reduce_sum3A_1624 = vector.multi_reduction <add>, %mul3A_1622, %reduce_sum3A_1623 [0] : vector<128x1024xf32> to vector<1024xf32>
    %broadcast_in_dim3A_1625 = vector.shape_cast %reduce_sum3A_1624 : vector<1024xf32> to vector<1x1024xf32>
    %mul3A_1626 = arith.constant 7.812500e-03 : f32
    %mul3A_1627 = vector.broadcast %mul3A_1626 : f32 to vector<1x1024xf32>
    %mul3A_1628 = arith.mulf %broadcast_in_dim3A_1625, %mul3A_1627 : vector<1x1024xf32>
    %add3A_1629 = arith.constant 9.99999974E-6 : f32
    %add3A_1630 = vector.broadcast %add3A_1629 : f32 to vector<1x1024xf32>
    %add3A_1631 = arith.addf %mul3A_1628, %add3A_1630 : vector<1x1024xf32>
    %rsqrt3A_1632 = math.rsqrt %add3A_1631 : vector<1x1024xf32>
    %mul3A_1633 = vector.broadcast %rsqrt3A_1632 : vector<1x1024xf32> to vector<128x1024xf32>
    %mul3A_1634 = arith.mulf %sub3A_1621, %mul3A_1633 : vector<128x1024xf32>
    %get3A_1635 = arith.constant 0 : index
    %get3A_1636 = arith.constant 0 : index
    %get3A_1637 = vector.load %arg10[%get3A_1635, %get3A_1636] : memref<128x1xf32, #tpu.memory_space<vmem>>, vector<128x1xf32>
    %mul3A_1638 = vector.broadcast %get3A_1637 : vector<128x1xf32> to vector<128x1024xf32>
    %mul3A_1639 = arith.mulf %mul3A_1634, %mul3A_1638 : vector<128x1024xf32>
    %get3A_1640 = arith.constant 0 : index
    %get3A_1641 = arith.constant 0 : index
    %get3A_1642 = vector.load %arg11[%get3A_1640, %get3A_1641] : memref<128x1xf32, #tpu.memory_space<vmem>>, vector<128x1xf32>
    %add3A_1643 = vector.broadcast %get3A_1642 : vector<128x1xf32> to vector<128x1024xf32>
    %add3A_1644 = arith.addf %mul3A_1639, %add3A_1643 : vector<128x1024xf32>
    %get3A_1645 = arith.constant 0 : index
    %get3A_1646 = arith.constant 0 : index
    %get3A_1647 = vector.load %arg14[%get3A_1645, %get3A_1646] : memref<33x128xbf16, #tpu.memory_space<vmem>>, vector<33x128xbf16>
    %get3A_1648 = arith.constant 0 : index
    %get3A_1649 = arith.constant 0 : index
    %get3A_1650 = vector.load %arg15[%get3A_1648, %get3A_1649] : memref<33x128xbf16, #tpu.memory_space<vmem>>, vector<33x128xbf16>
    %convert_element_type3A_1651 = arith.truncf %add3A_1644 : vector<128x1024xf32> to vector<128x1024xbf16>
    %convert_element_type3A_1652 = arith.extf %convert_element_type3A_1651 : vector<128x1024xbf16> to vector<128x1024xf32>
    %sub3A_1653 = arith.subf %add3A_1644, %convert_element_type3A_1652 : vector<128x1024xf32>
    %convert_element_type3A_1654 = arith.truncf %sub3A_1653 : vector<128x1024xf32> to vector<128x1024xbf16>
    %dot_general3A_1655 = arith.constant dense<0.000000e+00> : vector<33x1024xf32>
    %dot_general3A_1656 = tpu.matmul %get3A_1647, %convert_element_type3A_1651, %dot_general3A_1655 {dimension_numbers = #tpu.dot_dimension_numbers<[1], [0], [0], [1], [0, 0, 1, 1], [], []>, transpose_lhs_hint = false} : vector<33x128xbf16>, vector<128x1024xbf16>, vector<33x1024xf32> -> vector<33x1024xf32>
    %dot_general3A_1657 = arith.constant dense<0.000000e+00> : vector<33x1024xf32>
    %dot_general3A_1658 = tpu.matmul %get3A_1650, %convert_element_type3A_1651, %dot_general3A_1657 {dimension_numbers = #tpu.dot_dimension_numbers<[1], [0], [0], [1], [0, 0, 1, 1], [], []>, transpose_lhs_hint = false} : vector<33x128xbf16>, vector<128x1024xbf16>, vector<33x1024xf32> -> vector<33x1024xf32>
    %add3A_1659 = arith.addf %dot_general3A_1656, %dot_general3A_1658 : vector<33x1024xf32>
    %dot_general3A_1660 = arith.constant dense<0.000000e+00> : vector<33x1024xf32>
    %dot_general3A_1661 = tpu.matmul %get3A_1647, %convert_element_type3A_1654, %dot_general3A_1660 {dimension_numbers = #tpu.dot_dimension_numbers<[1], [0], [0], [1], [0, 0, 1, 1], [], []>, transpose_lhs_hint = false} : vector<33x128xbf16>, vector<128x1024xbf16>, vector<33x1024xf32> -> vector<33x1024xf32>
    %add3A_1662 = arith.addf %add3A_1659, %dot_general3A_1661 : vector<33x1024xf32>
    %slice3A_1663 = vector.extract_strided_slice %add3A_1662 {offsets = [0, 0], sizes = [32, 1024], strides = [1, 1]} : vector<33x1024xf32> to vector<32x1024xf32>
    %get3A_1664 = arith.constant 0 : index
    %get3A_1665 = arith.constant 0 : index
    %get3A_1666 = vector.load %arg12[%get3A_1664, %get3A_1665] : memref<32x1xf32, #tpu.memory_space<vmem>>, vector<32x1xf32>
    %add3A_1667 = vector.broadcast %get3A_1666 : vector<32x1xf32> to vector<32x1024xf32>
    %add3A_1668 = arith.addf %slice3A_1663, %add3A_1667 : vector<32x1024xf32>
    %max3A_1669 = arith.constant 0.000000e+00 : f32
    %max3A_1670 = vector.broadcast %max3A_1669 : f32 to vector<32x1024xf32>
    %max3A_1671 = arith.maximumf %add3A_1668, %max3A_1670 : vector<32x1024xf32>
    %get3A_1672 = arith.constant 0 : index
    %get3A_1673 = arith.constant 0 : index
    %get3A_1674 = vector.load %arg13[%get3A_1672, %get3A_1673] : memref<32x1xf32, #tpu.memory_space<vmem>>, vector<32x1xf32>
    %mul3A_1675 = vector.broadcast %get3A_1674 : vector<32x1xf32> to vector<32x1024xf32>
    %mul3A_1676 = arith.mulf %max3A_1671, %mul3A_1675 : vector<32x1024xf32>
    %reduce_sum3A_1677 = arith.constant dense<0.000000e+00> : vector<1024xf32>
    %reduce_sum3A_1678 = vector.multi_reduction <add>, %mul3A_1676, %reduce_sum3A_1677 [0] : vector<32x1024xf32> to vector<1024xf32>
    %broadcast_in_dim3A_1679 = vector.shape_cast %reduce_sum3A_1678 : vector<1024xf32> to vector<1x1024xf32>
    %slice3A_1680 = vector.extract_strided_slice %add3A_1662 {offsets = [32, 0], sizes = [1, 1024], strides = [1, 1]} : vector<33x1024xf32> to vector<1x1024xf32>
    %get3A_1681 = arith.constant 15 : index
    %get3A_1682 = arith.constant 0 : index
    %get3A_1683 = arith.constant 0 : index
    %get3A_1684 = vector.load %arg1[%get3A_1681, %get3A_1682, %get3A_1683] : memref<16x64x1024xf32, #tpu.memory_space<vmem>>, vector<1x64x1024xf32>
    %get3A_1685 = vector.shape_cast %get3A_1684 : vector<1x64x1024xf32> to vector<64x1024xf32>
    %get3A_1686 = arith.constant 15 : index
    %get3A_1687 = arith.constant 0 : index
    %get3A_1688 = arith.constant 0 : index
    %get3A_1689 = vector.load %arg2[%get3A_1686, %get3A_1687, %get3A_1688] : memref<16x64x1024xf32, #tpu.memory_space<vmem>>, vector<1x64x1024xf32>
    %get3A_1690 = vector.shape_cast %get3A_1689 : vector<1x64x1024xf32> to vector<64x1024xf32>
    %slice3A_1691 = vector.extract_strided_slice %transpose3A {offsets = [0, 15], sizes = [64, 1], strides = [1, 1]} : vector<64x16xf32> to vector<64x1xf32>
    %slice3A_1692 = vector.extract_strided_slice %transpose3A_11 {offsets = [0, 15], sizes = [64, 1], strides = [1, 1]} : vector<64x16xf32> to vector<64x1xf32>
    %mul3A_1693 = vector.broadcast %slice3A_1691 : vector<64x1xf32> to vector<64x1024xf32>
    %mul3A_1694 = arith.mulf %mul3A_1693, %get3A_1 : vector<64x1024xf32>
    %concatenate3A_1695 = tpu.concatenate %mul3A_1694, %get3A_1690 in 0 : vector<64x1024xf32>, vector<64x1024xf32> -> vector<128x1024xf32>
    %get3A_1696 = arith.constant 0 : index
    %get3A_1697 = arith.constant 0 : index
    %get3A_1698 = vector.load %arg7[%get3A_1696, %get3A_1697] : memref<128x128xbf16, #tpu.memory_space<vmem>>, vector<128x128xbf16>
    %get3A_1699 = arith.constant 0 : index
    %get3A_1700 = arith.constant 0 : index
    %get3A_1701 = vector.load %arg8[%get3A_1699, %get3A_1700] : memref<128x128xbf16, #tpu.memory_space<vmem>>, vector<128x128xbf16>
    %convert_element_type3A_1702 = arith.truncf %concatenate3A_1695 : vector<128x1024xf32> to vector<128x1024xbf16>
    %convert_element_type3A_1703 = arith.extf %convert_element_type3A_1702 : vector<128x1024xbf16> to vector<128x1024xf32>
    %sub3A_1704 = arith.subf %concatenate3A_1695, %convert_element_type3A_1703 : vector<128x1024xf32>
    %convert_element_type3A_1705 = arith.truncf %sub3A_1704 : vector<128x1024xf32> to vector<128x1024xbf16>
    %dot_general3A_1706 = arith.constant dense<0.000000e+00> : vector<128x1024xf32>
    %dot_general3A_1707 = tpu.matmul %get3A_1698, %convert_element_type3A_1702, %dot_general3A_1706 {dimension_numbers = #tpu.dot_dimension_numbers<[1], [0], [0], [1], [0, 0, 1, 1], [], []>, transpose_lhs_hint = false} : vector<128x128xbf16>, vector<128x1024xbf16>, vector<128x1024xf32> -> vector<128x1024xf32>
    %dot_general3A_1708 = arith.constant dense<0.000000e+00> : vector<128x1024xf32>
    %dot_general3A_1709 = tpu.matmul %get3A_1701, %convert_element_type3A_1702, %dot_general3A_1708 {dimension_numbers = #tpu.dot_dimension_numbers<[1], [0], [0], [1], [0, 0, 1, 1], [], []>, transpose_lhs_hint = false} : vector<128x128xbf16>, vector<128x1024xbf16>, vector<128x1024xf32> -> vector<128x1024xf32>
    %add3A_1710 = arith.addf %dot_general3A_1707, %dot_general3A_1709 : vector<128x1024xf32>
    %dot_general3A_1711 = arith.constant dense<0.000000e+00> : vector<128x1024xf32>
    %dot_general3A_1712 = tpu.matmul %get3A_1698, %convert_element_type3A_1705, %dot_general3A_1711 {dimension_numbers = #tpu.dot_dimension_numbers<[1], [0], [0], [1], [0, 0, 1, 1], [], []>, transpose_lhs_hint = false} : vector<128x128xbf16>, vector<128x1024xbf16>, vector<128x1024xf32> -> vector<128x1024xf32>
    %add3A_1713 = arith.addf %add3A_1710, %dot_general3A_1712 : vector<128x1024xf32>
    %slice3A_1714 = vector.extract_strided_slice %add3A_1713 {offsets = [0, 0], sizes = [64, 1024], strides = [1, 1]} : vector<128x1024xf32> to vector<64x1024xf32>
    %add3A_1715 = arith.addf %get3A_1685, %slice3A_1714 : vector<64x1024xf32>
    %add3A_1716 = vector.broadcast %slice3A_1692 : vector<64x1xf32> to vector<64x1024xf32>
    %add3A_1717 = arith.addf %add3A_1715, %add3A_1716 : vector<64x1024xf32>
    %add3A_1718 = arith.addf %add3A_1717, %get3A_4 : vector<64x1024xf32>
    %slice3A_1719 = vector.extract_strided_slice %add3A_1713 {offsets = [64, 0], sizes = [64, 1024], strides = [1, 1]} : vector<128x1024xf32> to vector<64x1024xf32>
    %get3A_1720 = arith.constant 0 : index
    %get3A_1721 = arith.constant 0 : index
    %get3A_1722 = vector.load %arg9[%get3A_1720, %get3A_1721] : memref<64x1xf32, #tpu.memory_space<vmem>>, vector<64x1xf32>
    %add3A_1723 = vector.broadcast %get3A_1722 : vector<64x1xf32> to vector<64x1024xf32>
    %add3A_1724 = arith.addf %slice3A_1719, %add3A_1723 : vector<64x1024xf32>
    %concatenate3A_1725 = tpu.concatenate %add3A_1718, %add3A_1724 in 0 : vector<64x1024xf32>, vector<64x1024xf32> -> vector<128x1024xf32>
    %reduce_sum3A_1726 = arith.constant dense<0.000000e+00> : vector<1024xf32>
    %reduce_sum3A_1727 = vector.multi_reduction <add>, %concatenate3A_1725, %reduce_sum3A_1726 [0] : vector<128x1024xf32> to vector<1024xf32>
    %broadcast_in_dim3A_1728 = vector.shape_cast %reduce_sum3A_1727 : vector<1024xf32> to vector<1x1024xf32>
    %mul3A_1729 = arith.constant 7.812500e-03 : f32
    %mul3A_1730 = vector.broadcast %mul3A_1729 : f32 to vector<1x1024xf32>
    %mul3A_1731 = arith.mulf %broadcast_in_dim3A_1728, %mul3A_1730 : vector<1x1024xf32>
    %sub3A_1732 = vector.broadcast %mul3A_1731 : vector<1x1024xf32> to vector<128x1024xf32>
    %sub3A_1733 = arith.subf %concatenate3A_1725, %sub3A_1732 : vector<128x1024xf32>
    %mul3A_1734 = arith.mulf %sub3A_1733, %sub3A_1733 : vector<128x1024xf32>
    %reduce_sum3A_1735 = arith.constant dense<0.000000e+00> : vector<1024xf32>
    %reduce_sum3A_1736 = vector.multi_reduction <add>, %mul3A_1734, %reduce_sum3A_1735 [0] : vector<128x1024xf32> to vector<1024xf32>
    %broadcast_in_dim3A_1737 = vector.shape_cast %reduce_sum3A_1736 : vector<1024xf32> to vector<1x1024xf32>
    %mul3A_1738 = arith.constant 7.812500e-03 : f32
    %mul3A_1739 = vector.broadcast %mul3A_1738 : f32 to vector<1x1024xf32>
    %mul3A_1740 = arith.mulf %broadcast_in_dim3A_1737, %mul3A_1739 : vector<1x1024xf32>
    %add3A_1741 = arith.constant 9.99999974E-6 : f32
    %add3A_1742 = vector.broadcast %add3A_1741 : f32 to vector<1x1024xf32>
    %add3A_1743 = arith.addf %mul3A_1740, %add3A_1742 : vector<1x1024xf32>
    %rsqrt3A_1744 = math.rsqrt %add3A_1743 : vector<1x1024xf32>
    %mul3A_1745 = vector.broadcast %rsqrt3A_1744 : vector<1x1024xf32> to vector<128x1024xf32>
    %mul3A_1746 = arith.mulf %sub3A_1733, %mul3A_1745 : vector<128x1024xf32>
    %get3A_1747 = arith.constant 0 : index
    %get3A_1748 = arith.constant 0 : index
    %get3A_1749 = vector.load %arg10[%get3A_1747, %get3A_1748] : memref<128x1xf32, #tpu.memory_space<vmem>>, vector<128x1xf32>
    %mul3A_1750 = vector.broadcast %get3A_1749 : vector<128x1xf32> to vector<128x1024xf32>
    %mul3A_1751 = arith.mulf %mul3A_1746, %mul3A_1750 : vector<128x1024xf32>
    %get3A_1752 = arith.constant 0 : index
    %get3A_1753 = arith.constant 0 : index
    %get3A_1754 = vector.load %arg11[%get3A_1752, %get3A_1753] : memref<128x1xf32, #tpu.memory_space<vmem>>, vector<128x1xf32>
    %add3A_1755 = vector.broadcast %get3A_1754 : vector<128x1xf32> to vector<128x1024xf32>
    %add3A_1756 = arith.addf %mul3A_1751, %add3A_1755 : vector<128x1024xf32>
    %get3A_1757 = arith.constant 0 : index
    %get3A_1758 = arith.constant 0 : index
    %get3A_1759 = vector.load %arg14[%get3A_1757, %get3A_1758] : memref<33x128xbf16, #tpu.memory_space<vmem>>, vector<33x128xbf16>
    %get3A_1760 = arith.constant 0 : index
    %get3A_1761 = arith.constant 0 : index
    %get3A_1762 = vector.load %arg15[%get3A_1760, %get3A_1761] : memref<33x128xbf16, #tpu.memory_space<vmem>>, vector<33x128xbf16>
    %convert_element_type3A_1763 = arith.truncf %add3A_1756 : vector<128x1024xf32> to vector<128x1024xbf16>
    %convert_element_type3A_1764 = arith.extf %convert_element_type3A_1763 : vector<128x1024xbf16> to vector<128x1024xf32>
    %sub3A_1765 = arith.subf %add3A_1756, %convert_element_type3A_1764 : vector<128x1024xf32>
    %convert_element_type3A_1766 = arith.truncf %sub3A_1765 : vector<128x1024xf32> to vector<128x1024xbf16>
    %dot_general3A_1767 = arith.constant dense<0.000000e+00> : vector<33x1024xf32>
    %dot_general3A_1768 = tpu.matmul %get3A_1759, %convert_element_type3A_1763, %dot_general3A_1767 {dimension_numbers = #tpu.dot_dimension_numbers<[1], [0], [0], [1], [0, 0, 1, 1], [], []>, transpose_lhs_hint = false} : vector<33x128xbf16>, vector<128x1024xbf16>, vector<33x1024xf32> -> vector<33x1024xf32>
    %dot_general3A_1769 = arith.constant dense<0.000000e+00> : vector<33x1024xf32>
    %dot_general3A_1770 = tpu.matmul %get3A_1762, %convert_element_type3A_1763, %dot_general3A_1769 {dimension_numbers = #tpu.dot_dimension_numbers<[1], [0], [0], [1], [0, 0, 1, 1], [], []>, transpose_lhs_hint = false} : vector<33x128xbf16>, vector<128x1024xbf16>, vector<33x1024xf32> -> vector<33x1024xf32>
    %add3A_1771 = arith.addf %dot_general3A_1768, %dot_general3A_1770 : vector<33x1024xf32>
    %dot_general3A_1772 = arith.constant dense<0.000000e+00> : vector<33x1024xf32>
    %dot_general3A_1773 = tpu.matmul %get3A_1759, %convert_element_type3A_1766, %dot_general3A_1772 {dimension_numbers = #tpu.dot_dimension_numbers<[1], [0], [0], [1], [0, 0, 1, 1], [], []>, transpose_lhs_hint = false} : vector<33x128xbf16>, vector<128x1024xbf16>, vector<33x1024xf32> -> vector<33x1024xf32>
    %add3A_1774 = arith.addf %add3A_1771, %dot_general3A_1773 : vector<33x1024xf32>
    %slice3A_1775 = vector.extract_strided_slice %add3A_1774 {offsets = [0, 0], sizes = [32, 1024], strides = [1, 1]} : vector<33x1024xf32> to vector<32x1024xf32>
    %get3A_1776 = arith.constant 0 : index
    %get3A_1777 = arith.constant 0 : index
    %get3A_1778 = vector.load %arg12[%get3A_1776, %get3A_1777] : memref<32x1xf32, #tpu.memory_space<vmem>>, vector<32x1xf32>
    %add3A_1779 = vector.broadcast %get3A_1778 : vector<32x1xf32> to vector<32x1024xf32>
    %add3A_1780 = arith.addf %slice3A_1775, %add3A_1779 : vector<32x1024xf32>
    %max3A_1781 = arith.constant 0.000000e+00 : f32
    %max3A_1782 = vector.broadcast %max3A_1781 : f32 to vector<32x1024xf32>
    %max3A_1783 = arith.maximumf %add3A_1780, %max3A_1782 : vector<32x1024xf32>
    %get3A_1784 = arith.constant 0 : index
    %get3A_1785 = arith.constant 0 : index
    %get3A_1786 = vector.load %arg13[%get3A_1784, %get3A_1785] : memref<32x1xf32, #tpu.memory_space<vmem>>, vector<32x1xf32>
    %mul3A_1787 = vector.broadcast %get3A_1786 : vector<32x1xf32> to vector<32x1024xf32>
    %mul3A_1788 = arith.mulf %max3A_1783, %mul3A_1787 : vector<32x1024xf32>
    %reduce_sum3A_1789 = arith.constant dense<0.000000e+00> : vector<1024xf32>
    %reduce_sum3A_1790 = vector.multi_reduction <add>, %mul3A_1788, %reduce_sum3A_1789 [0] : vector<32x1024xf32> to vector<1024xf32>
    %broadcast_in_dim3A_1791 = vector.shape_cast %reduce_sum3A_1790 : vector<1024xf32> to vector<1x1024xf32>
    %slice3A_1792 = vector.extract_strided_slice %add3A_1774 {offsets = [32, 0], sizes = [1, 1024], strides = [1, 1]} : vector<33x1024xf32> to vector<1x1024xf32>
    %concatenate3A_1793 = tpu.concatenate %broadcast_in_dim3A_111, %broadcast_in_dim3A_223, %broadcast_in_dim3A_335, %broadcast_in_dim3A_447, %broadcast_in_dim3A_559, %broadcast_in_dim3A_671, %broadcast_in_dim3A_783, %broadcast_in_dim3A_895, %broadcast_in_dim3A_1007, %broadcast_in_dim3A_1119, %broadcast_in_dim3A_1231, %broadcast_in_dim3A_1343, %broadcast_in_dim3A_1455, %broadcast_in_dim3A_1567, %broadcast_in_dim3A_1679, %broadcast_in_dim3A_1791 in 0 : vector<1x1024xf32>, vector<1x1024xf32>, vector<1x1024xf32>, vector<1x1024xf32>, vector<1x1024xf32>, vector<1x1024xf32>, vector<1x1024xf32>, vector<1x1024xf32>, vector<1x1024xf32>, vector<1x1024xf32>, vector<1x1024xf32>, vector<1x1024xf32>, vector<1x1024xf32>, vector<1x1024xf32>, vector<1x1024xf32>, vector<1x1024xf32> -> vector<16x1024xf32>
    %reshape3A = vector.shape_cast %concatenate3A_1793 : vector<16x1024xf32> to vector<16384xf32>
    %swap3A = arith.constant 0 : index
    %swap3A_1794 = vector.load %arg16[%swap3A] : memref<16384xf32, #tpu.memory_space<vmem>>, vector<16384xf32>
    tpu.vector_store %arg16[%swap3A], %reshape3A {strides = array<i32>} : memref<16384xf32, #tpu.memory_space<vmem>>, vector<16384xf32>,
    %concatenate3A_1795 = tpu.concatenate %slice3A_112, %slice3A_224, %slice3A_336, %slice3A_448, %slice3A_560, %slice3A_672, %slice3A_784, %slice3A_896, %slice3A_1008, %slice3A_1120, %slice3A_1232, %slice3A_1344, %slice3A_1456, %slice3A_1568, %slice3A_1680, %slice3A_1792 in 0 : vector<1x1024xf32>, vector<1x1024xf32>, vector<1x1024xf32>, vector<1x1024xf32>, vector<1x1024xf32>, vector<1x1024xf32>, vector<1x1024xf32>, vector<1x1024xf32>, vector<1x1024xf32>, vector<1x1024xf32>, vector<1x1024xf32>, vector<1x1024xf32>, vector<1x1024xf32>, vector<1x1024xf32>, vector<1x1024xf32>, vector<1x1024xf32> -> vector<16x1024xf32>
    %reshape3A_1796 = vector.shape_cast %concatenate3A_1795 : vector<16x1024xf32> to vector<16384xf32>
    %swap3A_1797 = arith.constant 0 : index
    %swap3A_1798 = vector.load %arg17[%swap3A_1797] : memref<16384xf32, #tpu.memory_space<vmem>>, vector<16384xf32>
    tpu.vector_store %arg17[%swap3A_1797], %reshape3A_1796 {strides = array<i32>} : memref<16384xf32, #tpu.memory_space<vmem>>, vector<16384xf32>,
    return
  }
  func.func @transform_0(%arg0: i32) -> (i32, i32, i32) {
    %c0_i32 = arith.constant 0 : i32
    %c0_i32_0 = arith.constant 0 : i32
    %c0_i32_1 = arith.constant 0 : i32
    return %arg0, %c0_i32, %c0_i32_0 : i32, i32, i32
  }
  func.func @transform_1(%arg0: i32) -> (i32, i32, i32) {
    %c0_i32 = arith.constant 0 : i32
    %c0_i32_0 = arith.constant 0 : i32
    %c0_i32_1 = arith.constant 0 : i32
    return %arg0, %c0_i32, %c0_i32_0 : i32, i32, i32
  }
  func.func @transform_2(%arg0: i32) -> (i32, i32) {
    %c0_i32 = arith.constant 0 : i32
    %c0_i32_0 = arith.constant 0 : i32
    return %arg0, %c0_i32 : i32, i32
  }
  func.func @transform_3(%arg0: i32) -> (i32, i32) {
    %c0_i32 = arith.constant 0 : i32
    %c0_i32_0 = arith.constant 0 : i32
    return %arg0, %c0_i32 : i32, i32
  }
  func.func @transform_4(%arg0: i32) -> (i32, i32) {
    %c0_i32 = arith.constant 0 : i32
    %c0_i32_0 = arith.constant 0 : i32
    %c0_i32_1 = arith.constant 0 : i32
    return %c0_i32, %c0_i32_0 : i32, i32
  }
  func.func @transform_5(%arg0: i32) -> (i32, i32) {
    %c0_i32 = arith.constant 0 : i32
    %c0_i32_0 = arith.constant 0 : i32
    %c0_i32_1 = arith.constant 0 : i32
    return %c0_i32, %c0_i32_0 : i32, i32
  }
  func.func @transform_6(%arg0: i32) -> (i32, i32) {
    %c0_i32 = arith.constant 0 : i32
    %c0_i32_0 = arith.constant 0 : i32
    %c0_i32_1 = arith.constant 0 : i32
    return %c0_i32, %c0_i32_0 : i32, i32
  }
  func.func @transform_7(%arg0: i32) -> (i32, i32) {
    %c0_i32 = arith.constant 0 : i32
    %c0_i32_0 = arith.constant 0 : i32
    %c0_i32_1 = arith.constant 0 : i32
    return %c0_i32, %c0_i32_0 : i32, i32
  }
  func.func @transform_8(%arg0: i32) -> (i32, i32) {
    %c0_i32 = arith.constant 0 : i32
    %c0_i32_0 = arith.constant 0 : i32
    %c0_i32_1 = arith.constant 0 : i32
    return %c0_i32, %c0_i32_0 : i32, i32
  }
  func.func @transform_9(%arg0: i32) -> (i32, i32) {
    %c0_i32 = arith.constant 0 : i32
    %c0_i32_0 = arith.constant 0 : i32
    %c0_i32_1 = arith.constant 0 : i32
    return %c0_i32, %c0_i32_0 : i32, i32
  }
  func.func @transform_10(%arg0: i32) -> (i32, i32) {
    %c0_i32 = arith.constant 0 : i32
    %c0_i32_0 = arith.constant 0 : i32
    %c0_i32_1 = arith.constant 0 : i32
    return %c0_i32, %c0_i32_0 : i32, i32
  }
  func.func @transform_11(%arg0: i32) -> (i32, i32) {
    %c0_i32 = arith.constant 0 : i32
    %c0_i32_0 = arith.constant 0 : i32
    %c0_i32_1 = arith.constant 0 : i32
    return %c0_i32, %c0_i32_0 : i32, i32
  }
  func.func @transform_12(%arg0: i32) -> (i32, i32) {
    %c0_i32 = arith.constant 0 : i32
    %c0_i32_0 = arith.constant 0 : i32
    %c0_i32_1 = arith.constant 0 : i32
    return %c0_i32, %c0_i32_0 : i32, i32
  }
  func.func @transform_13(%arg0: i32) -> (i32, i32) {
    %c0_i32 = arith.constant 0 : i32
    %c0_i32_0 = arith.constant 0 : i32
    %c0_i32_1 = arith.constant 0 : i32
    return %c0_i32, %c0_i32_0 : i32, i32
  }
  func.func @transform_14(%arg0: i32) -> (i32, i32) {
    %c0_i32 = arith.constant 0 : i32
    %c0_i32_0 = arith.constant 0 : i32
    %c0_i32_1 = arith.constant 0 : i32
    return %c0_i32, %c0_i32_0 : i32, i32
  }
  func.func @transform_15(%arg0: i32) -> i32 {
    %c0_i32 = arith.constant 0 : i32
    return %arg0 : i32
  }
  func.func @transform_16(%arg0: i32) -> i32 {
    %c0_i32 = arith.constant 0 : i32
    return %arg0 : i32
  }
}

module attributes {stable_mosaic.version = 14 : i64} {
  func.func @_pool_body(%arg0: memref<512x1024xf32, #tpu.memory_space<vmem>>, %arg1: memref<512x1024xf32, #tpu.memory_space<vmem>>, %arg2: memref<1x1xf32, #tpu.memory_space<smem>>, %arg3: memref<512x1024xf32, #tpu.memory_space<vmem>>, %arg4: memref<1x1xf32, #tpu.memory_space<smem>>) attributes {dimension_semantics = [], scalar_prefetch = 0 : i64, scratch_operands = 0 : i64, tpu.core_type = #tpu.core_type<tc>} {
    %get3A = arith.constant 0 : index
    %get3A_0 = arith.constant 0 : index
    %get3A_1 = vector.load %arg0[%get3A, %get3A_0] : memref<512x1024xf32, #tpu.memory_space<vmem>>, vector<512x1024xf32>
    %get3A_2 = arith.constant 0 : index
    %get3A_3 = arith.constant 0 : index
    %get3A_4 = vector.load %arg1[%get3A_2, %get3A_3] : memref<512x1024xf32, #tpu.memory_space<vmem>>, vector<512x1024xf32>
    %reduce_max3A = vector.shape_cast %get3A_1 : vector<512x1024xf32> to vector<1x512x1024xf32>
    %reduce_max3A_5 = arith.constant dense<0xFF800000> : vector<1xf32>
    %reduce_max3A_6 = vector.multi_reduction <maximumf>, %reduce_max3A, %reduce_max3A_5 [1, 2] : vector<1x512x1024xf32> to vector<1xf32>
    %reduce_max3A_7 = vector.shape_cast %reduce_max3A_6 : vector<1xf32> to vector<1x1x1xf32>
    %reduce_max3A_8 = vector.extract %reduce_max3A_7[0, 0, 0] : f32 from vector<1x1x1xf32>
    %sub3A = vector.broadcast %reduce_max3A_8 : f32 to vector<512x1024xf32>
    %sub3A_9 = arith.subf %get3A_1, %sub3A : vector<512x1024xf32>
    %mul3A = arith.constant 2.500000e-01 : f32
    %mul3A_10 = vector.broadcast %mul3A : f32 to vector<512x1024xf32>
    %mul3A_11 = arith.mulf %sub3A_9, %mul3A_10 : vector<512x1024xf32>
    %exp3A = math.exp %mul3A_11 : vector<512x1024xf32>
    %reduce_sum3A = vector.shape_cast %exp3A : vector<512x1024xf32> to vector<1x512x1024xf32>
    %reduce_sum3A_12 = arith.constant dense<0.000000e+00> : vector<1xf32>
    %reduce_sum3A_13 = vector.multi_reduction <add>, %reduce_sum3A, %reduce_sum3A_12 [1, 2] : vector<1x512x1024xf32> to vector<1xf32>
    %reduce_sum3A_14 = vector.shape_cast %reduce_sum3A_13 : vector<1xf32> to vector<1x1x1xf32>
    %reduce_sum3A_15 = vector.extract %reduce_sum3A_14[0, 0, 0] : f32 from vector<1x1x1xf32>
    %div3A = vector.broadcast %reduce_sum3A_15 : f32 to vector<512x1024xf32>
    %div3A_16 = arith.divf %exp3A, %div3A : vector<512x1024xf32>
    %swap3A = arith.constant 0 : index
    %swap3A_17 = arith.constant 0 : index
    %swap3A_18 = vector.load %arg3[%swap3A, %swap3A_17] : memref<512x1024xf32, #tpu.memory_space<vmem>>, vector<512x1024xf32>
    tpu.vector_store %arg3[%swap3A, %swap3A_17], %div3A_16 {strides = array<i32>} : memref<512x1024xf32, #tpu.memory_space<vmem>>, vector<512x1024xf32>,
    %mul3A_19 = arith.mulf %div3A_16, %get3A_4 : vector<512x1024xf32>
    %reduce_sum3A_20 = vector.shape_cast %mul3A_19 : vector<512x1024xf32> to vector<1x512x1024xf32>
    %reduce_sum3A_21 = arith.constant dense<0.000000e+00> : vector<1xf32>
    %reduce_sum3A_22 = vector.multi_reduction <add>, %reduce_sum3A_20, %reduce_sum3A_21 [1, 2] : vector<1x512x1024xf32> to vector<1xf32>
    %reduce_sum3A_23 = vector.shape_cast %reduce_sum3A_22 : vector<1xf32> to vector<1x1x1xf32>
    %reduce_sum3A_24 = vector.extract %reduce_sum3A_23[0, 0, 0] : f32 from vector<1x1x1xf32>
    %get3A_25 = arith.constant 0 : index
    %get3A_26 = arith.constant 0 : index
    %get3A_27 = memref.load %arg2[%get3A_25, %get3A_26] : memref<1x1xf32, #tpu.memory_space<smem>>
    %add3A = arith.addf %reduce_sum3A_24, %get3A_27 : f32
    %swap3A_28 = arith.constant 0 : index
    %swap3A_29 = arith.constant 0 : index
    %swap3A_30 = memref.load %arg4[%swap3A_28, %swap3A_29] : memref<1x1xf32, #tpu.memory_space<smem>>
    memref.store %add3A, %arg4[%swap3A_28, %swap3A_29] : memref<1x1xf32, #tpu.memory_space<smem>>
    return
  }
}

</mosaic_0001>

<sc_bundles>
// kernel: kernel.6.cloned.1.call-start
scs
__scs_entry_jumppad:
0x0: {  	(pc) =	sbr.rel $0x88, $3  }
0x1: {  	(tag) =	ssettag $0x0;
	lr =	simm.s32 $0x1  }
0x2: {  	[smem:$0x3F8E] =	sst lr;
	_ =	strace $0xD0000000  }
0x3: {  	_ = 	snop  }
0x4: {  	_ = 	snop  }
0x5: {  	_ = 	snop  }
0x6: {  	_ = 	snop  }
0x7: {  	_ = 	snop  }
__scs_overlays_trampoline_lowered:
0x8: {  	[smem:$0x3F9D] =	sst s0  }
0x9: {  	[smem:$0x3F9E] =	sst s1  }
0xa: {  	[smem:$0x3F9F] =	sst s2  }
0xb: {  	[smem:$0x3FA0] =	sst s3  }
0xc: {  	[smem:$0x3FA1] =	sst s4  }
0xd: {  	[smem:$0x3FA2] =	sst s5  }
0xe: {  	[smem:$0x3FA3] =	sst s6  }
0xf: {  	[smem:$0x3FA4] =	sst s7  }
0x10: {  	[smem:$0x3FA5] =	sst s8  }
0x11: {  	[smem:$0x3FA6] =	sst s9;
	s0 =	simm.s32 @!p0 $0x0  }
0x12: {  	s1 =	sld [smem:$0x3F8C];
	s0 =	simm.s32 @p0 $0x1  }
0x13: {  	[smem:$0x3FA7] =	sst s0;
	s0 =	simm.s32 @!p1 $0x0  }
0x14: {  	s2 =	sld [smem:$0x3F8B];
	s0 =	simm.s32 @p1 $0x1  }
0x15: {  	[smem:$0x3FA8] =	sst s0;
	s0 =	simm.s32 @!p2 $0x0  }
0x16: {  	s3 =	sld [smem:$0x3FDB];
	s0 =	simm.s32 @p2 $0x1  }
0x17: {  	s4 =	simm.s32 $0x1BF5;
	[smem:$0x3FAA] =	sst s0  }
0x18: {  	s0 =	sld [smem:$0x3F8D];
	_ =	swait.ge [sflag:s4], $0x0  }
0x19: {  	s7 =	sld [smem:$0x3F8E]  }
0x1a: {  	s8 =	sadd.s32 $0xFFFFE003, lr  }
0x1b: {  	s9 =	sadd.s32 $0xFFFFFEF7, lr;
	s5 =	simm.s32 $0xFFFFFFFF;
	p2 =	slt.u32 s8, $0xFFFFF086  }
0x1c: {  	p1 =	slt.u32 s9, $0xF7A;
	s5 =	simm.s32 @!p2 $0x0  }
0x1d: {  	s5 =	simm.s32 @p1 $0x1;
	p0 =	seq.s32 s7, s2  }
0x1e: {  	s7 =	smul.u32 @!p0 $0xF7A, s2;
	p2 =	seq.s32 @!p0 s5, $0x0  }
0x1f: {  	s9 =	smul.u32 $0xF7A, s1;
	s8 =	simm.s32 @!p0 $0x1BF5;
	p2 =	por !p2, p0  }
0x20: {  	[sflag:s8] =	ssyncset.s32 @!p0 $0xFFFFF086;
	s6 =	sadd.s32 @!p0 s3, s7;
	s7 =	simm.s32 @!p0 $0x108  }
0x21: {  	s3 =	sadd.s32 s3, s9;
	s6 =	sadd.s32 @!p0 $0x88, s6;
	s7 =	simm.s32 @p2 $0x1082  }
0x22: {  	[simem:s7], [sflag:s8] =	dma.local @!p0 [hbm:s6], $0xF7A  }
0x23: {  	s9 =	sor.u32 $0xD0000000, s2;
	s6 =	simm.s32 $0x108;
	_ =	swait.ge @!p0 [sflag:s8], $0x0  }
0x24: {  	s3 =	sadd.s32 $0x88, s3;
	s6 =	simm.s32 @!p1 $0x1082;
	[sflag:s4] =	ssyncset.s32 $0xFFFFF086  }
0x25: {  	[simem:s6], [sflag:s4] =	dma.local [hbm:s3], $0xF7A  }
0x26: {  	[smem:$0x3F8E] =	sst s1;
	(tag) =	ssettag s2;
	_ =	strace s9  }
0x27: {  	s1 =	sld [smem:$0x3F9E]  }
0x28: {  	s2 =	sld [smem:$0x3F9F]  }
0x29: {  	s4 =	sld [smem:$0x3FA1]  }
0x2a: {  	p0 =	seq.s32 s5, $0x0;
	s5 =	sld [smem:$0x3FA2]  }
0x2b: {  	s6 =	sld [smem:$0x3FA3]  }
0x2c: {  	s7 =	sld [smem:$0x3FA4]  }
0x2d: {  	s3 =	simm.s32 $0x108;
	s8 =	sld [smem:$0x3FA5]  }
0x2e: {  	s3 =	simm.s32 @!p0 $0x1082;
	s9 =	sld [smem:$0x3FA6]  }
0x2f: {  	lr =	sadd.s32 s0, s3;
	s0 =	sld [smem:$0x3F9D]  }
0x30: {  	s3 =	sld [smem:$0x3FA0]  }
0x31: {  	[smem:$0x3FA9] =	sst s10  }
0x32: {  	s10 =	sld [smem:$0x3FA7];
	_ =	sdelay $0x3  }
0x33: {  	p0 =	seq.s32 s10, $0x1;
	s10 =	sld [smem:$0x3FA9];
	_ =	sdelay $0x3  }
0x34: {  	[smem:$0x3FA9] =	sst s10  }
0x35: {  	s10 =	sld [smem:$0x3FA8];
	_ =	sdelay $0x3  }
0x36: {  	p1 =	seq.s32 s10, $0x1;
	s10 =	sld [smem:$0x3FA9];
	_ =	sdelay $0x3  }
0x37: {  	[smem:$0x3FA9] =	sst s10  }
0x38: {  	s10 =	sld [smem:$0x3FAA]  }
0x39: {  	_ = 	snop;
	(pc) =	sbr.ind lr, $3  }
0x3a: {  	_ = 	snop  }
0x3b: {  	_ = 	snop  }
0x3c: {  	p2 =	seq.s32 s10, $0x1;
	s10 =	sld [smem:$0x3FA9]  }
0x3d: {  	_ =	shalt  }
0x3e: {  	_ =	shalt  }
0x3f: {  	_ =	shalt  }
0x40: {  	_ =	shalt  }
0x41: {  	_ =	shalt  }
0x42: {  	_ =	shalt  }
0x43: {  	_ =	shalt  }
0x44: {  	_ =	shalt  }
0x45: {  	_ =	shalt  }
0x46: {  	_ =	shalt  }
0x47: {  	_ =	shalt  }
0x48: {  	_ =	shalt  }
0x49: {  	_ =	shalt  }
0x4a: {  	_ =	shalt  }
0x4b: {  	_ =	shalt  }
0x4c: {  	_ =	shalt  }
0x4d: {  	_ =	shalt  }
0x4e: {  	_ =	shalt  }
0x4f: {  	_ =	shalt  }
0x50: {  	_ =	shalt  }
0x51: {  	_ =	shalt  }
0x52: {  	_ =	shalt  }
0x53: {  	_ =	shalt  }
0x54: {  	_ =	shalt  }
0x55: {  	_ =	shalt  }
0x56: {  	_ =	shalt  }
0x57: {  	_ =	shalt  }
0x58: {  	_ =	shalt  }
0x59: {  	_ =	shalt  }
0x5a: {  	_ =	shalt  }
0x5b: {  	_ =	shalt  }
0x5c: {  	_ =	shalt  }
0x5d: {  	_ =	shalt  }
0x5e: {  	_ =	shalt  }
0x5f: {  	_ =	shalt  }
0x60: {  	_ =	shalt  }
0x61: {  	_ =	shalt  }
0x62: {  	_ =	shalt  }
0x63: {  	_ =	shalt  }
0x64: {  	_ =	shalt  }
0x65: {  	_ =	shalt  }
0x66: {  	_ =	shalt  }
0x67: {  	_ =	shalt  }
0x68: {  	_ =	shalt  }
0x69: {  	_ =	shalt  }
0x6a: {  	_ =	shalt  }
0x6b: {  	_ =	shalt  }
0x6c: {  	_ =	shalt  }
0x6d: {  	_ =	shalt  }
0x6e: {  	_ =	shalt  }
0x6f: {  	_ =	shalt  }
0x70: {  	_ =	shalt  }
0x71: {  	_ =	shalt  }
0x72: {  	_ =	shalt  }
0x73: {  	_ =	shalt  }
0x74: {  	_ =	shalt  }
0x75: {  	_ =	shalt  }
0x76: {  	_ =	shalt  }
0x77: {  	_ =	shalt  }
0x78: {  	_ =	shalt  }
0x79: {  	_ =	shalt  }
0x7a: {  	_ =	shalt  }
0x7b: {  	_ =	shalt  }
0x7c: {  	_ =	shalt  }
0x7d: {  	_ =	shalt  }
0x7e: {  	_ =	shalt  }
0x7f: {  	_ =	shalt  }
0x80: {  	_ =	shalt  }
0x81: {  	_ =	shalt  }
0x82: {  	_ =	shalt  }
0x83: {  	_ =	shalt  }
0x84: {  	_ =	shalt  }
0x85: {  	_ =	shalt  }
0x86: {  	_ =	shalt  }
0x87: {  	_ =	shalt  }
.Lfunc_end0:
.L_simem_size_0:
called_computation_lowered:
.L_overlay_start_0:
0x88: {  	s2 =	sld [smem:$0x3FD9]  }
0x89: {  	s3 =	sld [smem:$0x3FFE];
	_ =	sdelay $0x1  }
0x8a: {  	s1 =	srdreg.scid  }
0x8b: {  	s0 =	sand.u32 $0x1, s1  }
0x8c: {  	s14 =	sshll.u32 s0, $0xA;
	s2 =	sadd.s32 s3, s2  }
0x8d: {  	s2 =	sadd.s32 s2, s14  }
0x8e: {  	[smem:$0x3FB5] =	sst s2  }
0x8f: {  	_ = 	snop  }
0x90: {  	s2 =	sld [smem:$0x3FD0];
	_ =	sdelay $0x2  }
0x91: {  	s4 =	simm.s32 $0xA;
	s5 =	simm.s32 $0x10;
	s15 =	sld [smem:$0x3FC6]  }
0x92: {  	[smem:s5], [sflag:s4] =	dma.local [hbm:s2], $0x1  }
0x93: {  	_ =	swait.eq [sflag:s4], $0x1  }
0x94: {  	[sflag:s4] =	ssyncset.done $0x0  }
0x95: {  	[sflag:s4] =	ssyncadd.s32 $0xFFFFFFFF  }
0x96: {  	s16 =	sld [smem:$0x11];
	(tm) =	ssettm $0x1  }
0x97: {  	s17 =	sld [smem:$0x3FFB];
	_ =	sdelay $0x3  }
0x98: {  	_ =	strace s17  }
0x99: {  	s4 =	sld [smem:$0x3FFC];
	_ =	sdelay $0x3  }
0x9a: {  	_ =	strace s4  }
0x9b: {  	s4 =	sld [smem:$0x3FFD];
	_ =	sdelay $0x3  }
0x9c: {  	_ =	strace s4  }
0x9d: {  	_ =	strace $0x8FFFFFFF  }
0x9e: {  	s18 =	sld [smem:$0x3FDB];
	_ =	sdelay $0x1  }
0x9f: {  	s19 =	simm.s32 $_scs_section_size  }
0xa0: {  	s6 =	simm.s32 $_size__tile_overlayer_lowered;
	s7 =	simm.s32 $_tile_overlayer_lowered  }
0xa1: {  	s22 =	simm.s32 $0x1BFF;
	s21 =	sshll.u32 s7, $0x1;
	s4 =	sadd.s32 s19, s18  }
0xa2: {  	s8 =	simm.s32 $0x0;
	s20 =	sshll.u32 s6, $0x1;
	s6 =	sadd.s32 s21, s4  }
0xa3: {  	[timem:s8], [sflag:s22] =	dma.local [hbm:s6], s20  }
0xa4: {  	_ =	swait.ge [sflag:s22], s20  }
0xa5: {  	s5 =	ssub.s32 $0x0, s20;
	[sflag:s22] =	ssyncset.done $0x0  }
0xa6: {  	[sflag:s22] =	ssyncadd.s32 s5;
	_ =	sdelay $0x1  }
0xa7: {  	s23 =	simm.s32 $0x1B8B  }
0xa8: {  	_ =	swait.ge [sflag:s23], $0x1  }
0xa9: {  	[sflag:s23] =	ssyncset.done $0x0  }
0xaa: {  	s25 =	simm.s32 $0x1B8E;
	s24 =	sld [smem:$0x3FFE];
	[sflag:s23] =	ssyncadd.s32 $0xFFFFFFFF  }
0xab: {  	s26 =	simm.s32 $execute0_lowered;
	[smem:$0x3FD2] =	sst s25  }
0xac: {  	s6 =	sshll.u32 s26, $0x1;
	_ =	strace $0x80000046;
	[dreg:$0x1] =	wrdreg $0xFFFFFFFF  }
0xad: {  	s28 =	simm.s32 $_size_execute0_lowered;
	s4 =	sadd.s32 s4, s6;
	[dreg:$0x0] =	wrdreg $0x0  }
0xae: {  	s6 =	sshll.u32 s28, $0x1;
	[dreg:$0x2] =	wrdreg s4  }
0xaf: {  	[dreg:$0x3] =	wrdreg s6  }
0xb0: {  	[dreg:$0x4] =	wrdreg $0xC0  }
0xb1: {  	_ =	task [dreg:s8], $0x5FFFF  }
0xb2: {  	[dreg:$0x1] =	wrdreg $0xFFFFFFFF  }
0xb3: {  	[dreg:$0x0] =	wrdreg $0x60  }
0xb4: {  	[dreg:$0x2] =	wrdreg s24  }
0xb5: {  	[dreg:$0x3] =	wrdreg s15  }
0xb6: {  	[dreg:$0x4] =	wrdreg s16  }
0xb7: {  	[dreg:$0x5] =	wrdreg $0x9  }
0xb8: {  	_ =	task.clear_ibuf [dreg:s8], $0x6FFFF;
	_ =	strace $0x90000046  }
0xb9: {  	s29 =	simm.s32 $0x9;
	_ =	strace $0x80000048  }
0xba: {  	_ =	swait.ge [sflag:s29], $0x1  }
0xbb: {  	[sflag:s29] =	ssyncadd.s32 $0xFFFFFFFF  }
0xbc: {  	_ =	strace $0x90000048  }
0xbd: {  	_ =	sfence  }
0xbe: {  	s30 =	sld [smem:$0x0];
	_ =	sdelay $0x2  }
0xbf: {  	s31 =	sshll.u32 s1, $0xD;
	s1 =	sshrl.u32 s1, $0x2  }
0xc0: {  	s3 =	sand.u32 $0x4000, s31;
	s1 =	sadd.s32 s1, s30  }
0xc1: {  	s0 =	sor.u32 s3, s0;
	s1 =	sshll.u32 s1, $0x11  }
0xc2: {  	s0 =	sor.u32 s1, s0  }
0xc3: {  	s0 =	sadd.s32 $0x8F2B, s0  }
0xc4: {  	[sflag:s0] =	ssyncadd.remote.s32 $0x1  }
0xc5: {  	_ =	sfence.sel $0xFFFF  }
0xc6: {  	[dreg:$0x0] =	wrdreg $0xFFFFFFFF;
	(pc) =	sbr.abs _section_cstart, $3  }
0xc7: {  	[dreg:$0x1] =	wrdreg $0xFFFFFFFF  }
0xc8: {  	_ =	task.clear_ibuf [dreg:s8], $0x2FFFF;
	_ =	strace $0x9FFFFFFF  }
0xc9: {  	(tm) =	ssettm $0x7FFFFFFF  }
tec
execute0_lowered:
.L_overlay_start_1:
0x0: {  	(tag) =	ssettag $0x1  }
0x1: {  	s12 =	rddreg [dreg:$0x0]  }
0x2: {  	s3 =	rddreg [dreg:$0x1]  }
0x3: {  	s11 =	rddreg [dreg:$0x2];
	s2 =	srdreg.scid  }
0x4: {  	s0 =	rddreg [dreg:$0x3];
	s1 =	stileid.u32;
	s13 =	sand.u32 $0x1, s2  }
0x5: {  	s2 =	simm.s32 $0x0;
	s4 =	sshll.u32 s1, $0xC;
	s5 =	sshll.u32 s13, $0xB  }
0x6: {  	[smem:$0x7FF] =	sst s2;
	s14 =	sor.u32 s5, s4  }
0x7: {  	_ =	strace $0x80000047;
	s4 =	sadd.s32 s3, s14;
	s3 =	simm.s32 $0x3  }
0x8: {  	[tilespmem:s2], [sflag:$0x3] =	stream.linear.gather [hbm4b:s4+s2], $0x4000, $0x38;
	[tilespmem:$0xC000] =	vst v63  }
0x9: {  	_ =	swait.ge [sflag:s3], $0x4000  }
0xa: {  	[sflag:s3] =	ssyncset.done $0x0  }
0xb: {  	s6 =	simm.s32 $0x4000;
	s5 =	sadd.s32 $0x1E00, s12;
	[sflag:s3] =	ssyncadd.s32 $0xFFFFC000  }
0xc: {  	[tilespmem:s6], [sflag:$0x1] =	stream.indirect.gather [hbm4b:s5+s6], $0x1, s2, s6, $0xb8;
	[tilespmem:$0xC000] =	vst v63  }
0xd: {  	s8 =	simm.s32 $0x8000;
	s9 =	simm.s32 $0x1;
	s7 =	sadd.s32 $0x21E00, s12  }
0xe: {  	[tilespmem:s8], [sflag:$0x2] =	stream.indirect.gather [hbm4b:s7+s6], $0x1, s2, s6, $0xb8;
	[tilespmem:$0xC000] =	vst v63  }
0xf: {  	_ =	swait.ge [sflag:s9], $0x4000  }
0x10: {  	[sflag:s9] =	ssyncset.done $0x0  }
0x11: {  	s10 =	simm.s32 $0x2;
	s13 =	ssub.s32 $0x2, s13;
	[sflag:s9] =	ssyncadd.s32 $0xFFFFC000  }
0x12: {  	s15 =	sshrl.u32 s13, $0x1;
	_ =	swait.ge [sflag:s10], $0x4000  }
0x13: {  	s13 =	ssub.s32 s13, s15;
	[sflag:s10] =	ssyncset.done $0x0  }
0x14: {  	s11 =	sadd.s32 s11, s14;
	s13 =	smax.u32 s13, $0x1;
	[sflag:s10] =	ssyncadd.s32 $0xFFFFC000  }
0x15: {  	[hbm4b:s11+s2] =	stream.linear.scatter [tilespmem:s6], [sflag:$0x3], $0x4000, $0x38;
	[tilespmem:$0xC000] =	vst v63  }
0x16: {  	p0 =	sne.s32 s13, $0x1;
	_ =	swait.ge [sflag:s3], $0x4000  }
.Ltmp0:
0x17: {  	s12 =	sadd.s32 s14, s12;
	[sflag:s3] =	ssyncset.done $0x0;
	(pc) =	sbr.rel @!p0 .LBB2_2-.Ltmp0, $4  }
0x18: {  	s12 =	sadd.s32 $0x41E00, s12;
	[sflag:s3] =	ssyncadd.s32 $0xFFFFC000  }
0x19: {  	[hbm4b:s12+s2] =	stream.linear.scatter [tilespmem:s8], [sflag:$0x3], $0x4000, $0x38;
	[tilespmem:$0xC000] =	vst v63  }
0x1a: {  	_ =	swait.ge [sflag:s3], $0x4000  }
0x1b: {  	s13 =	sadd.s32 $0xFFFFFFFF, s13;
	[sflag:s3] =	ssyncset.done $0x0  }
.LBB2_1:
0x1c: {  	p0 =	sne.s32 s13, $0x1;
	s13 =	sadd.s32 $0xFFFFFFFF, s13;
	[sflag:s3] =	ssyncadd.s32 $0xFFFFC000  }
0x1d: {  	[tilespmem:s2], [sflag:$0x3] =	stream.linear.gather [hbm4b:s4+s2], $0x4000, $0x38;
	[tilespmem:$0xC000] =	vst v63  }
0x1e: {  	_ =	swait.ge [sflag:s3], $0x4000  }
0x1f: {  	[sflag:s3] =	ssyncset.done $0x0  }
0x20: {  	[sflag:s3] =	ssyncadd.s32 $0xFFFFC000  }
0x21: {  	[tilespmem:s6], [sflag:$0x1] =	stream.indirect.gather [hbm4b:s5+s6], $0x1, s2, s6, $0xb8;
	[tilespmem:$0xC000] =	vst v63  }
0x22: {  	_ = 	snop  }
0x23: {  	[tilespmem:s8], [sflag:$0x2] =	stream.indirect.gather [hbm4b:s7+s6], $0x1, s2, s6, $0xb8;
	[tilespmem:$0xC000] =	vst v63  }
0x24: {  	_ =	swait.ge [sflag:s9], $0x4000  }
0x25: {  	[sflag:s9] =	ssyncset.done $0x0  }
0x26: {  	[sflag:s9] =	ssyncadd.s32 $0xFFFFC000  }
0x27: {  	_ =	swait.ge [sflag:s10], $0x4000  }
0x28: {  	[sflag:s10] =	ssyncset.done $0x0  }
0x29: {  	[sflag:s10] =	ssyncadd.s32 $0xFFFFC000  }
0x2a: {  	[hbm4b:s11+s2] =	stream.linear.scatter [tilespmem:s6], [sflag:$0x3], $0x4000, $0x38;
	[tilespmem:$0xC000] =	vst v63  }
0x2b: {  	_ =	swait.ge [sflag:s3], $0x4000  }
.Ltmp1:
0x2c: {  	[sflag:s3] =	ssyncset.done $0x0;
	(pc) =	sbr.rel @p0 .LBB2_1-.Ltmp1, $4  }
0x2d: {  	[sflag:s3] =	ssyncadd.s32 $0xFFFFC000  }
0x2e: {  	[hbm4b:s12+s2] =	stream.linear.scatter [tilespmem:s8], [sflag:$0x3], $0x4000, $0x38;
	[tilespmem:$0xC000] =	vst v63  }
0x2f: {  	_ =	swait.ge [sflag:s3], $0x4000  }
0x30: {  	[sflag:s3] =	ssyncset.done $0x0  }
.LBB2_2:
0x31: {  	[sflag:s3] =	ssyncadd.s32 $0xFFFFC000  }
0x32: {  	_ =	sfence.sel $0x180000  }
0x33: {  	[bflag:$0x0] =	sbarrier.arrive $0xFFFF  }
0x34: {  	p0 =	sne.s32 s1, $0x0;
	_ =	strace $0x90000047  }
0x35: {  	s0 =	sadd.s32 @!p0 $0x100000, s0;
	[bflag:$0x2] =	sbarrier.arrive $0xFFFF  }
0x36: {  	[sflag:s0] =	ssyncadd.tile.s32 @!p0 $0x1;
	_ =	shalt  }
.Lfunc_end2:
_tile_overlayer_lowered:
.L_overlay_start_2:
0x37: {  	(tag) =	ssettag $0x2  }
0x38: {  	s0 =	rddreg [dreg:$0x0];
	s2 =	stileid.u32  }
0x39: {  	s1 =	rddreg [dreg:$0x1];
	p0 =	sne.s32 s2, $0x0  }
0x3a: {  	s3 =	rddreg [dreg:$0x2];
	[bflag:$0x3] =	sbarrier.arrive $0xFFFF;
	s2 =	simm.s32 @!p0 $0x1C03  }
0x3b: {  	[timem:s3], [sflag:s2] =	dma.local @!p0 [hbm:s0], s1  }
0x3c: {  	s0 =	simm.s32 @!p0 $0x3  }
0x3d: {  	_ =	swait.ge @!p0 [sflag:s0], s1  }
0x3e: {  	s1 =	ssub.s32 @!p0 $0x0, s1;
	[sflag:s0] =	ssyncset.done @!p0 $0x0  }
0x3f: {  	[sflag:s0] =	ssyncadd.s32 @!p0 s1  }
0x40: {  	[bflag:$0x3] =	sbarrier.arrive $0xFFFF  }
0x41: {  	_ =	shalt  }

</sc_bundles>
